<compile_context>
chip_gen: v7x
topology: tpu7x:2x2x1
jax: 0.10.2.dev20260603
libtpu: 0.0.44.dev20260713+nightly
codegen_flags: <defaults>
</compile_context>

<pallas_src>
import jax
import jax.numpy as jnp
from jax import lax
from jax.experimental import pallas as pl
from jax.experimental.pallas import tpu as pltpu
from jax.experimental.pallas import tpu_sc as plsc

N_NODES = 10000
N_EDGES = 320000
D = 128

NC, NS, LANES = 2, 16, 16
NW = NC * NS
NPAD = 10240
ROWS_PER_TILE = NPAD // NS
CH = 128
K = 80
EPW = K * CH
EPAD = NW * EPW
DH = D // NC
KA = EPAD // (NS * CH)
CHG = 512
KG = EPAD // (NS * CHG)
KGQ = KG
CHS = 512
KS = EPAD // (NS * CHS)
BM = 512

_MESH = plsc.VectorSubcoreMesh(
    core_axis_name="c", subcore_axis_name="s", num_cores=NC, num_subcores=NS
)


def _deg_body(dst_hbm, out_hbm, dst_loc, deg_loc, red_v, sum_v, part_sh):
    c = lax.axis_index("c")
    s = lax.axis_index("s")
    w = s * NC + c

    zero16 = jnp.zeros((LANES,), jnp.float32)

    def zbody(i, carry):
        deg_loc[pl.ds(i * LANES, LANES)] = zero16
        return carry

    lax.fori_loop(0, NPAD // LANES, zbody, 0)

    pltpu.sync_copy(dst_hbm.at[w], dst_loc)

    ones16 = jnp.ones((LANES,), jnp.float32)

    def hbody(k, carry):
        idx = dst_loc[pl.ds(k * LANES, LANES)]
        plsc.addupdate_scatter(deg_loc, [idx], ones16)
        return carry

    lax.fori_loop(0, EPW // LANES, hbody, 0)

    pltpu.sync_copy(deg_loc, part_sh.at[s])
    plsc.subcore_barrier()

    pltpu.sync_copy(part_sh.at[:, pl.ds(s * ROWS_PER_TILE, ROWS_PER_TILE)], red_v)

    def rbody(j, carry):
        acc = jnp.zeros((LANES,), jnp.float32)
        for r in range(NS):
            acc = acc + red_v[r, pl.ds(j * LANES, LANES)]
        sum_v[pl.ds(j * LANES, LANES)] = acc
        return carry

    lax.fori_loop(0, ROWS_PER_TILE // LANES, rbody, 0)

    pltpu.sync_copy(sum_v, out_hbm.at[c, pl.ds(s * ROWS_PER_TILE, ROWS_PER_TILE)])


_deg_call = pl.kernel(
    _deg_body,
    out_type=jax.ShapeDtypeStruct((NC, NPAD), jnp.float32),
    mesh=_MESH,
    scratch_types=[
        pltpu.VMEM((EPW,), jnp.int32),
        pltpu.VMEM((NPAD,), jnp.float32),
        pltpu.VMEM((NS, ROWS_PER_TILE), jnp.float32),
        pltpu.VMEM((ROWS_PER_TILE,), jnp.float32),
        pltpu.VMEM_SHARED((NS, NPAD), jnp.float32),
    ],
    compiler_params=pltpu.CompilerParams(needs_layout_passes=False),
)


def _agg_body(h_hbm, src_hbm, dst_hbm, out_hbm, idx_src, idx_dst, rows, gsem, h_sh, acc_sh):
    c = lax.axis_index("c")
    s = lax.axis_index("s")
    hc = h_hbm.at[c]

    r0 = s * ROWS_PER_TILE
    pltpu.sync_copy(src_hbm.at[s], idx_src)
    pltpu.sync_copy(dst_hbm.at[s], idx_dst)
    spans = [(0, CHG), (CHG, ROWS_PER_TILE - CHG)]
    for i, (off, ln) in enumerate(spans):
        pltpu.async_copy(
            hc.at[pl.ds(r0 + off, ln)], rows.at[i % 2, pl.ds(0, ln)], gsem
        )
        if i > 0:
            po, pn = spans[i - 1]
            pb = rows.at[(i - 1) % 2, pl.ds(0, pn)]
            pltpu.make_async_copy(hc.at[pl.ds(r0 + po, pn)], pb, gsem).wait()
            pltpu.sync_copy(pb, h_sh.at[pl.ds(r0 + po, pn)])
            pltpu.sync_copy(pb, acc_sh.at[pl.ds(r0 + po, pn)])
    lo, ln = spans[-1]
    lb = rows.at[(len(spans) - 1) % 2, pl.ds(0, ln)]
    pltpu.make_async_copy(hc.at[pl.ds(r0 + lo, ln)], lb, gsem).wait()
    pltpu.sync_copy(lb, h_sh.at[pl.ds(r0 + lo, ln)])
    pltpu.sync_copy(lb, acc_sh.at[pl.ds(r0 + lo, ln)])
    plsc.subcore_barrier()

    for b in range(2):
        pltpu.async_copy(h_sh.at[idx_src.at[b]], rows.at[b], gsem)

    def gbody(g, carry):
        for b in range(2):
            kg = 2 * g + b
            pltpu.make_async_copy(h_sh.at[idx_src.at[kg]], rows.at[b], gsem).wait()
            for half in range(CHG // CHS):
                k = (CHG // CHS) * kg + half
                pltpu.sync_copy(
                    rows.at[b, pl.ds(half * CHS, CHS)],
                    acc_sh.at[idx_dst.at[k]],
                    add=True,
                )

            @pl.when(g < KGQ // 2 - 1)
            def _():
                pltpu.async_copy(h_sh.at[idx_src.at[kg + 2]], rows.at[b], gsem)

        return carry

    lax.fori_loop(0, KGQ // 2, gbody, 0)

    plsc.subcore_barrier()

    def owait(i):
        off, ln = spans[i]
        pltpu.make_async_copy(
            rows.at[i % 2, pl.ds(0, ln)], out_hbm.at[c, pl.ds(r0 + off, ln)], gsem
        ).wait()

    for i, (off, ln) in enumerate(spans):
        if i >= 2:
            owait(i - 2)
        bb = rows.at[i % 2, pl.ds(0, ln)]
        pltpu.sync_copy(acc_sh.at[pl.ds(r0 + off, ln)], bb)
        pltpu.async_copy(bb, out_hbm.at[c, pl.ds(r0 + off, ln)], gsem)
    owait(len(spans) - 2)
    owait(len(spans) - 1)


_agg_call = pl.kernel(
    _agg_body,
    out_type=jax.ShapeDtypeStruct((NC, NPAD, DH), jnp.bfloat16),
    mesh=_MESH,
    scratch_types=[
        pltpu.VMEM((KGQ, CHG), jnp.int32),
        pltpu.VMEM((KS, CHS), jnp.int32),
        pltpu.VMEM((2, CHG, DH), jnp.bfloat16),
        pltpu.SemaphoreType.DMA,
        pltpu.VMEM_SHARED((NPAD, DH), jnp.bfloat16),
        pltpu.VMEM_SHARED((NPAD, DH), jnp.bfloat16),
    ],
    compiler_params=pltpu.CompilerParams(use_tc_tiling_on_sc=False),
)


def _dinv(dp_ref):
    deg = dp_ref[0] + dp_ref[1] + 1.0
    return lax.rsqrt(jnp.maximum(deg, 1e-12))


def _mm1_body(dp_ref, x_ref, w_ref, o_ref):
    dinv = _dinv(dp_ref)
    h = jnp.dot(x_ref[...], w_ref[...], preferred_element_type=jnp.float32)
    h = (h * dinv).astype(jnp.bfloat16)
    o_ref[0] = h[:, :DH]
    o_ref[1] = h[:, DH:]


def _mid_body(dp_ref, p_ref, b1_ref, w2_ref, o_ref):
    dinv = _dinv(dp_ref)
    agg = jnp.concatenate([p_ref[0], p_ref[1]], axis=1).astype(jnp.float32)
    t = jnp.maximum(agg * dinv + b1_ref[...], 0.0)
    h2 = jnp.dot(t, w2_ref[...], preferred_element_type=jnp.float32)
    h2 = (h2 * dinv).astype(jnp.bfloat16)
    o_ref[0] = h2[:, :DH]
    o_ref[1] = h2[:, DH:]


def _fin_body(dp_ref, q_ref, b2_ref, o_ref):
    dinv = _dinv(dp_ref)
    agg = jnp.concatenate([q_ref[0], q_ref[1]], axis=1).astype(jnp.float32)
    o_ref[...] = agg * dinv + b2_ref[...]


_G = NPAD // BM

_mm1_call = pl.pallas_call(
    _mm1_body,
    grid=(_G,),
    in_specs=[
        pl.BlockSpec((NC, BM, 1), lambda i: (0, i, 0)),
        pl.BlockSpec((BM, D), lambda i: (i, 0)),
        pl.BlockSpec((D, D), lambda i: (0, 0)),
    ],
    out_specs=pl.BlockSpec((NC, BM, DH), lambda i: (0, i, 0)),
    out_shape=jax.ShapeDtypeStruct((NC, NPAD, DH), jnp.bfloat16),
)

_mid_call = pl.pallas_call(
    _mid_body,
    grid=(_G,),
    in_specs=[
        pl.BlockSpec((NC, BM, 1), lambda i: (0, i, 0)),
        pl.BlockSpec((NC, BM, DH), lambda i: (0, i, 0)),
        pl.BlockSpec((1, D), lambda i: (0, 0)),
        pl.BlockSpec((D, D), lambda i: (0, 0)),
    ],
    out_specs=pl.BlockSpec((NC, BM, DH), lambda i: (0, i, 0)),
    out_shape=jax.ShapeDtypeStruct((NC, NPAD, DH), jnp.bfloat16),
)

_fin_call = pl.pallas_call(
    _fin_body,
    grid=(_G,),
    in_specs=[
        pl.BlockSpec((NC, BM, 1), lambda i: (0, i, 0)),
        pl.BlockSpec((NC, BM, DH), lambda i: (0, i, 0)),
        pl.BlockSpec((1, D), lambda i: (0, 0)),
    ],
    out_specs=pl.BlockSpec((BM, D), lambda i: (i, 0)),
    out_shape=jax.ShapeDtypeStruct((NPAD, D), jnp.float32),
)


def kernel(x, edge_index, W1, b1, W2, b2):
    src = edge_index[0].astype(jnp.int32)
    dst = edge_index[1].astype(jnp.int32)
    pad = jnp.full((EPAD - N_EDGES,), N_NODES, jnp.int32)
    src3 = jnp.concatenate([src, pad]).reshape(NS, KGQ, CHG)
    dst3 = jnp.concatenate([dst, pad]).reshape(NS, KS, CHS)
    dst2 = dst3.reshape(NW, EPW)
    xp = jnp.zeros((NPAD, D), jnp.float32).at[:N_NODES].set(x)

    deg_parts = _deg_call(dst2)
    dp3 = deg_parts.reshape(NC, NPAD, 1)
    h1 = _mm1_call(dp3, xp, W1)
    p = _agg_call(h1, src3, dst3)
    h2 = _mid_call(dp3, p, b1.reshape(1, D), W2)
    q = _agg_call(h2, src3, dst3)
    outp = _fin_call(dp3, q, b2.reshape(1, D))
    return outp[:N_NODES]

# --- scband reference (transcript-rebuilt; emitter-appended) ---
"""Pipeline reference for scband-gcn-5342939316732 (READ-ONLY COPY).

The authoritative reference and input builder live on the scoring server;
editing this copy changes nothing except your own understanding.
"""

import jax, jax.numpy as jnp
import numpy as np

N_NODES = 10000
N_EDGES = 320000
D_IN = 128
D_HID = 128
D_OUT = 128


def _gcn_conv(x, W, b, src, dst, n_nodes):
    # x @ W, add self-loops, symmetric deg^-1/2 normalization, scatter-add, bias
    h = x @ W
    loop = jnp.arange(n_nodes, dtype=src.dtype)
    src_f = jnp.concatenate([src, loop])
    dst_f = jnp.concatenate([dst, loop])
    deg = jnp.zeros((n_nodes,), dtype=h.dtype).at[dst_f].add(1.0)
    dinv = jax.lax.rsqrt(jnp.maximum(deg, 1e-12))
    norm = dinv[src_f] * dinv[dst_f]
    msg = h[src_f] * norm[:, None]
    out = jnp.zeros((n_nodes, h.shape[1]), dtype=h.dtype).at[dst_f].add(msg)
    return out + b


def setup_inputs(seed: int = 0) -> dict:
    key = jax.random.key(seed)
    k1, k2, k3, k4, k5 = jax.random.split(key, 5)
    x = jax.random.normal(k1, (N_NODES, D_IN), dtype=jnp.float32)
    edge_index = jax.random.randint(k2, (2, N_EDGES), 0, N_NODES, dtype=jnp.int64)
    W1 = jax.random.normal(k3, (D_IN, D_HID), dtype=jnp.float32) * 0.05
    b1 = jnp.zeros((D_HID,), dtype=jnp.float32)
    W2 = jax.random.normal(k4, (D_HID, D_OUT), dtype=jnp.float32) * 0.05
    b2 = jnp.zeros((D_OUT,), dtype=jnp.float32)
    return {"x": x, "edge_index": edge_index, "W1": W1, "b1": b1, "W2": W2, "b2": b2}


def reference(x, edge_index, W1, b1, W2, b2):
    # eval mode: dropout is identity
    src = edge_index[0]
    dst = edge_index[1]
    h = _gcn_conv(x, W1, b1, src, dst, N_NODES)
    h = jax.nn.relu(h)
    out = _gcn_conv(h, W2, b2, src, dst, N_NODES)
    return out

if __name__ == "__main__":
    import jax
    _d = setup_inputs()
    print(jax.jit(kernel)(*tuple(_d.values())))

</pallas_src>

<mosaic_0001>
#map = affine_map<(d0, d1) -> (0, 0, 0)>
module attributes {stable_mosaic.version = 14 : i64} {
  func.func @_agg_body(%arg0: i32, %arg1: i32, %arg2: memref<2x10240x64xbf16, #tpu.memory_space<hbm>>, %arg3: memref<16x40x512xi32, #tpu.memory_space<hbm>>, %arg4: memref<16x40x512xi32, #tpu.memory_space<hbm>>, %arg5: memref<2x10240x64xbf16, #tpu.memory_space<hbm>>, %arg6: memref<40x512xi32, #tpu.memory_space<vmem>>, %arg7: memref<40x512xi32, #tpu.memory_space<vmem>>, %arg8: memref<2x512x64xbf16, #tpu.memory_space<vmem>>, %arg9: memref<!tpu.dma_semaphore, #tpu.memory_space<semaphore_mem>>, %arg10: memref<10240x64xbf16, #tpu.memory_space<vmem_shared>>, %arg11: memref<10240x64xbf16, #tpu.memory_space<vmem_shared>>) attributes {dimension_semantics = [#tpu.dimension_semantics<core_parallel>, #tpu.dimension_semantics<subcore_parallel>], iteration_bounds = array<i64: 2, 16>, scalar_prefetch = 0 : i64, scratch_operands = 6 : i64, tpu.core_type = #tpu.core_type<sc_vector_subcore>, window_params = [{transform_indices = #map}, {transform_indices = #map}, {transform_indices = #map}, {transform_indices = #map}]} {
    %mul3A = arith.constant 640 : i32
    %mul3A_0 = arith.muli %arg1, %mul3A : i32
    "tpu.region"() ({
      %run_scoped3A_205 = tpu.sem_alloc : memref<!tpu.dma_semaphore, #tpu.memory_space<semaphore_mem>>
      %dma_start3A_206 = arith.constant 0 : i32
      %dma_start3A_207 = arith.constant 0 : i32
      %dma_start3A_208 = tpu.memref_slice %arg3[%arg1, %dma_start3A_206, %dma_start3A_207] : memref<16x40x512xi32, #tpu.memory_space<hbm>> -> memref<1x40x512xi32, #tpu.memory_space<hbm>>
      %dma_start3A_209 = tpu.memref_squeeze %dma_start3A_208 : memref<1x40x512xi32, #tpu.memory_space<hbm>> -> memref<40x512xi32, #tpu.memory_space<hbm>>
      %dma_start3A_210 = arith.constant 0 : i32
      %dma_start3A_211 = arith.constant 0 : i32
      %dma_start3A_212 = tpu.memref_slice %arg3[%arg1, %dma_start3A_210, %dma_start3A_211] : memref<16x40x512xi32, #tpu.memory_space<hbm>> -> memref<1x40x512xi32, #tpu.memory_space<hbm>>
      %dma_start3A_213 = tpu.memref_squeeze %dma_start3A_212 : memref<1x40x512xi32, #tpu.memory_space<hbm>> -> memref<40x512xi32, #tpu.memory_space<hbm>>
      tpu.enqueue_dma source(%dma_start3A_213 : memref<40x512xi32, #tpu.memory_space<hbm>>) target(%arg6 : memref<40x512xi32, #tpu.memory_space<vmem>>) target_semaphore(%run_scoped3A_205 : memref<!tpu.dma_semaphore, #tpu.memory_space<semaphore_mem>>)
      %dma_wait3A_214 = arith.constant 0 : i32
      %dma_wait3A_215 = arith.constant 0 : i32
      %dma_wait3A_216 = tpu.memref_slice %arg3[%arg1, %dma_wait3A_214, %dma_wait3A_215] : memref<16x40x512xi32, #tpu.memory_space<hbm>> -> memref<1x40x512xi32, #tpu.memory_space<hbm>>
      %dma_wait3A_217 = tpu.memref_squeeze %dma_wait3A_216 : memref<1x40x512xi32, #tpu.memory_space<hbm>> -> memref<40x512xi32, #tpu.memory_space<hbm>>
      %dma_wait3A_218 = arith.constant 0 : i32
      %dma_wait3A_219 = arith.constant 0 : i32
      %dma_wait3A_220 = tpu.memref_slice %arg3[%arg1, %dma_wait3A_218, %dma_wait3A_219] : memref<16x40x512xi32, #tpu.memory_space<hbm>> -> memref<1x40x512xi32, #tpu.memory_space<hbm>>
      %dma_wait3A_221 = tpu.memref_squeeze %dma_wait3A_220 : memref<1x40x512xi32, #tpu.memory_space<hbm>> -> memref<40x512xi32, #tpu.memory_space<hbm>>
      tpu.wait_dma2 semaphore(%run_scoped3A_205 : memref<!tpu.dma_semaphore, #tpu.memory_space<semaphore_mem>>) src(%dma_wait3A_221 : memref<40x512xi32, #tpu.memory_space<hbm>>) dst(%arg6 : memref<40x512xi32, #tpu.memory_space<vmem>>)
      tpu.yield
    }) : () -> ()
    "tpu.region"() ({
      %run_scoped3A_205 = tpu.sem_alloc : memref<!tpu.dma_semaphore, #tpu.memory_space<semaphore_mem>>
      %dma_start3A_206 = arith.constant 0 : i32
      %dma_start3A_207 = arith.constant 0 : i32
      %dma_start3A_208 = tpu.memref_slice %arg4[%arg1, %dma_start3A_206, %dma_start3A_207] : memref<16x40x512xi32, #tpu.memory_space<hbm>> -> memref<1x40x512xi32, #tpu.memory_space<hbm>>
      %dma_start3A_209 = tpu.memref_squeeze %dma_start3A_208 : memref<1x40x512xi32, #tpu.memory_space<hbm>> -> memref<40x512xi32, #tpu.memory_space<hbm>>
      %dma_start3A_210 = arith.constant 0 : i32
      %dma_start3A_211 = arith.constant 0 : i32
      %dma_start3A_212 = tpu.memref_slice %arg4[%arg1, %dma_start3A_210, %dma_start3A_211] : memref<16x40x512xi32, #tpu.memory_space<hbm>> -> memref<1x40x512xi32, #tpu.memory_space<hbm>>
      %dma_start3A_213 = tpu.memref_squeeze %dma_start3A_212 : memref<1x40x512xi32, #tpu.memory_space<hbm>> -> memref<40x512xi32, #tpu.memory_space<hbm>>
      tpu.enqueue_dma source(%dma_start3A_213 : memref<40x512xi32, #tpu.memory_space<hbm>>) target(%arg7 : memref<40x512xi32, #tpu.memory_space<vmem>>) target_semaphore(%run_scoped3A_205 : memref<!tpu.dma_semaphore, #tpu.memory_space<semaphore_mem>>)
      %dma_wait3A_214 = arith.constant 0 : i32
      %dma_wait3A_215 = arith.constant 0 : i32
      %dma_wait3A_216 = tpu.memref_slice %arg4[%arg1, %dma_wait3A_214, %dma_wait3A_215] : memref<16x40x512xi32, #tpu.memory_space<hbm>> -> memref<1x40x512xi32, #tpu.memory_space<hbm>>
      %dma_wait3A_217 = tpu.memref_squeeze %dma_wait3A_216 : memref<1x40x512xi32, #tpu.memory_space<hbm>> -> memref<40x512xi32, #tpu.memory_space<hbm>>
      %dma_wait3A_218 = arith.constant 0 : i32
      %dma_wait3A_219 = arith.constant 0 : i32
      %dma_wait3A_220 = tpu.memref_slice %arg4[%arg1, %dma_wait3A_218, %dma_wait3A_219] : memref<16x40x512xi32, #tpu.memory_space<hbm>> -> memref<1x40x512xi32, #tpu.memory_space<hbm>>
      %dma_wait3A_221 = tpu.memref_squeeze %dma_wait3A_220 : memref<1x40x512xi32, #tpu.memory_space<hbm>> -> memref<40x512xi32, #tpu.memory_space<hbm>>
      tpu.wait_dma2 semaphore(%run_scoped3A_205 : memref<!tpu.dma_semaphore, #tpu.memory_space<semaphore_mem>>) src(%dma_wait3A_221 : memref<40x512xi32, #tpu.memory_space<hbm>>) dst(%arg7 : memref<40x512xi32, #tpu.memory_space<vmem>>)
      tpu.yield
    }) : () -> ()
    %add3A = arith.constant 0 : i32
    %add3A_1 = arith.addi %mul3A_0, %add3A : i32
    %dma_start3A = arith.constant 0 : i32
    %dma_start3A_2 = arith.constant 0 : i32
    %dma_start3A_3 = arith.constant 0 : i32
    %dma_start3A_4 = tpu.memref_slice %arg8[%dma_start3A, %dma_start3A_2, %dma_start3A_3] : memref<2x512x64xbf16, #tpu.memory_space<vmem>> -> memref<1x512x64xbf16, #tpu.memory_space<vmem>>
    %dma_start3A_5 = tpu.memref_squeeze %dma_start3A_4 : memref<1x512x64xbf16, #tpu.memory_space<vmem>> -> memref<512x64xbf16, #tpu.memory_space<vmem>>
    %dma_start3A_6 = arith.constant 0 : i32
    %dma_start3A_7 = arith.constant 0 : i32
    %dma_start3A_8 = tpu.memref_slice %arg2[%arg0, %dma_start3A_6, %dma_start3A_7] : memref<2x10240x64xbf16, #tpu.memory_space<hbm>> -> memref<1x10240x64xbf16, #tpu.memory_space<hbm>>
    %dma_start3A_9 = tpu.memref_squeeze %dma_start3A_8 : memref<1x10240x64xbf16, #tpu.memory_space<hbm>> -> memref<10240x64xbf16, #tpu.memory_space<hbm>>
    %dma_start3A_10 = arith.constant 0 : i32
    %dma_start3A_11 = tpu.memref_slice %dma_start3A_9[%add3A_1, %dma_start3A_10] : memref<10240x64xbf16, #tpu.memory_space<hbm>> -> memref<512x64xbf16, #tpu.memory_space<hbm>>
    %dma_start3A_12 = arith.constant 0 : i32
    %dma_start3A_13 = arith.constant 0 : i32
    %dma_start3A_14 = tpu.memref_slice %arg8[%dma_start3A, %dma_start3A_12, %dma_start3A_13] : memref<2x512x64xbf16, #tpu.memory_space<vmem>> -> memref<1x512x64xbf16, #tpu.memory_space<vmem>>
    %dma_start3A_15 = tpu.memref_squeeze %dma_start3A_14 : memref<1x512x64xbf16, #tpu.memory_space<vmem>> -> memref<512x64xbf16, #tpu.memory_space<vmem>>
    %dma_start3A_16 = arith.constant 0 : i32
    %dma_start3A_17 = arith.constant 0 : i32
    %dma_start3A_18 = tpu.memref_slice %arg2[%arg0, %dma_start3A_16, %dma_start3A_17] : memref<2x10240x64xbf16, #tpu.memory_space<hbm>> -> memref<1x10240x64xbf16, #tpu.memory_space<hbm>>
    %dma_start3A_19 = tpu.memref_squeeze %dma_start3A_18 : memref<1x10240x64xbf16, #tpu.memory_space<hbm>> -> memref<10240x64xbf16, #tpu.memory_space<hbm>>
    %dma_start3A_20 = arith.constant 0 : i32
    %dma_start3A_21 = tpu.memref_slice %dma_start3A_19[%add3A_1, %dma_start3A_20] : memref<10240x64xbf16, #tpu.memory_space<hbm>> -> memref<512x64xbf16, #tpu.memory_space<hbm>>
    tpu.enqueue_dma source(%dma_start3A_21 : memref<512x64xbf16, #tpu.memory_space<hbm>>) target(%dma_start3A_15 : memref<512x64xbf16, #tpu.memory_space<vmem>>) target_semaphore(%arg9 : memref<!tpu.dma_semaphore, #tpu.memory_space<semaphore_mem>>)
    %add3A_22 = arith.constant 512 : i32
    %add3A_23 = arith.addi %mul3A_0, %add3A_22 : i32
    %dma_start3A_24 = arith.constant 1 : i32
    %dma_start3A_25 = arith.constant 0 : i32
    %dma_start3A_26 = arith.constant 0 : i32
    %dma_start3A_27 = tpu.memref_slice %arg8[%dma_start3A_24, %dma_start3A_25, %dma_start3A_26] : memref<2x512x64xbf16, #tpu.memory_space<vmem>> -> memref<1x128x64xbf16, #tpu.memory_space<vmem>>
    %dma_start3A_28 = tpu.memref_squeeze %dma_start3A_27 : memref<1x128x64xbf16, #tpu.memory_space<vmem>> -> memref<128x64xbf16, #tpu.memory_space<vmem>>
    %dma_start3A_29 = arith.constant 0 : i32
    %dma_start3A_30 = arith.constant 0 : i32
    %dma_start3A_31 = tpu.memref_slice %arg2[%arg0, %dma_start3A_29, %dma_start3A_30] : memref<2x10240x64xbf16, #tpu.memory_space<hbm>> -> memref<1x10240x64xbf16, #tpu.memory_space<hbm>>
    %dma_start3A_32 = tpu.memref_squeeze %dma_start3A_31 : memref<1x10240x64xbf16, #tpu.memory_space<hbm>> -> memref<10240x64xbf16, #tpu.memory_space<hbm>>
    %dma_start3A_33 = arith.constant 0 : i32
    %dma_start3A_34 = tpu.memref_slice %dma_start3A_32[%add3A_23, %dma_start3A_33] : memref<10240x64xbf16, #tpu.memory_space<hbm>> -> memref<128x64xbf16, #tpu.memory_space<hbm>>
    %dma_start3A_35 = arith.constant 0 : i32
    %dma_start3A_36 = arith.constant 0 : i32
    %dma_start3A_37 = tpu.memref_slice %arg8[%dma_start3A_24, %dma_start3A_35, %dma_start3A_36] : memref<2x512x64xbf16, #tpu.memory_space<vmem>> -> memref<1x128x64xbf16, #tpu.memory_space<vmem>>
    %dma_start3A_38 = tpu.memref_squeeze %dma_start3A_37 : memref<1x128x64xbf16, #tpu.memory_space<vmem>> -> memref<128x64xbf16, #tpu.memory_space<vmem>>
    %dma_start3A_39 = arith.constant 0 : i32
    %dma_start3A_40 = arith.constant 0 : i32
    %dma_start3A_41 = tpu.memref_slice %arg2[%arg0, %dma_start3A_39, %dma_start3A_40] : memref<2x10240x64xbf16, #tpu.memory_space<hbm>> -> memref<1x10240x64xbf16, #tpu.memory_space<hbm>>
    %dma_start3A_42 = tpu.memref_squeeze %dma_start3A_41 : memref<1x10240x64xbf16, #tpu.memory_space<hbm>> -> memref<10240x64xbf16, #tpu.memory_space<hbm>>
    %dma_start3A_43 = arith.constant 0 : i32
    %dma_start3A_44 = tpu.memref_slice %dma_start3A_42[%add3A_23, %dma_start3A_43] : memref<10240x64xbf16, #tpu.memory_space<hbm>> -> memref<128x64xbf16, #tpu.memory_space<hbm>>
    tpu.enqueue_dma source(%dma_start3A_44 : memref<128x64xbf16, #tpu.memory_space<hbm>>) target(%dma_start3A_38 : memref<128x64xbf16, #tpu.memory_space<vmem>>) target_semaphore(%arg9 : memref<!tpu.dma_semaphore, #tpu.memory_space<semaphore_mem>>)
    %add3A_45 = arith.constant 0 : i32
    %add3A_46 = arith.addi %mul3A_0, %add3A_45 : i32
    %dma_wait3A = arith.constant 0 : i32
    %dma_wait3A_47 = arith.constant 0 : i32
    %dma_wait3A_48 = arith.constant 0 : i32
    %dma_wait3A_49 = tpu.memref_slice %arg8[%dma_wait3A, %dma_wait3A_47, %dma_wait3A_48] : memref<2x512x64xbf16, #tpu.memory_space<vmem>> -> memref<1x512x64xbf16, #tpu.memory_space<vmem>>
    %dma_wait3A_50 = tpu.memref_squeeze %dma_wait3A_49 : memref<1x512x64xbf16, #tpu.memory_space<vmem>> -> memref<512x64xbf16, #tpu.memory_space<vmem>>
    %dma_wait3A_51 = arith.constant 0 : i32
    %dma_wait3A_52 = arith.constant 0 : i32
    %dma_wait3A_53 = tpu.memref_slice %arg2[%arg0, %dma_wait3A_51, %dma_wait3A_52] : memref<2x10240x64xbf16, #tpu.memory_space<hbm>> -> memref<1x10240x64xbf16, #tpu.memory_space<hbm>>
    %dma_wait3A_54 = tpu.memref_squeeze %dma_wait3A_53 : memref<1x10240x64xbf16, #tpu.memory_space<hbm>> -> memref<10240x64xbf16, #tpu.memory_space<hbm>>
    %dma_wait3A_55 = arith.constant 0 : i32
    %dma_wait3A_56 = tpu.memref_slice %dma_wait3A_54[%add3A_46, %dma_wait3A_55] : memref<10240x64xbf16, #tpu.memory_space<hbm>> -> memref<512x64xbf16, #tpu.memory_space<hbm>>
    %dma_wait3A_57 = arith.constant 0 : i32
    %dma_wait3A_58 = arith.constant 0 : i32
    %dma_wait3A_59 = tpu.memref_slice %arg8[%dma_wait3A, %dma_wait3A_57, %dma_wait3A_58] : memref<2x512x64xbf16, #tpu.memory_space<vmem>> -> memref<1x512x64xbf16, #tpu.memory_space<vmem>>
    %dma_wait3A_60 = tpu.memref_squeeze %dma_wait3A_59 : memref<1x512x64xbf16, #tpu.memory_space<vmem>> -> memref<512x64xbf16, #tpu.memory_space<vmem>>
    %dma_wait3A_61 = arith.constant 0 : i32
    %dma_wait3A_62 = arith.constant 0 : i32
    %dma_wait3A_63 = tpu.memref_slice %arg2[%arg0, %dma_wait3A_61, %dma_wait3A_62] : memref<2x10240x64xbf16, #tpu.memory_space<hbm>> -> memref<1x10240x64xbf16, #tpu.memory_space<hbm>>
    %dma_wait3A_64 = tpu.memref_squeeze %dma_wait3A_63 : memref<1x10240x64xbf16, #tpu.memory_space<hbm>> -> memref<10240x64xbf16, #tpu.memory_space<hbm>>
    %dma_wait3A_65 = arith.constant 0 : i32
    %dma_wait3A_66 = tpu.memref_slice %dma_wait3A_64[%add3A_46, %dma_wait3A_65] : memref<10240x64xbf16, #tpu.memory_space<hbm>> -> memref<512x64xbf16, #tpu.memory_space<hbm>>
    tpu.wait_dma2 semaphore(%arg9 : memref<!tpu.dma_semaphore, #tpu.memory_space<semaphore_mem>>) src(%dma_wait3A_66 : memref<512x64xbf16, #tpu.memory_space<hbm>>) dst(%dma_wait3A_60 : memref<512x64xbf16, #tpu.memory_space<vmem>>)
    %add3A_67 = arith.constant 0 : i32
    %add3A_68 = arith.addi %mul3A_0, %add3A_67 : i32
    %run_scoped3A = arith.constant 0 : i32
    "tpu.region"() ({
      %run_scoped3A_205 = tpu.sem_alloc : memref<!tpu.dma_semaphore, #tpu.memory_space<semaphore_mem>>
      %dma_start3A_206 = arith.constant 0 : i32
      %dma_start3A_207 = arith.constant 0 : i32
      %dma_start3A_208 = tpu.memref_slice %arg8[%run_scoped3A, %dma_start3A_206, %dma_start3A_207] : memref<2x512x64xbf16, #tpu.memory_space<vmem>> -> memref<1x512x64xbf16, #tpu.memory_space<vmem>>
      %dma_start3A_209 = tpu.memref_squeeze %dma_start3A_208 : memref<1x512x64xbf16, #tpu.memory_space<vmem>> -> memref<512x64xbf16, #tpu.memory_space<vmem>>
      %dma_start3A_210 = arith.constant 0 : i32
      %dma_start3A_211 = tpu.memref_slice %arg10[%add3A_68, %dma_start3A_210] : memref<10240x64xbf16, #tpu.memory_space<vmem_shared>> -> memref<512x64xbf16, #tpu.memory_space<vmem_shared>>
      %dma_start3A_212 = arith.constant 0 : i32
      %dma_start3A_213 = tpu.memref_slice %arg10[%add3A_68, %dma_start3A_212] : memref<10240x64xbf16, #tpu.memory_space<vmem_shared>> -> memref<512x64xbf16, #tpu.memory_space<vmem_shared>>
      %dma_start3A_214 = arith.constant 0 : i32
      %dma_start3A_215 = arith.constant 0 : i32
      %dma_start3A_216 = tpu.memref_slice %arg8[%run_scoped3A, %dma_start3A_214, %dma_start3A_215] : memref<2x512x64xbf16, #tpu.memory_space<vmem>> -> memref<1x512x64xbf16, #tpu.memory_space<vmem>>
      %dma_start3A_217 = tpu.memref_squeeze %dma_start3A_216 : memref<1x512x64xbf16, #tpu.memory_space<vmem>> -> memref<512x64xbf16, #tpu.memory_space<vmem>>
      tpu.enqueue_dma source(%dma_start3A_217 : memref<512x64xbf16, #tpu.memory_space<vmem>>) target(%dma_start3A_213 : memref<512x64xbf16, #tpu.memory_space<vmem_shared>>) target_semaphore(%run_scoped3A_205 : memref<!tpu.dma_semaphore, #tpu.memory_space<semaphore_mem>>)
      %dma_wait3A_218 = arith.constant 0 : i32
      %dma_wait3A_219 = arith.constant 0 : i32
      %dma_wait3A_220 = tpu.memref_slice %arg8[%run_scoped3A, %dma_wait3A_218, %dma_wait3A_219] : memref<2x512x64xbf16, #tpu.memory_space<vmem>> -> memref<1x512x64xbf16, #tpu.memory_space<vmem>>
      %dma_wait3A_221 = tpu.memref_squeeze %dma_wait3A_220 : memref<1x512x64xbf16, #tpu.memory_space<vmem>> -> memref<512x64xbf16, #tpu.memory_space<vmem>>
      %dma_wait3A_222 = arith.constant 0 : i32
      %dma_wait3A_223 = tpu.memref_slice %arg10[%add3A_68, %dma_wait3A_222] : memref<10240x64xbf16, #tpu.memory_space<vmem_shared>> -> memref<512x64xbf16, #tpu.memory_space<vmem_shared>>
      %dma_wait3A_224 = arith.constant 0 : i32
      %dma_wait3A_225 = tpu.memref_slice %arg10[%add3A_68, %dma_wait3A_224] : memref<10240x64xbf16, #tpu.memory_space<vmem_shared>> -> memref<512x64xbf16, #tpu.memory_space<vmem_shared>>
      %dma_wait3A_226 = arith.constant 0 : i32
      %dma_wait3A_227 = arith.constant 0 : i32
      %dma_wait3A_228 = tpu.memref_slice %arg8[%run_scoped3A, %dma_wait3A_226, %dma_wait3A_227] : memref<2x512x64xbf16, #tpu.memory_space<vmem>> -> memref<1x512x64xbf16, #tpu.memory_space<vmem>>
      %dma_wait3A_229 = tpu.memref_squeeze %dma_wait3A_228 : memref<1x512x64xbf16, #tpu.memory_space<vmem>> -> memref<512x64xbf16, #tpu.memory_space<vmem>>
      tpu.wait_dma2 semaphore(%run_scoped3A_205 : memref<!tpu.dma_semaphore, #tpu.memory_space<semaphore_mem>>) src(%dma_wait3A_229 : memref<512x64xbf16, #tpu.memory_space<vmem>>) dst(%dma_wait3A_225 : memref<512x64xbf16, #tpu.memory_space<vmem_shared>>)
      tpu.yield
    }) : () -> ()
    %add3A_69 = arith.constant 0 : i32
    %add3A_70 = arith.addi %mul3A_0, %add3A_69 : i32
    %run_scoped3A_71 = arith.constant 0 : i32
    "tpu.region"() ({
      %run_scoped3A_205 = tpu.sem_alloc : memref<!tpu.dma_semaphore, #tpu.memory_space<semaphore_mem>>
      %dma_start3A_206 = arith.constant 0 : i32
      %dma_start3A_207 = arith.constant 0 : i32
      %dma_start3A_208 = tpu.memref_slice %arg8[%run_scoped3A_71, %dma_start3A_206, %dma_start3A_207] : memref<2x512x64xbf16, #tpu.memory_space<vmem>> -> memref<1x512x64xbf16, #tpu.memory_space<vmem>>
      %dma_start3A_209 = tpu.memref_squeeze %dma_start3A_208 : memref<1x512x64xbf16, #tpu.memory_space<vmem>> -> memref<512x64xbf16, #tpu.memory_space<vmem>>
      %dma_start3A_210 = arith.constant 0 : i32
      %dma_start3A_211 = tpu.memref_slice %arg11[%add3A_70, %dma_start3A_210] : memref<10240x64xbf16, #tpu.memory_space<vmem_shared>> -> memref<512x64xbf16, #tpu.memory_space<vmem_shared>>
      %dma_start3A_212 = arith.constant 0 : i32
      %dma_start3A_213 = tpu.memref_slice %arg11[%add3A_70, %dma_start3A_212] : memref<10240x64xbf16, #tpu.memory_space<vmem_shared>> -> memref<512x64xbf16, #tpu.memory_space<vmem_shared>>
      %dma_start3A_214 = arith.constant 0 : i32
      %dma_start3A_215 = arith.constant 0 : i32
      %dma_start3A_216 = tpu.memref_slice %arg8[%run_scoped3A_71, %dma_start3A_214, %dma_start3A_215] : memref<2x512x64xbf16, #tpu.memory_space<vmem>> -> memref<1x512x64xbf16, #tpu.memory_space<vmem>>
      %dma_start3A_217 = tpu.memref_squeeze %dma_start3A_216 : memref<1x512x64xbf16, #tpu.memory_space<vmem>> -> memref<512x64xbf16, #tpu.memory_space<vmem>>
      tpu.enqueue_dma source(%dma_start3A_217 : memref<512x64xbf16, #tpu.memory_space<vmem>>) target(%dma_start3A_213 : memref<512x64xbf16, #tpu.memory_space<vmem_shared>>) target_semaphore(%run_scoped3A_205 : memref<!tpu.dma_semaphore, #tpu.memory_space<semaphore_mem>>)
      %dma_wait3A_218 = arith.constant 0 : i32
      %dma_wait3A_219 = arith.constant 0 : i32
      %dma_wait3A_220 = tpu.memref_slice %arg8[%run_scoped3A_71, %dma_wait3A_218, %dma_wait3A_219] : memref<2x512x64xbf16, #tpu.memory_space<vmem>> -> memref<1x512x64xbf16, #tpu.memory_space<vmem>>
      %dma_wait3A_221 = tpu.memref_squeeze %dma_wait3A_220 : memref<1x512x64xbf16, #tpu.memory_space<vmem>> -> memref<512x64xbf16, #tpu.memory_space<vmem>>
      %dma_wait3A_222 = arith.constant 0 : i32
      %dma_wait3A_223 = tpu.memref_slice %arg11[%add3A_70, %dma_wait3A_222] : memref<10240x64xbf16, #tpu.memory_space<vmem_shared>> -> memref<512x64xbf16, #tpu.memory_space<vmem_shared>>
      %dma_wait3A_224 = arith.constant 0 : i32
      %dma_wait3A_225 = tpu.memref_slice %arg11[%add3A_70, %dma_wait3A_224] : memref<10240x64xbf16, #tpu.memory_space<vmem_shared>> -> memref<512x64xbf16, #tpu.memory_space<vmem_shared>>
      %dma_wait3A_226 = arith.constant 0 : i32
      %dma_wait3A_227 = arith.constant 0 : i32
      %dma_wait3A_228 = tpu.memref_slice %arg8[%run_scoped3A_71, %dma_wait3A_226, %dma_wait3A_227] : memref<2x512x64xbf16, #tpu.memory_space<vmem>> -> memref<1x512x64xbf16, #tpu.memory_space<vmem>>
      %dma_wait3A_229 = tpu.memref_squeeze %dma_wait3A_228 : memref<1x512x64xbf16, #tpu.memory_space<vmem>> -> memref<512x64xbf16, #tpu.memory_space<vmem>>
      tpu.wait_dma2 semaphore(%run_scoped3A_205 : memref<!tpu.dma_semaphore, #tpu.memory_space<semaphore_mem>>) src(%dma_wait3A_229 : memref<512x64xbf16, #tpu.memory_space<vmem>>) dst(%dma_wait3A_225 : memref<512x64xbf16, #tpu.memory_space<vmem_shared>>)
      tpu.yield
    }) : () -> ()
    %add3A_72 = arith.constant 512 : i32
    %add3A_73 = arith.addi %mul3A_0, %add3A_72 : i32
    %dma_wait3A_74 = arith.constant 1 : i32
    %dma_wait3A_75 = arith.constant 0 : i32
    %dma_wait3A_76 = arith.constant 0 : i32
    %dma_wait3A_77 = tpu.memref_slice %arg8[%dma_wait3A_74, %dma_wait3A_75, %dma_wait3A_76] : memref<2x512x64xbf16, #tpu.memory_space<vmem>> -> memref<1x128x64xbf16, #tpu.memory_space<vmem>>
    %dma_wait3A_78 = tpu.memref_squeeze %dma_wait3A_77 : memref<1x128x64xbf16, #tpu.memory_space<vmem>> -> memref<128x64xbf16, #tpu.memory_space<vmem>>
    %dma_wait3A_79 = arith.constant 0 : i32
    %dma_wait3A_80 = arith.constant 0 : i32
    %dma_wait3A_81 = tpu.memref_slice %arg2[%arg0, %dma_wait3A_79, %dma_wait3A_80] : memref<2x10240x64xbf16, #tpu.memory_space<hbm>> -> memref<1x10240x64xbf16, #tpu.memory_space<hbm>>
    %dma_wait3A_82 = tpu.memref_squeeze %dma_wait3A_81 : memref<1x10240x64xbf16, #tpu.memory_space<hbm>> -> memref<10240x64xbf16, #tpu.memory_space<hbm>>
    %dma_wait3A_83 = arith.constant 0 : i32
    %dma_wait3A_84 = tpu.memref_slice %dma_wait3A_82[%add3A_73, %dma_wait3A_83] : memref<10240x64xbf16, #tpu.memory_space<hbm>> -> memref<128x64xbf16, #tpu.memory_space<hbm>>
    %dma_wait3A_85 = arith.constant 0 : i32
    %dma_wait3A_86 = arith.constant 0 : i32
    %dma_wait3A_87 = tpu.memref_slice %arg8[%dma_wait3A_74, %dma_wait3A_85, %dma_wait3A_86] : memref<2x512x64xbf16, #tpu.memory_space<vmem>> -> memref<1x128x64xbf16, #tpu.memory_space<vmem>>
    %dma_wait3A_88 = tpu.memref_squeeze %dma_wait3A_87 : memref<1x128x64xbf16, #tpu.memory_space<vmem>> -> memref<128x64xbf16, #tpu.memory_space<vmem>>
    %dma_wait3A_89 = arith.constant 0 : i32
    %dma_wait3A_90 = arith.constant 0 : i32
    %dma_wait3A_91 = tpu.memref_slice %arg2[%arg0, %dma_wait3A_89, %dma_wait3A_90] : memref<2x10240x64xbf16, #tpu.memory_space<hbm>> -> memref<1x10240x64xbf16, #tpu.memory_space<hbm>>
    %dma_wait3A_92 = tpu.memref_squeeze %dma_wait3A_91 : memref<1x10240x64xbf16, #tpu.memory_space<hbm>> -> memref<10240x64xbf16, #tpu.memory_space<hbm>>
    %dma_wait3A_93 = arith.constant 0 : i32
    %dma_wait3A_94 = tpu.memref_slice %dma_wait3A_92[%add3A_73, %dma_wait3A_93] : memref<10240x64xbf16, #tpu.memory_space<hbm>> -> memref<128x64xbf16, #tpu.memory_space<hbm>>
    tpu.wait_dma2 semaphore(%arg9 : memref<!tpu.dma_semaphore, #tpu.memory_space<semaphore_mem>>) src(%dma_wait3A_94 : memref<128x64xbf16, #tpu.memory_space<hbm>>) dst(%dma_wait3A_88 : memref<128x64xbf16, #tpu.memory_space<vmem>>)
    %add3A_95 = arith.constant 512 : i32
    %add3A_96 = arith.addi %mul3A_0, %add3A_95 : i32
    %run_scoped3A_97 = arith.constant 1 : i32
    "tpu.region"() ({
      %run_scoped3A_205 = tpu.sem_alloc : memref<!tpu.dma_semaphore, #tpu.memory_space<semaphore_mem>>
      %dma_start3A_206 = arith.constant 0 : i32
      %dma_start3A_207 = arith.constant 0 : i32
      %dma_start3A_208 = tpu.memref_slice %arg8[%run_scoped3A_97, %dma_start3A_206, %dma_start3A_207] : memref<2x512x64xbf16, #tpu.memory_space<vmem>> -> memref<1x128x64xbf16, #tpu.memory_space<vmem>>
      %dma_start3A_209 = tpu.memref_squeeze %dma_start3A_208 : memref<1x128x64xbf16, #tpu.memory_space<vmem>> -> memref<128x64xbf16, #tpu.memory_space<vmem>>
      %dma_start3A_210 = arith.constant 0 : i32
      %dma_start3A_211 = tpu.memref_slice %arg10[%add3A_96, %dma_start3A_210] : memref<10240x64xbf16, #tpu.memory_space<vmem_shared>> -> memref<128x64xbf16, #tpu.memory_space<vmem_shared>>
      %dma_start3A_212 = arith.constant 0 : i32
      %dma_start3A_213 = tpu.memref_slice %arg10[%add3A_96, %dma_start3A_212] : memref<10240x64xbf16, #tpu.memory_space<vmem_shared>> -> memref<128x64xbf16, #tpu.memory_space<vmem_shared>>
      %dma_start3A_214 = arith.constant 0 : i32
      %dma_start3A_215 = arith.constant 0 : i32
      %dma_start3A_216 = tpu.memref_slice %arg8[%run_scoped3A_97, %dma_start3A_214, %dma_start3A_215] : memref<2x512x64xbf16, #tpu.memory_space<vmem>> -> memref<1x128x64xbf16, #tpu.memory_space<vmem>>
      %dma_start3A_217 = tpu.memref_squeeze %dma_start3A_216 : memref<1x128x64xbf16, #tpu.memory_space<vmem>> -> memref<128x64xbf16, #tpu.memory_space<vmem>>
      tpu.enqueue_dma source(%dma_start3A_217 : memref<128x64xbf16, #tpu.memory_space<vmem>>) target(%dma_start3A_213 : memref<128x64xbf16, #tpu.memory_space<vmem_shared>>) target_semaphore(%run_scoped3A_205 : memref<!tpu.dma_semaphore, #tpu.memory_space<semaphore_mem>>)
      %dma_wait3A_218 = arith.constant 0 : i32
      %dma_wait3A_219 = arith.constant 0 : i32
      %dma_wait3A_220 = tpu.memref_slice %arg8[%run_scoped3A_97, %dma_wait3A_218, %dma_wait3A_219] : memref<2x512x64xbf16, #tpu.memory_space<vmem>> -> memref<1x128x64xbf16, #tpu.memory_space<vmem>>
      %dma_wait3A_221 = tpu.memref_squeeze %dma_wait3A_220 : memref<1x128x64xbf16, #tpu.memory_space<vmem>> -> memref<128x64xbf16, #tpu.memory_space<vmem>>
      %dma_wait3A_222 = arith.constant 0 : i32
      %dma_wait3A_223 = tpu.memref_slice %arg10[%add3A_96, %dma_wait3A_222] : memref<10240x64xbf16, #tpu.memory_space<vmem_shared>> -> memref<128x64xbf16, #tpu.memory_space<vmem_shared>>
      %dma_wait3A_224 = arith.constant 0 : i32
      %dma_wait3A_225 = tpu.memref_slice %arg10[%add3A_96, %dma_wait3A_224] : memref<10240x64xbf16, #tpu.memory_space<vmem_shared>> -> memref<128x64xbf16, #tpu.memory_space<vmem_shared>>
      %dma_wait3A_226 = arith.constant 0 : i32
      %dma_wait3A_227 = arith.constant 0 : i32
      %dma_wait3A_228 = tpu.memref_slice %arg8[%run_scoped3A_97, %dma_wait3A_226, %dma_wait3A_227] : memref<2x512x64xbf16, #tpu.memory_space<vmem>> -> memref<1x128x64xbf16, #tpu.memory_space<vmem>>
      %dma_wait3A_229 = tpu.memref_squeeze %dma_wait3A_228 : memref<1x128x64xbf16, #tpu.memory_space<vmem>> -> memref<128x64xbf16, #tpu.memory_space<vmem>>
      tpu.wait_dma2 semaphore(%run_scoped3A_205 : memref<!tpu.dma_semaphore, #tpu.memory_space<semaphore_mem>>) src(%dma_wait3A_229 : memref<128x64xbf16, #tpu.memory_space<vmem>>) dst(%dma_wait3A_225 : memref<128x64xbf16, #tpu.memory_space<vmem_shared>>)
      tpu.yield
    }) : () -> ()
    %add3A_98 = arith.constant 512 : i32
    %add3A_99 = arith.addi %mul3A_0, %add3A_98 : i32
    %run_scoped3A_100 = arith.constant 1 : i32
    "tpu.region"() ({
      %run_scoped3A_205 = tpu.sem_alloc : memref<!tpu.dma_semaphore, #tpu.memory_space<semaphore_mem>>
      %dma_start3A_206 = arith.constant 0 : i32
      %dma_start3A_207 = arith.constant 0 : i32
      %dma_start3A_208 = tpu.memref_slice %arg8[%run_scoped3A_100, %dma_start3A_206, %dma_start3A_207] : memref<2x512x64xbf16, #tpu.memory_space<vmem>> -> memref<1x128x64xbf16, #tpu.memory_space<vmem>>
      %dma_start3A_209 = tpu.memref_squeeze %dma_start3A_208 : memref<1x128x64xbf16, #tpu.memory_space<vmem>> -> memref<128x64xbf16, #tpu.memory_space<vmem>>
      %dma_start3A_210 = arith.constant 0 : i32
      %dma_start3A_211 = tpu.memref_slice %arg11[%add3A_99, %dma_start3A_210] : memref<10240x64xbf16, #tpu.memory_space<vmem_shared>> -> memref<128x64xbf16, #tpu.memory_space<vmem_shared>>
      %dma_start3A_212 = arith.constant 0 : i32
      %dma_start3A_213 = tpu.memref_slice %arg11[%add3A_99, %dma_start3A_212] : memref<10240x64xbf16, #tpu.memory_space<vmem_shared>> -> memref<128x64xbf16, #tpu.memory_space<vmem_shared>>
      %dma_start3A_214 = arith.constant 0 : i32
      %dma_start3A_215 = arith.constant 0 : i32
      %dma_start3A_216 = tpu.memref_slice %arg8[%run_scoped3A_100, %dma_start3A_214, %dma_start3A_215] : memref<2x512x64xbf16, #tpu.memory_space<vmem>> -> memref<1x128x64xbf16, #tpu.memory_space<vmem>>
      %dma_start3A_217 = tpu.memref_squeeze %dma_start3A_216 : memref<1x128x64xbf16, #tpu.memory_space<vmem>> -> memref<128x64xbf16, #tpu.memory_space<vmem>>
      tpu.enqueue_dma source(%dma_start3A_217 : memref<128x64xbf16, #tpu.memory_space<vmem>>) target(%dma_start3A_213 : memref<128x64xbf16, #tpu.memory_space<vmem_shared>>) target_semaphore(%run_scoped3A_205 : memref<!tpu.dma_semaphore, #tpu.memory_space<semaphore_mem>>)
      %dma_wait3A_218 = arith.constant 0 : i32
      %dma_wait3A_219 = arith.constant 0 : i32
      %dma_wait3A_220 = tpu.memref_slice %arg8[%run_scoped3A_100, %dma_wait3A_218, %dma_wait3A_219] : memref<2x512x64xbf16, #tpu.memory_space<vmem>> -> memref<1x128x64xbf16, #tpu.memory_space<vmem>>
      %dma_wait3A_221 = tpu.memref_squeeze %dma_wait3A_220 : memref<1x128x64xbf16, #tpu.memory_space<vmem>> -> memref<128x64xbf16, #tpu.memory_space<vmem>>
      %dma_wait3A_222 = arith.constant 0 : i32
      %dma_wait3A_223 = tpu.memref_slice %arg11[%add3A_99, %dma_wait3A_222] : memref<10240x64xbf16, #tpu.memory_space<vmem_shared>> -> memref<128x64xbf16, #tpu.memory_space<vmem_shared>>
      %dma_wait3A_224 = arith.constant 0 : i32
      %dma_wait3A_225 = tpu.memref_slice %arg11[%add3A_99, %dma_wait3A_224] : memref<10240x64xbf16, #tpu.memory_space<vmem_shared>> -> memref<128x64xbf16, #tpu.memory_space<vmem_shared>>
      %dma_wait3A_226 = arith.constant 0 : i32
      %dma_wait3A_227 = arith.constant 0 : i32
      %dma_wait3A_228 = tpu.memref_slice %arg8[%run_scoped3A_100, %dma_wait3A_226, %dma_wait3A_227] : memref<2x512x64xbf16, #tpu.memory_space<vmem>> -> memref<1x128x64xbf16, #tpu.memory_space<vmem>>
      %dma_wait3A_229 = tpu.memref_squeeze %dma_wait3A_228 : memref<1x128x64xbf16, #tpu.memory_space<vmem>> -> memref<128x64xbf16, #tpu.memory_space<vmem>>
      tpu.wait_dma2 semaphore(%run_scoped3A_205 : memref<!tpu.dma_semaphore, #tpu.memory_space<semaphore_mem>>) src(%dma_wait3A_229 : memref<128x64xbf16, #tpu.memory_space<vmem>>) dst(%dma_wait3A_225 : memref<128x64xbf16, #tpu.memory_space<vmem_shared>>)
      tpu.yield
    }) : () -> ()
    %barrier3A = arith.constant 0 : index
    tpu.barrier barrier_id(%barrier3A)
    %dma_start3A_101 = arith.constant 0 : i32
    %dma_start3A_102 = arith.constant 0 : i32
    %dma_start3A_103 = arith.constant 0 : i32
    %dma_start3A_104 = arith.constant 0 : i32
    %dma_start3A_105 = tpu.memref_slice %arg8[%dma_start3A_102, %dma_start3A_103, %dma_start3A_104] : memref<2x512x64xbf16, #tpu.memory_space<vmem>> -> memref<1x512x64xbf16, #tpu.memory_space<vmem>>
    %dma_start3A_106 = tpu.memref_squeeze %dma_start3A_105 : memref<1x512x64xbf16, #tpu.memory_space<vmem>> -> memref<512x64xbf16, #tpu.memory_space<vmem>>
    %dma_start3A_107 = arith.constant 0 : i32
    %dma_start3A_108 = tpu.memref_slice %arg6[%dma_start3A_101, %dma_start3A_107] : memref<40x512xi32, #tpu.memory_space<vmem>> -> memref<1x512xi32, #tpu.memory_space<vmem>>
    %dma_start3A_109 = tpu.memref_squeeze %dma_start3A_108 : memref<1x512xi32, #tpu.memory_space<vmem>> -> memref<512xi32, #tpu.memory_space<vmem>>
    %dma_start3A_110 = arith.constant 0 : i32
    %dma_start3A_111 = arith.constant 0 : i32
    %dma_start3A_112 = tpu.memref_slice %arg10[%dma_start3A_110, %dma_start3A_111] : memref<10240x64xbf16, #tpu.memory_space<vmem_shared>> -> memref<10240x64xbf16, #tpu.memory_space<vmem_shared>>
    tpu.enqueue_indirect_dma source(%dma_start3A_112 : memref<10240x64xbf16, #tpu.memory_space<vmem_shared>>) target(%dma_start3A_106 : memref<512x64xbf16, #tpu.memory_space<vmem>>) offsets(%dma_start3A_109 : memref<512xi32, #tpu.memory_space<vmem>>) semaphore(%arg9 : memref<!tpu.dma_semaphore, #tpu.memory_space<semaphore_mem>>)
    %dma_start3A_113 = arith.constant 1 : i32
    %dma_start3A_114 = arith.constant 1 : i32
    %dma_start3A_115 = arith.constant 0 : i32
    %dma_start3A_116 = arith.constant 0 : i32
    %dma_start3A_117 = tpu.memref_slice %arg8[%dma_start3A_114, %dma_start3A_115, %dma_start3A_116] : memref<2x512x64xbf16, #tpu.memory_space<vmem>> -> memref<1x512x64xbf16, #tpu.memory_space<vmem>>
    %dma_start3A_118 = tpu.memref_squeeze %dma_start3A_117 : memref<1x512x64xbf16, #tpu.memory_space<vmem>> -> memref<512x64xbf16, #tpu.memory_space<vmem>>
    %dma_start3A_119 = arith.constant 0 : i32
    %dma_start3A_120 = tpu.memref_slice %arg6[%dma_start3A_113, %dma_start3A_119] : memref<40x512xi32, #tpu.memory_space<vmem>> -> memref<1x512xi32, #tpu.memory_space<vmem>>
    %dma_start3A_121 = tpu.memref_squeeze %dma_start3A_120 : memref<1x512xi32, #tpu.memory_space<vmem>> -> memref<512xi32, #tpu.memory_space<vmem>>
    %dma_start3A_122 = arith.constant 0 : i32
    %dma_start3A_123 = arith.constant 0 : i32
    %dma_start3A_124 = tpu.memref_slice %arg10[%dma_start3A_122, %dma_start3A_123] : memref<10240x64xbf16, #tpu.memory_space<vmem_shared>> -> memref<10240x64xbf16, #tpu.memory_space<vmem_shared>>
    tpu.enqueue_indirect_dma source(%dma_start3A_124 : memref<10240x64xbf16, #tpu.memory_space<vmem_shared>>) target(%dma_start3A_118 : memref<512x64xbf16, #tpu.memory_space<vmem>>) offsets(%dma_start3A_121 : memref<512xi32, #tpu.memory_space<vmem>>) semaphore(%arg9 : memref<!tpu.dma_semaphore, #tpu.memory_space<semaphore_mem>>)
    %scan3A = arith.constant 0 : i32
    %scan3A_125 = arith.constant 0 : i32
    %scan3A_126 = arith.constant 20 : i32
    %scan3A_127 = arith.addi %scan3A_125, %scan3A_126 : i32
    %scan3A_128 = arith.constant 1 : i32
    scf.for %scan3A_205 = %scan3A_125 to %scan3A_127 step %scan3A_128  : i32 {
      %mul3A_206 = arith.constant 2 : i32
      %mul3A_207 = arith.muli %mul3A_206, %scan3A_205 : i32
      %add3A_208 = arith.constant 0 : i32
      %add3A_209 = arith.addi %mul3A_207, %add3A_208 : i32
      %dma_wait3A_210 = arith.constant 0 : i32
      %dma_wait3A_211 = arith.constant 0 : i32
      %dma_wait3A_212 = arith.constant 0 : i32
      %dma_wait3A_213 = tpu.memref_slice %arg8[%dma_wait3A_210, %dma_wait3A_211, %dma_wait3A_212] : memref<2x512x64xbf16, #tpu.memory_space<vmem>> -> memref<1x512x64xbf16, #tpu.memory_space<vmem>>
      %dma_wait3A_214 = tpu.memref_squeeze %dma_wait3A_213 : memref<1x512x64xbf16, #tpu.memory_space<vmem>> -> memref<512x64xbf16, #tpu.memory_space<vmem>>
      %dma_wait3A_215 = arith.constant 0 : i32
      %dma_wait3A_216 = tpu.memref_slice %arg6[%add3A_209, %dma_wait3A_215] : memref<40x512xi32, #tpu.memory_space<vmem>> -> memref<1x512xi32, #tpu.memory_space<vmem>>
      %dma_wait3A_217 = tpu.memref_squeeze %dma_wait3A_216 : memref<1x512xi32, #tpu.memory_space<vmem>> -> memref<512xi32, #tpu.memory_space<vmem>>
      %dma_wait3A_218 = arith.constant 0 : i32
      %dma_wait3A_219 = arith.constant 0 : i32
      %dma_wait3A_220 = tpu.memref_slice %arg10[%dma_wait3A_218, %dma_wait3A_219] : memref<10240x64xbf16, #tpu.memory_space<vmem_shared>> -> memref<10240x64xbf16, #tpu.memory_space<vmem_shared>>
      tpu.wait_indirect_dma semaphore(%arg9 : memref<!tpu.dma_semaphore, #tpu.memory_space<semaphore_mem>>) src(%dma_wait3A_220 : memref<10240x64xbf16, #tpu.memory_space<vmem_shared>>) dst(%dma_wait3A_214 : memref<512x64xbf16, #tpu.memory_space<vmem>>)
      %mul3A_221 = arith.constant 1 : i32
      %mul3A_222 = arith.muli %mul3A_221, %add3A_209 : i32
      %add3A_223 = arith.constant 0 : i32
      %add3A_224 = arith.addi %mul3A_222, %add3A_223 : i32
      %run_scoped3A_225 = arith.constant 0 : i32
      "tpu.region"() ({
        %run_scoped3A_253 = tpu.sem_alloc : memref<!tpu.dma_semaphore, #tpu.memory_space<semaphore_mem>>
        %dma_start3A_254 = arith.constant 0 : i32
        %dma_start3A_255 = arith.constant 0 : i32
        %dma_start3A_256 = tpu.memref_slice %arg8[%run_scoped3A_225, %dma_start3A_254, %dma_start3A_255] : memref<2x512x64xbf16, #tpu.memory_space<vmem>> -> memref<1x512x64xbf16, #tpu.memory_space<vmem>>
        %dma_start3A_257 = tpu.memref_squeeze %dma_start3A_256 : memref<1x512x64xbf16, #tpu.memory_space<vmem>> -> memref<512x64xbf16, #tpu.memory_space<vmem>>
        %dma_start3A_258 = arith.constant 0 : i32
        %dma_start3A_259 = tpu.memref_slice %arg7[%add3A_224, %dma_start3A_258] : memref<40x512xi32, #tpu.memory_space<vmem>> -> memref<1x512xi32, #tpu.memory_space<vmem>>
        %dma_start3A_260 = tpu.memref_squeeze %dma_start3A_259 : memref<1x512xi32, #tpu.memory_space<vmem>> -> memref<512xi32, #tpu.memory_space<vmem>>
        %dma_start3A_261 = arith.constant 0 : i32
        %dma_start3A_262 = arith.constant 0 : i32
        %dma_start3A_263 = tpu.memref_slice %arg11[%dma_start3A_261, %dma_start3A_262] : memref<10240x64xbf16, #tpu.memory_space<vmem_shared>> -> memref<10240x64xbf16, #tpu.memory_space<vmem_shared>>
        tpu.enqueue_indirect_dma source(%dma_start3A_257 : memref<512x64xbf16, #tpu.memory_space<vmem>>) target(%dma_start3A_263 : memref<10240x64xbf16, #tpu.memory_space<vmem_shared>>) offsets(%dma_start3A_260 : memref<512xi32, #tpu.memory_space<vmem>>) semaphore(%run_scoped3A_253 : memref<!tpu.dma_semaphore, #tpu.memory_space<semaphore_mem>>) {add = true}
        %dma_wait3A_264 = arith.constant 0 : i32
        %dma_wait3A_265 = arith.constant 0 : i32
        %dma_wait3A_266 = tpu.memref_slice %arg8[%run_scoped3A_225, %dma_wait3A_264, %dma_wait3A_265] : memref<2x512x64xbf16, #tpu.memory_space<vmem>> -> memref<1x512x64xbf16, #tpu.memory_space<vmem>>
        %dma_wait3A_267 = tpu.memref_squeeze %dma_wait3A_266 : memref<1x512x64xbf16, #tpu.memory_space<vmem>> -> memref<512x64xbf16, #tpu.memory_space<vmem>>
        %dma_wait3A_268 = arith.constant 0 : i32
        %dma_wait3A_269 = tpu.memref_slice %arg7[%add3A_224, %dma_wait3A_268] : memref<40x512xi32, #tpu.memory_space<vmem>> -> memref<1x512xi32, #tpu.memory_space<vmem>>
        %dma_wait3A_270 = tpu.memref_squeeze %dma_wait3A_269 : memref<1x512xi32, #tpu.memory_space<vmem>> -> memref<512xi32, #tpu.memory_space<vmem>>
        %dma_wait3A_271 = arith.constant 0 : i32
        %dma_wait3A_272 = arith.constant 0 : i32
        %dma_wait3A_273 = tpu.memref_slice %arg11[%dma_wait3A_271, %dma_wait3A_272] : memref<10240x64xbf16, #tpu.memory_space<vmem_shared>> -> memref<10240x64xbf16, #tpu.memory_space<vmem_shared>>
        tpu.wait_indirect_dma semaphore(%run_scoped3A_253 : memref<!tpu.dma_semaphore, #tpu.memory_space<semaphore_mem>>) src(%dma_wait3A_267 : memref<512x64xbf16, #tpu.memory_space<vmem>>) dst(%dma_wait3A_273 : memref<10240x64xbf16, #tpu.memory_space<vmem_shared>>)
        tpu.yield
      }) : () -> ()
      %lt3A = arith.constant 19 : i32
      %lt3A_226 = arith.cmpi slt, %scan3A_205, %lt3A : i32
      %convert_element_type3A = arith.extui %lt3A_226 : i1 to i32
      %cond3A = arith.constant 0 : i32
      %cond3A_227 = arith.cmpi ne, %convert_element_type3A, %cond3A : i32
      scf.if %cond3A_227 {
        %add3A_253 = arith.constant 2 : i32
        %add3A_254 = arith.addi %add3A_209, %add3A_253 : i32
        %dma_start3A_255 = arith.constant 0 : i32
        %dma_start3A_256 = arith.constant 0 : i32
        %dma_start3A_257 = arith.constant 0 : i32
        %dma_start3A_258 = tpu.memref_slice %arg8[%dma_start3A_255, %dma_start3A_256, %dma_start3A_257] : memref<2x512x64xbf16, #tpu.memory_space<vmem>> -> memref<1x512x64xbf16, #tpu.memory_space<vmem>>
        %dma_start3A_259 = tpu.memref_squeeze %dma_start3A_258 : memref<1x512x64xbf16, #tpu.memory_space<vmem>> -> memref<512x64xbf16, #tpu.memory_space<vmem>>
        %dma_start3A_260 = arith.constant 0 : i32
        %dma_start3A_261 = tpu.memref_slice %arg6[%add3A_254, %dma_start3A_260] : memref<40x512xi32, #tpu.memory_space<vmem>> -> memref<1x512xi32, #tpu.memory_space<vmem>>
        %dma_start3A_262 = tpu.memref_squeeze %dma_start3A_261 : memref<1x512xi32, #tpu.memory_space<vmem>> -> memref<512xi32, #tpu.memory_space<vmem>>
        %dma_start3A_263 = arith.constant 0 : i32
        %dma_start3A_264 = arith.constant 0 : i32
        %dma_start3A_265 = tpu.memref_slice %arg10[%dma_start3A_263, %dma_start3A_264] : memref<10240x64xbf16, #tpu.memory_space<vmem_shared>> -> memref<10240x64xbf16, #tpu.memory_space<vmem_shared>>
        tpu.enqueue_indirect_dma source(%dma_start3A_265 : memref<10240x64xbf16, #tpu.memory_space<vmem_shared>>) target(%dma_start3A_259 : memref<512x64xbf16, #tpu.memory_space<vmem>>) offsets(%dma_start3A_262 : memref<512xi32, #tpu.memory_space<vmem>>) semaphore(%arg9 : memref<!tpu.dma_semaphore, #tpu.memory_space<semaphore_mem>>)
      } else {
      }
      %mul3A_228 = arith.constant 2 : i32
      %mul3A_229 = arith.muli %mul3A_228, %scan3A_205 : i32
      %add3A_230 = arith.constant 1 : i32
      %add3A_231 = arith.addi %mul3A_229, %add3A_230 : i32
      %dma_wait3A_232 = arith.constant 1 : i32
      %dma_wait3A_233 = arith.constant 0 : i32
      %dma_wait3A_234 = arith.constant 0 : i32
      %dma_wait3A_235 = tpu.memref_slice %arg8[%dma_wait3A_232, %dma_wait3A_233, %dma_wait3A_234] : memref<2x512x64xbf16, #tpu.memory_space<vmem>> -> memref<1x512x64xbf16, #tpu.memory_space<vmem>>
      %dma_wait3A_236 = tpu.memref_squeeze %dma_wait3A_235 : memref<1x512x64xbf16, #tpu.memory_space<vmem>> -> memref<512x64xbf16, #tpu.memory_space<vmem>>
      %dma_wait3A_237 = arith.constant 0 : i32
      %dma_wait3A_238 = tpu.memref_slice %arg6[%add3A_231, %dma_wait3A_237] : memref<40x512xi32, #tpu.memory_space<vmem>> -> memref<1x512xi32, #tpu.memory_space<vmem>>
      %dma_wait3A_239 = tpu.memref_squeeze %dma_wait3A_238 : memref<1x512xi32, #tpu.memory_space<vmem>> -> memref<512xi32, #tpu.memory_space<vmem>>
      %dma_wait3A_240 = arith.constant 0 : i32
      %dma_wait3A_241 = arith.constant 0 : i32
      %dma_wait3A_242 = tpu.memref_slice %arg10[%dma_wait3A_240, %dma_wait3A_241] : memref<10240x64xbf16, #tpu.memory_space<vmem_shared>> -> memref<10240x64xbf16, #tpu.memory_space<vmem_shared>>
      tpu.wait_indirect_dma semaphore(%arg9 : memref<!tpu.dma_semaphore, #tpu.memory_space<semaphore_mem>>) src(%dma_wait3A_242 : memref<10240x64xbf16, #tpu.memory_space<vmem_shared>>) dst(%dma_wait3A_236 : memref<512x64xbf16, #tpu.memory_space<vmem>>)
      %mul3A_243 = arith.constant 1 : i32
      %mul3A_244 = arith.muli %mul3A_243, %add3A_231 : i32
      %add3A_245 = arith.constant 0 : i32
      %add3A_246 = arith.addi %mul3A_244, %add3A_245 : i32
      %run_scoped3A_247 = arith.constant 1 : i32
      "tpu.region"() ({
        %run_scoped3A_253 = tpu.sem_alloc : memref<!tpu.dma_semaphore, #tpu.memory_space<semaphore_mem>>
        %dma_start3A_254 = arith.constant 0 : i32
        %dma_start3A_255 = arith.constant 0 : i32
        %dma_start3A_256 = tpu.memref_slice %arg8[%run_scoped3A_247, %dma_start3A_254, %dma_start3A_255] : memref<2x512x64xbf16, #tpu.memory_space<vmem>> -> memref<1x512x64xbf16, #tpu.memory_space<vmem>>
        %dma_start3A_257 = tpu.memref_squeeze %dma_start3A_256 : memref<1x512x64xbf16, #tpu.memory_space<vmem>> -> memref<512x64xbf16, #tpu.memory_space<vmem>>
        %dma_start3A_258 = arith.constant 0 : i32
        %dma_start3A_259 = tpu.memref_slice %arg7[%add3A_246, %dma_start3A_258] : memref<40x512xi32, #tpu.memory_space<vmem>> -> memref<1x512xi32, #tpu.memory_space<vmem>>
        %dma_start3A_260 = tpu.memref_squeeze %dma_start3A_259 : memref<1x512xi32, #tpu.memory_space<vmem>> -> memref<512xi32, #tpu.memory_space<vmem>>
        %dma_start3A_261 = arith.constant 0 : i32
        %dma_start3A_262 = arith.constant 0 : i32
        %dma_start3A_263 = tpu.memref_slice %arg11[%dma_start3A_261, %dma_start3A_262] : memref<10240x64xbf16, #tpu.memory_space<vmem_shared>> -> memref<10240x64xbf16, #tpu.memory_space<vmem_shared>>
        tpu.enqueue_indirect_dma source(%dma_start3A_257 : memref<512x64xbf16, #tpu.memory_space<vmem>>) target(%dma_start3A_263 : memref<10240x64xbf16, #tpu.memory_space<vmem_shared>>) offsets(%dma_start3A_260 : memref<512xi32, #tpu.memory_space<vmem>>) semaphore(%run_scoped3A_253 : memref<!tpu.dma_semaphore, #tpu.memory_space<semaphore_mem>>) {add = true}
        %dma_wait3A_264 = arith.constant 0 : i32
        %dma_wait3A_265 = arith.constant 0 : i32
        %dma_wait3A_266 = tpu.memref_slice %arg8[%run_scoped3A_247, %dma_wait3A_264, %dma_wait3A_265] : memref<2x512x64xbf16, #tpu.memory_space<vmem>> -> memref<1x512x64xbf16, #tpu.memory_space<vmem>>
        %dma_wait3A_267 = tpu.memref_squeeze %dma_wait3A_266 : memref<1x512x64xbf16, #tpu.memory_space<vmem>> -> memref<512x64xbf16, #tpu.memory_space<vmem>>
        %dma_wait3A_268 = arith.constant 0 : i32
        %dma_wait3A_269 = tpu.memref_slice %arg7[%add3A_246, %dma_wait3A_268] : memref<40x512xi32, #tpu.memory_space<vmem>> -> memref<1x512xi32, #tpu.memory_space<vmem>>
        %dma_wait3A_270 = tpu.memref_squeeze %dma_wait3A_269 : memref<1x512xi32, #tpu.memory_space<vmem>> -> memref<512xi32, #tpu.memory_space<vmem>>
        %dma_wait3A_271 = arith.constant 0 : i32
        %dma_wait3A_272 = arith.constant 0 : i32
        %dma_wait3A_273 = tpu.memref_slice %arg11[%dma_wait3A_271, %dma_wait3A_272] : memref<10240x64xbf16, #tpu.memory_space<vmem_shared>> -> memref<10240x64xbf16, #tpu.memory_space<vmem_shared>>
        tpu.wait_indirect_dma semaphore(%run_scoped3A_253 : memref<!tpu.dma_semaphore, #tpu.memory_space<semaphore_mem>>) src(%dma_wait3A_267 : memref<512x64xbf16, #tpu.memory_space<vmem>>) dst(%dma_wait3A_273 : memref<10240x64xbf16, #tpu.memory_space<vmem_shared>>)
        tpu.yield
      }) : () -> ()
      %lt3A_248 = arith.constant 19 : i32
      %lt3A_249 = arith.cmpi slt, %scan3A_205, %lt3A_248 : i32
      %convert_element_type3A_250 = arith.extui %lt3A_249 : i1 to i32
      %cond3A_251 = arith.constant 0 : i32
      %cond3A_252 = arith.cmpi ne, %convert_element_type3A_250, %cond3A_251 : i32
      scf.if %cond3A_252 {
        %add3A_253 = arith.constant 2 : i32
        %add3A_254 = arith.addi %add3A_231, %add3A_253 : i32
        %dma_start3A_255 = arith.constant 1 : i32
        %dma_start3A_256 = arith.constant 0 : i32
        %dma_start3A_257 = arith.constant 0 : i32
        %dma_start3A_258 = tpu.memref_slice %arg8[%dma_start3A_255, %dma_start3A_256, %dma_start3A_257] : memref<2x512x64xbf16, #tpu.memory_space<vmem>> -> memref<1x512x64xbf16, #tpu.memory_space<vmem>>
        %dma_start3A_259 = tpu.memref_squeeze %dma_start3A_258 : memref<1x512x64xbf16, #tpu.memory_space<vmem>> -> memref<512x64xbf16, #tpu.memory_space<vmem>>
        %dma_start3A_260 = arith.constant 0 : i32
        %dma_start3A_261 = tpu.memref_slice %arg6[%add3A_254, %dma_start3A_260] : memref<40x512xi32, #tpu.memory_space<vmem>> -> memref<1x512xi32, #tpu.memory_space<vmem>>
        %dma_start3A_262 = tpu.memref_squeeze %dma_start3A_261 : memref<1x512xi32, #tpu.memory_space<vmem>> -> memref<512xi32, #tpu.memory_space<vmem>>
        %dma_start3A_263 = arith.constant 0 : i32
        %dma_start3A_264 = arith.constant 0 : i32
        %dma_start3A_265 = tpu.memref_slice %arg10[%dma_start3A_263, %dma_start3A_264] : memref<10240x64xbf16, #tpu.memory_space<vmem_shared>> -> memref<10240x64xbf16, #tpu.memory_space<vmem_shared>>
        tpu.enqueue_indirect_dma source(%dma_start3A_265 : memref<10240x64xbf16, #tpu.memory_space<vmem_shared>>) target(%dma_start3A_259 : memref<512x64xbf16, #tpu.memory_space<vmem>>) offsets(%dma_start3A_262 : memref<512xi32, #tpu.memory_space<vmem>>) semaphore(%arg9 : memref<!tpu.dma_semaphore, #tpu.memory_space<semaphore_mem>>)
      } else {
      }
    }
    %scan3A_129 = arith.constant 20 : i32
    %barrier3A_130 = arith.constant 0 : index
    tpu.barrier barrier_id(%barrier3A_130)
    %add3A_131 = arith.constant 0 : i32
    %add3A_132 = arith.addi %mul3A_0, %add3A_131 : i32
    %run_scoped3A_133 = arith.constant 0 : i32
    "tpu.region"() ({
      %run_scoped3A_205 = tpu.sem_alloc : memref<!tpu.dma_semaphore, #tpu.memory_space<semaphore_mem>>
      %dma_start3A_206 = arith.constant 0 : i32
      %dma_start3A_207 = arith.constant 0 : i32
      %dma_start3A_208 = tpu.memref_slice %arg8[%run_scoped3A_133, %dma_start3A_206, %dma_start3A_207] : memref<2x512x64xbf16, #tpu.memory_space<vmem>> -> memref<1x512x64xbf16, #tpu.memory_space<vmem>>
      %dma_start3A_209 = tpu.memref_squeeze %dma_start3A_208 : memref<1x512x64xbf16, #tpu.memory_space<vmem>> -> memref<512x64xbf16, #tpu.memory_space<vmem>>
      %dma_start3A_210 = arith.constant 0 : i32
      %dma_start3A_211 = tpu.memref_slice %arg11[%add3A_132, %dma_start3A_210] : memref<10240x64xbf16, #tpu.memory_space<vmem_shared>> -> memref<512x64xbf16, #tpu.memory_space<vmem_shared>>
      %dma_start3A_212 = arith.constant 0 : i32
      %dma_start3A_213 = arith.constant 0 : i32
      %dma_start3A_214 = tpu.memref_slice %arg8[%run_scoped3A_133, %dma_start3A_212, %dma_start3A_213] : memref<2x512x64xbf16, #tpu.memory_space<vmem>> -> memref<1x512x64xbf16, #tpu.memory_space<vmem>>
      %dma_start3A_215 = tpu.memref_squeeze %dma_start3A_214 : memref<1x512x64xbf16, #tpu.memory_space<vmem>> -> memref<512x64xbf16, #tpu.memory_space<vmem>>
      %dma_start3A_216 = arith.constant 0 : i32
      %dma_start3A_217 = tpu.memref_slice %arg11[%add3A_132, %dma_start3A_216] : memref<10240x64xbf16, #tpu.memory_space<vmem_shared>> -> memref<512x64xbf16, #tpu.memory_space<vmem_shared>>
      tpu.enqueue_dma source(%dma_start3A_217 : memref<512x64xbf16, #tpu.memory_space<vmem_shared>>) target(%dma_start3A_215 : memref<512x64xbf16, #tpu.memory_space<vmem>>) target_semaphore(%run_scoped3A_205 : memref<!tpu.dma_semaphore, #tpu.memory_space<semaphore_mem>>)
      %dma_wait3A_218 = arith.constant 0 : i32
      %dma_wait3A_219 = arith.constant 0 : i32
      %dma_wait3A_220 = tpu.memref_slice %arg8[%run_scoped3A_133, %dma_wait3A_218, %dma_wait3A_219] : memref<2x512x64xbf16, #tpu.memory_space<vmem>> -> memref<1x512x64xbf16, #tpu.memory_space<vmem>>
      %dma_wait3A_221 = tpu.memref_squeeze %dma_wait3A_220 : memref<1x512x64xbf16, #tpu.memory_space<vmem>> -> memref<512x64xbf16, #tpu.memory_space<vmem>>
      %dma_wait3A_222 = arith.constant 0 : i32
      %dma_wait3A_223 = tpu.memref_slice %arg11[%add3A_132, %dma_wait3A_222] : memref<10240x64xbf16, #tpu.memory_space<vmem_shared>> -> memref<512x64xbf16, #tpu.memory_space<vmem_shared>>
      %dma_wait3A_224 = arith.constant 0 : i32
      %dma_wait3A_225 = arith.constant 0 : i32
      %dma_wait3A_226 = tpu.memref_slice %arg8[%run_scoped3A_133, %dma_wait3A_224, %dma_wait3A_225] : memref<2x512x64xbf16, #tpu.memory_space<vmem>> -> memref<1x512x64xbf16, #tpu.memory_space<vmem>>
      %dma_wait3A_227 = tpu.memref_squeeze %dma_wait3A_226 : memref<1x512x64xbf16, #tpu.memory_space<vmem>> -> memref<512x64xbf16, #tpu.memory_space<vmem>>
      %dma_wait3A_228 = arith.constant 0 : i32
      %dma_wait3A_229 = tpu.memref_slice %arg11[%add3A_132, %dma_wait3A_228] : memref<10240x64xbf16, #tpu.memory_space<vmem_shared>> -> memref<512x64xbf16, #tpu.memory_space<vmem_shared>>
      tpu.wait_dma2 semaphore(%run_scoped3A_205 : memref<!tpu.dma_semaphore, #tpu.memory_space<semaphore_mem>>) src(%dma_wait3A_229 : memref<512x64xbf16, #tpu.memory_space<vmem_shared>>) dst(%dma_wait3A_227 : memref<512x64xbf16, #tpu.memory_space<vmem>>)
      tpu.yield
    }) : () -> ()
    %add3A_134 = arith.constant 0 : i32
    %add3A_135 = arith.addi %mul3A_0, %add3A_134 : i32
    %dma_start3A_136 = arith.constant 0 : i32
    %dma_start3A_137 = arith.constant 0 : i32
    %dma_start3A_138 = arith.constant 0 : i32
    %dma_start3A_139 = tpu.memref_slice %arg8[%dma_start3A_136, %dma_start3A_137, %dma_start3A_138] : memref<2x512x64xbf16, #tpu.memory_space<vmem>> -> memref<1x512x64xbf16, #tpu.memory_space<vmem>>
    %dma_start3A_140 = tpu.memref_squeeze %dma_start3A_139 : memref<1x512x64xbf16, #tpu.memory_space<vmem>> -> memref<512x64xbf16, #tpu.memory_space<vmem>>
    %dma_start3A_141 = arith.constant 0 : i32
    %dma_start3A_142 = tpu.memref_slice %arg5[%arg0, %add3A_135, %dma_start3A_141] : memref<2x10240x64xbf16, #tpu.memory_space<hbm>> -> memref<1x512x64xbf16, #tpu.memory_space<hbm>>
    %dma_start3A_143 = tpu.memref_squeeze %dma_start3A_142 : memref<1x512x64xbf16, #tpu.memory_space<hbm>> -> memref<512x64xbf16, #tpu.memory_space<hbm>>
    %dma_start3A_144 = arith.constant 0 : i32
    %dma_start3A_145 = tpu.memref_slice %arg5[%arg0, %add3A_135, %dma_start3A_144] : memref<2x10240x64xbf16, #tpu.memory_space<hbm>> -> memref<1x512x64xbf16, #tpu.memory_space<hbm>>
    %dma_start3A_146 = tpu.memref_squeeze %dma_start3A_145 : memref<1x512x64xbf16, #tpu.memory_space<hbm>> -> memref<512x64xbf16, #tpu.memory_space<hbm>>
    %dma_start3A_147 = arith.constant 0 : i32
    %dma_start3A_148 = arith.constant 0 : i32
    %dma_start3A_149 = tpu.memref_slice %arg8[%dma_start3A_136, %dma_start3A_147, %dma_start3A_148] : memref<2x512x64xbf16, #tpu.memory_space<vmem>> -> memref<1x512x64xbf16, #tpu.memory_space<vmem>>
    %dma_start3A_150 = tpu.memref_squeeze %dma_start3A_149 : memref<1x512x64xbf16, #tpu.memory_space<vmem>> -> memref<512x64xbf16, #tpu.memory_space<vmem>>
    tpu.enqueue_dma source(%dma_start3A_150 : memref<512x64xbf16, #tpu.memory_space<vmem>>) target(%dma_start3A_146 : memref<512x64xbf16, #tpu.memory_space<hbm>>) target_semaphore(%arg9 : memref<!tpu.dma_semaphore, #tpu.memory_space<semaphore_mem>>)
    %add3A_151 = arith.constant 512 : i32
    %add3A_152 = arith.addi %mul3A_0, %add3A_151 : i32
    %run_scoped3A_153 = arith.constant 1 : i32
    "tpu.region"() ({
      %run_scoped3A_205 = tpu.sem_alloc : memref<!tpu.dma_semaphore, #tpu.memory_space<semaphore_mem>>
      %dma_start3A_206 = arith.constant 0 : i32
      %dma_start3A_207 = arith.constant 0 : i32
      %dma_start3A_208 = tpu.memref_slice %arg8[%run_scoped3A_153, %dma_start3A_206, %dma_start3A_207] : memref<2x512x64xbf16, #tpu.memory_space<vmem>> -> memref<1x128x64xbf16, #tpu.memory_space<vmem>>
      %dma_start3A_209 = tpu.memref_squeeze %dma_start3A_208 : memref<1x128x64xbf16, #tpu.memory_space<vmem>> -> memref<128x64xbf16, #tpu.memory_space<vmem>>
      %dma_start3A_210 = arith.constant 0 : i32
      %dma_start3A_211 = tpu.memref_slice %arg11[%add3A_152, %dma_start3A_210] : memref<10240x64xbf16, #tpu.memory_space<vmem_shared>> -> memref<128x64xbf16, #tpu.memory_space<vmem_shared>>
      %dma_start3A_212 = arith.constant 0 : i32
      %dma_start3A_213 = arith.constant 0 : i32
      %dma_start3A_214 = tpu.memref_slice %arg8[%run_scoped3A_153, %dma_start3A_212, %dma_start3A_213] : memref<2x512x64xbf16, #tpu.memory_space<vmem>> -> memref<1x128x64xbf16, #tpu.memory_space<vmem>>
      %dma_start3A_215 = tpu.memref_squeeze %dma_start3A_214 : memref<1x128x64xbf16, #tpu.memory_space<vmem>> -> memref<128x64xbf16, #tpu.memory_space<vmem>>
      %dma_start3A_216 = arith.constant 0 : i32
      %dma_start3A_217 = tpu.memref_slice %arg11[%add3A_152, %dma_start3A_216] : memref<10240x64xbf16, #tpu.memory_space<vmem_shared>> -> memref<128x64xbf16, #tpu.memory_space<vmem_shared>>
      tpu.enqueue_dma source(%dma_start3A_217 : memref<128x64xbf16, #tpu.memory_space<vmem_shared>>) target(%dma_start3A_215 : memref<128x64xbf16, #tpu.memory_space<vmem>>) target_semaphore(%run_scoped3A_205 : memref<!tpu.dma_semaphore, #tpu.memory_space<semaphore_mem>>)
      %dma_wait3A_218 = arith.constant 0 : i32
      %dma_wait3A_219 = arith.constant 0 : i32
      %dma_wait3A_220 = tpu.memref_slice %arg8[%run_scoped3A_153, %dma_wait3A_218, %dma_wait3A_219] : memref<2x512x64xbf16, #tpu.memory_space<vmem>> -> memref<1x128x64xbf16, #tpu.memory_space<vmem>>
      %dma_wait3A_221 = tpu.memref_squeeze %dma_wait3A_220 : memref<1x128x64xbf16, #tpu.memory_space<vmem>> -> memref<128x64xbf16, #tpu.memory_space<vmem>>
      %dma_wait3A_222 = arith.constant 0 : i32
      %dma_wait3A_223 = tpu.memref_slice %arg11[%add3A_152, %dma_wait3A_222] : memref<10240x64xbf16, #tpu.memory_space<vmem_shared>> -> memref<128x64xbf16, #tpu.memory_space<vmem_shared>>
      %dma_wait3A_224 = arith.constant 0 : i32
      %dma_wait3A_225 = arith.constant 0 : i32
      %dma_wait3A_226 = tpu.memref_slice %arg8[%run_scoped3A_153, %dma_wait3A_224, %dma_wait3A_225] : memref<2x512x64xbf16, #tpu.memory_space<vmem>> -> memref<1x128x64xbf16, #tpu.memory_space<vmem>>
      %dma_wait3A_227 = tpu.memref_squeeze %dma_wait3A_226 : memref<1x128x64xbf16, #tpu.memory_space<vmem>> -> memref<128x64xbf16, #tpu.memory_space<vmem>>
      %dma_wait3A_228 = arith.constant 0 : i32
      %dma_wait3A_229 = tpu.memref_slice %arg11[%add3A_152, %dma_wait3A_228] : memref<10240x64xbf16, #tpu.memory_space<vmem_shared>> -> memref<128x64xbf16, #tpu.memory_space<vmem_shared>>
      tpu.wait_dma2 semaphore(%run_scoped3A_205 : memref<!tpu.dma_semaphore, #tpu.memory_space<semaphore_mem>>) src(%dma_wait3A_229 : memref<128x64xbf16, #tpu.memory_space<vmem_shared>>) dst(%dma_wait3A_227 : memref<128x64xbf16, #tpu.memory_space<vmem>>)
      tpu.yield
    }) : () -> ()
    %add3A_154 = arith.constant 512 : i32
    %add3A_155 = arith.addi %mul3A_0, %add3A_154 : i32
    %dma_start3A_156 = arith.constant 1 : i32
    %dma_start3A_157 = arith.constant 0 : i32
    %dma_start3A_158 = arith.constant 0 : i32
    %dma_start3A_159 = tpu.memref_slice %arg8[%dma_start3A_156, %dma_start3A_157, %dma_start3A_158] : memref<2x512x64xbf16, #tpu.memory_space<vmem>> -> memref<1x128x64xbf16, #tpu.memory_space<vmem>>
    %dma_start3A_160 = tpu.memref_squeeze %dma_start3A_159 : memref<1x128x64xbf16, #tpu.memory_space<vmem>> -> memref<128x64xbf16, #tpu.memory_space<vmem>>
    %dma_start3A_161 = arith.constant 0 : i32
    %dma_start3A_162 = tpu.memref_slice %arg5[%arg0, %add3A_155, %dma_start3A_161] : memref<2x10240x64xbf16, #tpu.memory_space<hbm>> -> memref<1x128x64xbf16, #tpu.memory_space<hbm>>
    %dma_start3A_163 = tpu.memref_squeeze %dma_start3A_162 : memref<1x128x64xbf16, #tpu.memory_space<hbm>> -> memref<128x64xbf16, #tpu.memory_space<hbm>>
    %dma_start3A_164 = arith.constant 0 : i32
    %dma_start3A_165 = tpu.memref_slice %arg5[%arg0, %add3A_155, %dma_start3A_164] : memref<2x10240x64xbf16, #tpu.memory_space<hbm>> -> memref<1x128x64xbf16, #tpu.memory_space<hbm>>
    %dma_start3A_166 = tpu.memref_squeeze %dma_start3A_165 : memref<1x128x64xbf16, #tpu.memory_space<hbm>> -> memref<128x64xbf16, #tpu.memory_space<hbm>>
    %dma_start3A_167 = arith.constant 0 : i32
    %dma_start3A_168 = arith.constant 0 : i32
    %dma_start3A_169 = tpu.memref_slice %arg8[%dma_start3A_156, %dma_start3A_167, %dma_start3A_168] : memref<2x512x64xbf16, #tpu.memory_space<vmem>> -> memref<1x128x64xbf16, #tpu.memory_space<vmem>>
    %dma_start3A_170 = tpu.memref_squeeze %dma_start3A_169 : memref<1x128x64xbf16, #tpu.memory_space<vmem>> -> memref<128x64xbf16, #tpu.memory_space<vmem>>
    tpu.enqueue_dma source(%dma_start3A_170 : memref<128x64xbf16, #tpu.memory_space<vmem>>) target(%dma_start3A_166 : memref<128x64xbf16, #tpu.memory_space<hbm>>) target_semaphore(%arg9 : memref<!tpu.dma_semaphore, #tpu.memory_space<semaphore_mem>>)
    %add3A_171 = arith.constant 0 : i32
    %add3A_172 = arith.addi %mul3A_0, %add3A_171 : i32
    %dma_wait3A_173 = arith.constant 0 : i32
    %dma_wait3A_174 = arith.constant 0 : i32
    %dma_wait3A_175 = arith.constant 0 : i32
    %dma_wait3A_176 = tpu.memref_slice %arg8[%dma_wait3A_173, %dma_wait3A_174, %dma_wait3A_175] : memref<2x512x64xbf16, #tpu.memory_space<vmem>> -> memref<1x512x64xbf16, #tpu.memory_space<vmem>>
    %dma_wait3A_177 = tpu.memref_squeeze %dma_wait3A_176 : memref<1x512x64xbf16, #tpu.memory_space<vmem>> -> memref<512x64xbf16, #tpu.memory_space<vmem>>
    %dma_wait3A_178 = arith.constant 0 : i32
    %dma_wait3A_179 = tpu.memref_slice %arg5[%arg0, %add3A_172, %dma_wait3A_178] : memref<2x10240x64xbf16, #tpu.memory_space<hbm>> -> memref<1x512x64xbf16, #tpu.memory_space<hbm>>
    %dma_wait3A_180 = tpu.memref_squeeze %dma_wait3A_179 : memref<1x512x64xbf16, #tpu.memory_space<hbm>> -> memref<512x64xbf16, #tpu.memory_space<hbm>>
    %dma_wait3A_181 = arith.constant 0 : i32
    %dma_wait3A_182 = tpu.memref_slice %arg5[%arg0, %add3A_172, %dma_wait3A_181] : memref<2x10240x64xbf16, #tpu.memory_space<hbm>> -> memref<1x512x64xbf16, #tpu.memory_space<hbm>>
    %dma_wait3A_183 = tpu.memref_squeeze %dma_wait3A_182 : memref<1x512x64xbf16, #tpu.memory_space<hbm>> -> memref<512x64xbf16, #tpu.memory_space<hbm>>
    %dma_wait3A_184 = arith.constant 0 : i32
    %dma_wait3A_185 = arith.constant 0 : i32
    %dma_wait3A_186 = tpu.memref_slice %arg8[%dma_wait3A_173, %dma_wait3A_184, %dma_wait3A_185] : memref<2x512x64xbf16, #tpu.memory_space<vmem>> -> memref<1x512x64xbf16, #tpu.memory_space<vmem>>
    %dma_wait3A_187 = tpu.memref_squeeze %dma_wait3A_186 : memref<1x512x64xbf16, #tpu.memory_space<vmem>> -> memref<512x64xbf16, #tpu.memory_space<vmem>>
    tpu.wait_dma2 semaphore(%arg9 : memref<!tpu.dma_semaphore, #tpu.memory_space<semaphore_mem>>) src(%dma_wait3A_187 : memref<512x64xbf16, #tpu.memory_space<vmem>>) dst(%dma_wait3A_183 : memref<512x64xbf16, #tpu.memory_space<hbm>>)
    %add3A_188 = arith.constant 512 : i32
    %add3A_189 = arith.addi %mul3A_0, %add3A_188 : i32
    %dma_wait3A_190 = arith.constant 1 : i32
    %dma_wait3A_191 = arith.constant 0 : i32
    %dma_wait3A_192 = arith.constant 0 : i32
    %dma_wait3A_193 = tpu.memref_slice %arg8[%dma_wait3A_190, %dma_wait3A_191, %dma_wait3A_192] : memref<2x512x64xbf16, #tpu.memory_space<vmem>> -> memref<1x128x64xbf16, #tpu.memory_space<vmem>>
    %dma_wait3A_194 = tpu.memref_squeeze %dma_wait3A_193 : memref<1x128x64xbf16, #tpu.memory_space<vmem>> -> memref<128x64xbf16, #tpu.memory_space<vmem>>
    %dma_wait3A_195 = arith.constant 0 : i32
    %dma_wait3A_196 = tpu.memref_slice %arg5[%arg0, %add3A_189, %dma_wait3A_195] : memref<2x10240x64xbf16, #tpu.memory_space<hbm>> -> memref<1x128x64xbf16, #tpu.memory_space<hbm>>
    %dma_wait3A_197 = tpu.memref_squeeze %dma_wait3A_196 : memref<1x128x64xbf16, #tpu.memory_space<hbm>> -> memref<128x64xbf16, #tpu.memory_space<hbm>>
    %dma_wait3A_198 = arith.constant 0 : i32
    %dma_wait3A_199 = tpu.memref_slice %arg5[%arg0, %add3A_189, %dma_wait3A_198] : memref<2x10240x64xbf16, #tpu.memory_space<hbm>> -> memref<1x128x64xbf16, #tpu.memory_space<hbm>>
    %dma_wait3A_200 = tpu.memref_squeeze %dma_wait3A_199 : memref<1x128x64xbf16, #tpu.memory_space<hbm>> -> memref<128x64xbf16, #tpu.memory_space<hbm>>
    %dma_wait3A_201 = arith.constant 0 : i32
    %dma_wait3A_202 = arith.constant 0 : i32
    %dma_wait3A_203 = tpu.memref_slice %arg8[%dma_wait3A_190, %dma_wait3A_201, %dma_wait3A_202] : memref<2x512x64xbf16, #tpu.memory_space<vmem>> -> memref<1x128x64xbf16, #tpu.memory_space<vmem>>
    %dma_wait3A_204 = tpu.memref_squeeze %dma_wait3A_203 : memref<1x128x64xbf16, #tpu.memory_space<vmem>> -> memref<128x64xbf16, #tpu.memory_space<vmem>>
    tpu.wait_dma2 semaphore(%arg9 : memref<!tpu.dma_semaphore, #tpu.memory_space<semaphore_mem>>) src(%dma_wait3A_204 : memref<128x64xbf16, #tpu.memory_space<vmem>>) dst(%dma_wait3A_200 : memref<128x64xbf16, #tpu.memory_space<hbm>>)
    return
  }
}

#map = affine_map<(d0, d1) -> (0, 0)>
module attributes {stable_mosaic.version = 14 : i64} {
  func.func @_deg_body(%arg0: i32, %arg1: i32, %arg2: memref<32x10240xi32, #tpu.memory_space<hbm>>, %arg3: memref<2x10240xf32, #tpu.memory_space<hbm>>, %arg4: memref<10240xi32, #tpu.memory_space<vmem>>, %arg5: memref<10240xf32, #tpu.memory_space<vmem>>, %arg6: memref<16x640xf32, #tpu.memory_space<vmem>>, %arg7: memref<640xf32, #tpu.memory_space<vmem>>, %arg8: memref<16x10240xf32, #tpu.memory_space<vmem_shared>>) attributes {dimension_semantics = [#tpu.dimension_semantics<core_parallel>, #tpu.dimension_semantics<subcore_parallel>], iteration_bounds = array<i64: 2, 16>, scalar_prefetch = 0 : i64, scratch_operands = 5 : i64, tpu.core_type = #tpu.core_type<sc_vector_subcore>, window_params = [{transform_indices = #map}, {transform_indices = #map}]} {
    %mul3A = arith.constant 2 : i32
    %mul3A_0 = arith.muli %arg1, %mul3A : i32
    %add3A = arith.addi %mul3A_0, %arg0 : i32
    %broadcast_in_dim3A = arith.constant 0.000000e+00 : f32
    %broadcast_in_dim3A_1 = vector.broadcast %broadcast_in_dim3A : f32 to vector<16xf32>
    %scan3A = arith.constant 0 : i32
    %scan3A_2 = arith.constant 0 : i32
    %scan3A_3 = arith.constant 640 : i32
    %scan3A_4 = arith.addi %scan3A_2, %scan3A_3 : i32
    %scan3A_5 = arith.constant 1 : i32
    scf.for %scan3A_25 = %scan3A_2 to %scan3A_4 step %scan3A_5  : i32 {
      %mul3A_26 = arith.constant 16 : i32
      %mul3A_27 = arith.muli %scan3A_25, %mul3A_26 : i32
      %swap3A = arith.index_cast %mul3A_27 : i32 to index
      %swap3A_28 = tpu.vector_load %arg5[%swap3A] {strides = array<i32>} : memref<10240xf32, #tpu.memory_space<vmem>>, vector<16xf32>,
      tpu.vector_store %arg5[%swap3A], %broadcast_in_dim3A_1 {strides = array<i32>} : memref<10240xf32, #tpu.memory_space<vmem>>, vector<16xf32>,
    }
    %scan3A_6 = arith.constant 640 : i32
    "tpu.region"() ({
      %run_scoped3A = tpu.sem_alloc : memref<!tpu.dma_semaphore, #tpu.memory_space<semaphore_mem>>
      %dma_start3A = arith.constant 0 : i32
      %dma_start3A_25 = tpu.memref_slice %arg2[%add3A, %dma_start3A] : memref<32x10240xi32, #tpu.memory_space<hbm>> -> memref<1x10240xi32, #tpu.memory_space<hbm>>
      %dma_start3A_26 = tpu.memref_squeeze %dma_start3A_25 : memref<1x10240xi32, #tpu.memory_space<hbm>> -> memref<10240xi32, #tpu.memory_space<hbm>>
      %dma_start3A_27 = arith.constant 0 : i32
      %dma_start3A_28 = tpu.memref_slice %arg2[%add3A, %dma_start3A_27] : memref<32x10240xi32, #tpu.memory_space<hbm>> -> memref<1x10240xi32, #tpu.memory_space<hbm>>
      %dma_start3A_29 = tpu.memref_squeeze %dma_start3A_28 : memref<1x10240xi32, #tpu.memory_space<hbm>> -> memref<10240xi32, #tpu.memory_space<hbm>>
      tpu.enqueue_dma source(%dma_start3A_29 : memref<10240xi32, #tpu.memory_space<hbm>>) target(%arg4 : memref<10240xi32, #tpu.memory_space<vmem>>) target_semaphore(%run_scoped3A : memref<!tpu.dma_semaphore, #tpu.memory_space<semaphore_mem>>)
      %dma_wait3A = arith.constant 0 : i32
      %dma_wait3A_30 = tpu.memref_slice %arg2[%add3A, %dma_wait3A] : memref<32x10240xi32, #tpu.memory_space<hbm>> -> memref<1x10240xi32, #tpu.memory_space<hbm>>
      %dma_wait3A_31 = tpu.memref_squeeze %dma_wait3A_30 : memref<1x10240xi32, #tpu.memory_space<hbm>> -> memref<10240xi32, #tpu.memory_space<hbm>>
      %dma_wait3A_32 = arith.constant 0 : i32
      %dma_wait3A_33 = tpu.memref_slice %arg2[%add3A, %dma_wait3A_32] : memref<32x10240xi32, #tpu.memory_space<hbm>> -> memref<1x10240xi32, #tpu.memory_space<hbm>>
      %dma_wait3A_34 = tpu.memref_squeeze %dma_wait3A_33 : memref<1x10240xi32, #tpu.memory_space<hbm>> -> memref<10240xi32, #tpu.memory_space<hbm>>
      tpu.wait_dma2 semaphore(%run_scoped3A : memref<!tpu.dma_semaphore, #tpu.memory_space<semaphore_mem>>) src(%dma_wait3A_34 : memref<10240xi32, #tpu.memory_space<hbm>>) dst(%arg4 : memref<10240xi32, #tpu.memory_space<vmem>>)
      tpu.yield
    }) : () -> ()
    %broadcast_in_dim3A_7 = arith.constant 1.000000e+00 : f32
    %broadcast_in_dim3A_8 = vector.broadcast %broadcast_in_dim3A_7 : f32 to vector<16xf32>
    %scan3A_9 = arith.constant 0 : i32
    %scan3A_10 = arith.constant 0 : i32
    %scan3A_11 = arith.constant 640 : i32
    %scan3A_12 = arith.addi %scan3A_10, %scan3A_11 : i32
    %scan3A_13 = arith.constant 1 : i32
    scf.for %scan3A_25 = %scan3A_10 to %scan3A_12 step %scan3A_13  : i32 {
      %mul3A_26 = arith.constant 16 : i32
      %mul3A_27 = arith.muli %scan3A_25, %mul3A_26 : i32
      %get3A = arith.index_cast %mul3A_27 : i32 to index
      %get3A_28 = tpu.vector_load %arg4[%get3A] {strides = array<i32>} : memref<10240xi32, #tpu.memory_space<vmem>>, vector<16xi32>,
      tpu.vector_store_idx %arg5[%get3A_28], %broadcast_in_dim3A_8 {add = true} : memref<10240xf32, #tpu.memory_space<vmem>>[vector<16xi32>], vector<16xf32>,
    }
    %scan3A_14 = arith.constant 640 : i32
    "tpu.region"() ({
      %run_scoped3A = tpu.sem_alloc : memref<!tpu.dma_semaphore, #tpu.memory_space<semaphore_mem>>
      %dma_start3A = arith.constant 0 : i32
      %dma_start3A_25 = tpu.memref_slice %arg8[%arg1, %dma_start3A] : memref<16x10240xf32, #tpu.memory_space<vmem_shared>> -> memref<1x10240xf32, #tpu.memory_space<vmem_shared>>
      %dma_start3A_26 = tpu.memref_squeeze %dma_start3A_25 : memref<1x10240xf32, #tpu.memory_space<vmem_shared>> -> memref<10240xf32, #tpu.memory_space<vmem_shared>>
      %dma_start3A_27 = arith.constant 0 : i32
      %dma_start3A_28 = tpu.memref_slice %arg8[%arg1, %dma_start3A_27] : memref<16x10240xf32, #tpu.memory_space<vmem_shared>> -> memref<1x10240xf32, #tpu.memory_space<vmem_shared>>
      %dma_start3A_29 = tpu.memref_squeeze %dma_start3A_28 : memref<1x10240xf32, #tpu.memory_space<vmem_shared>> -> memref<10240xf32, #tpu.memory_space<vmem_shared>>
      tpu.enqueue_dma source(%arg5 : memref<10240xf32, #tpu.memory_space<vmem>>) target(%dma_start3A_29 : memref<10240xf32, #tpu.memory_space<vmem_shared>>) target_semaphore(%run_scoped3A : memref<!tpu.dma_semaphore, #tpu.memory_space<semaphore_mem>>)
      %dma_wait3A = arith.constant 0 : i32
      %dma_wait3A_30 = tpu.memref_slice %arg8[%arg1, %dma_wait3A] : memref<16x10240xf32, #tpu.memory_space<vmem_shared>> -> memref<1x10240xf32, #tpu.memory_space<vmem_shared>>
      %dma_wait3A_31 = tpu.memref_squeeze %dma_wait3A_30 : memref<1x10240xf32, #tpu.memory_space<vmem_shared>> -> memref<10240xf32, #tpu.memory_space<vmem_shared>>
      %dma_wait3A_32 = arith.constant 0 : i32
      %dma_wait3A_33 = tpu.memref_slice %arg8[%arg1, %dma_wait3A_32] : memref<16x10240xf32, #tpu.memory_space<vmem_shared>> -> memref<1x10240xf32, #tpu.memory_space<vmem_shared>>
      %dma_wait3A_34 = tpu.memref_squeeze %dma_wait3A_33 : memref<1x10240xf32, #tpu.memory_space<vmem_shared>> -> memref<10240xf32, #tpu.memory_space<vmem_shared>>
      tpu.wait_dma2 semaphore(%run_scoped3A : memref<!tpu.dma_semaphore, #tpu.memory_space<semaphore_mem>>) src(%arg5 : memref<10240xf32, #tpu.memory_space<vmem>>) dst(%dma_wait3A_34 : memref<10240xf32, #tpu.memory_space<vmem_shared>>)
      tpu.yield
    }) : () -> ()
    %barrier3A = arith.constant 0 : index
    tpu.barrier barrier_id(%barrier3A)
    %mul3A_15 = arith.constant 640 : i32
    %mul3A_16 = arith.muli %arg1, %mul3A_15 : i32
    "tpu.region"() ({
      %run_scoped3A = tpu.sem_alloc : memref<!tpu.dma_semaphore, #tpu.memory_space<semaphore_mem>>
      %dma_start3A = arith.constant 0 : i32
      %dma_start3A_25 = tpu.memref_slice %arg8[%dma_start3A, %mul3A_16] : memref<16x10240xf32, #tpu.memory_space<vmem_shared>> -> memref<16x640xf32, #tpu.memory_space<vmem_shared>>
      %dma_start3A_26 = arith.constant 0 : i32
      %dma_start3A_27 = tpu.memref_slice %arg8[%dma_start3A_26, %mul3A_16] : memref<16x10240xf32, #tpu.memory_space<vmem_shared>> -> memref<16x640xf32, #tpu.memory_space<vmem_shared>>
      tpu.enqueue_dma source(%dma_start3A_27 : memref<16x640xf32, #tpu.memory_space<vmem_shared>>) target(%arg6 : memref<16x640xf32, #tpu.memory_space<vmem>>) target_semaphore(%run_scoped3A : memref<!tpu.dma_semaphore, #tpu.memory_space<semaphore_mem>>)
      %dma_wait3A = arith.constant 0 : i32
      %dma_wait3A_28 = tpu.memref_slice %arg8[%dma_wait3A, %mul3A_16] : memref<16x10240xf32, #tpu.memory_space<vmem_shared>> -> memref<16x640xf32, #tpu.memory_space<vmem_shared>>
      %dma_wait3A_29 = arith.constant 0 : i32
      %dma_wait3A_30 = tpu.memref_slice %arg8[%dma_wait3A_29, %mul3A_16] : memref<16x10240xf32, #tpu.memory_space<vmem_shared>> -> memref<16x640xf32, #tpu.memory_space<vmem_shared>>
      tpu.wait_dma2 semaphore(%run_scoped3A : memref<!tpu.dma_semaphore, #tpu.memory_space<semaphore_mem>>) src(%dma_wait3A_30 : memref<16x640xf32, #tpu.memory_space<vmem_shared>>) dst(%arg6 : memref<16x640xf32, #tpu.memory_space<vmem>>)
      tpu.yield
    }) : () -> ()
    %scan3A_17 = arith.constant 0 : i32
    %scan3A_18 = arith.constant 0 : i32
    %scan3A_19 = arith.constant 40 : i32
    %scan3A_20 = arith.addi %scan3A_18, %scan3A_19 : i32
    %scan3A_21 = arith.constant 1 : i32
    scf.for %scan3A_25 = %scan3A_18 to %scan3A_20 step %scan3A_21  : i32 {
      %broadcast_in_dim3A_26 = arith.constant 0.000000e+00 : f32
      %broadcast_in_dim3A_27 = vector.broadcast %broadcast_in_dim3A_26 : f32 to vector<16xf32>
      %mul3A_28 = arith.constant 16 : i32
      %mul3A_29 = arith.muli %scan3A_25, %mul3A_28 : i32
      %get3A = arith.constant 0 : i32
      %get3A_30 = arith.index_cast %get3A : i32 to index
      %get3A_31 = arith.index_cast %mul3A_29 : i32 to index
      %get3A_32 = tpu.vector_load %arg6[%get3A_30, %get3A_31] {strides = array<i32>} : memref<16x640xf32, #tpu.memory_space<vmem>>, vector<16xf32>,
      %add3A_33 = arith.addf %broadcast_in_dim3A_27, %get3A_32 : vector<16xf32>
      %mul3A_34 = arith.constant 16 : i32
      %mul3A_35 = arith.muli %scan3A_25, %mul3A_34 : i32
      %get3A_36 = arith.constant 1 : i32
      %get3A_37 = arith.index_cast %get3A_36 : i32 to index
      %get3A_38 = arith.index_cast %mul3A_35 : i32 to index
      %get3A_39 = tpu.vector_load %arg6[%get3A_37, %get3A_38] {strides = array<i32>} : memref<16x640xf32, #tpu.memory_space<vmem>>, vector<16xf32>,
      %add3A_40 = arith.addf %add3A_33, %get3A_39 : vector<16xf32>
      %mul3A_41 = arith.constant 16 : i32
      %mul3A_42 = arith.muli %scan3A_25, %mul3A_41 : i32
      %get3A_43 = arith.constant 2 : i32
      %get3A_44 = arith.index_cast %get3A_43 : i32 to index
      %get3A_45 = arith.index_cast %mul3A_42 : i32 to index
      %get3A_46 = tpu.vector_load %arg6[%get3A_44, %get3A_45] {strides = array<i32>} : memref<16x640xf32, #tpu.memory_space<vmem>>, vector<16xf32>,
      %add3A_47 = arith.addf %add3A_40, %get3A_46 : vector<16xf32>
      %mul3A_48 = arith.constant 16 : i32
      %mul3A_49 = arith.muli %scan3A_25, %mul3A_48 : i32
      %get3A_50 = arith.constant 3 : i32
      %get3A_51 = arith.index_cast %get3A_50 : i32 to index
      %get3A_52 = arith.index_cast %mul3A_49 : i32 to index
      %get3A_53 = tpu.vector_load %arg6[%get3A_51, %get3A_52] {strides = array<i32>} : memref<16x640xf32, #tpu.memory_space<vmem>>, vector<16xf32>,
      %add3A_54 = arith.addf %add3A_47, %get3A_53 : vector<16xf32>
      %mul3A_55 = arith.constant 16 : i32
      %mul3A_56 = arith.muli %scan3A_25, %mul3A_55 : i32
      %get3A_57 = arith.constant 4 : i32
      %get3A_58 = arith.index_cast %get3A_57 : i32 to index
      %get3A_59 = arith.index_cast %mul3A_56 : i32 to index
      %get3A_60 = tpu.vector_load %arg6[%get3A_58, %get3A_59] {strides = array<i32>} : memref<16x640xf32, #tpu.memory_space<vmem>>, vector<16xf32>,
      %add3A_61 = arith.addf %add3A_54, %get3A_60 : vector<16xf32>
      %mul3A_62 = arith.constant 16 : i32
      %mul3A_63 = arith.muli %scan3A_25, %mul3A_62 : i32
      %get3A_64 = arith.constant 5 : i32
      %get3A_65 = arith.index_cast %get3A_64 : i32 to index
      %get3A_66 = arith.index_cast %mul3A_63 : i32 to index
      %get3A_67 = tpu.vector_load %arg6[%get3A_65, %get3A_66] {strides = array<i32>} : memref<16x640xf32, #tpu.memory_space<vmem>>, vector<16xf32>,
      %add3A_68 = arith.addf %add3A_61, %get3A_67 : vector<16xf32>
      %mul3A_69 = arith.constant 16 : i32
      %mul3A_70 = arith.muli %scan3A_25, %mul3A_69 : i32
      %get3A_71 = arith.constant 6 : i32
      %get3A_72 = arith.index_cast %get3A_71 : i32 to index
      %get3A_73 = arith.index_cast %mul3A_70 : i32 to index
      %get3A_74 = tpu.vector_load %arg6[%get3A_72, %get3A_73] {strides = array<i32>} : memref<16x640xf32, #tpu.memory_space<vmem>>, vector<16xf32>,
      %add3A_75 = arith.addf %add3A_68, %get3A_74 : vector<16xf32>
      %mul3A_76 = arith.constant 16 : i32
      %mul3A_77 = arith.muli %scan3A_25, %mul3A_76 : i32
      %get3A_78 = arith.constant 7 : i32
      %get3A_79 = arith.index_cast %get3A_78 : i32 to index
      %get3A_80 = arith.index_cast %mul3A_77 : i32 to index
      %get3A_81 = tpu.vector_load %arg6[%get3A_79, %get3A_80] {strides = array<i32>} : memref<16x640xf32, #tpu.memory_space<vmem>>, vector<16xf32>,
      %add3A_82 = arith.addf %add3A_75, %get3A_81 : vector<16xf32>
      %mul3A_83 = arith.constant 16 : i32
      %mul3A_84 = arith.muli %scan3A_25, %mul3A_83 : i32
      %get3A_85 = arith.constant 8 : i32
      %get3A_86 = arith.index_cast %get3A_85 : i32 to index
      %get3A_87 = arith.index_cast %mul3A_84 : i32 to index
      %get3A_88 = tpu.vector_load %arg6[%get3A_86, %get3A_87] {strides = array<i32>} : memref<16x640xf32, #tpu.memory_space<vmem>>, vector<16xf32>,
      %add3A_89 = arith.addf %add3A_82, %get3A_88 : vector<16xf32>
      %mul3A_90 = arith.constant 16 : i32
      %mul3A_91 = arith.muli %scan3A_25, %mul3A_90 : i32
      %get3A_92 = arith.constant 9 : i32
      %get3A_93 = arith.index_cast %get3A_92 : i32 to index
      %get3A_94 = arith.index_cast %mul3A_91 : i32 to index
      %get3A_95 = tpu.vector_load %arg6[%get3A_93, %get3A_94] {strides = array<i32>} : memref<16x640xf32, #tpu.memory_space<vmem>>, vector<16xf32>,
      %add3A_96 = arith.addf %add3A_89, %get3A_95 : vector<16xf32>
      %mul3A_97 = arith.constant 16 : i32
      %mul3A_98 = arith.muli %scan3A_25, %mul3A_97 : i32
      %get3A_99 = arith.constant 10 : i32
      %get3A_100 = arith.index_cast %get3A_99 : i32 to index
      %get3A_101 = arith.index_cast %mul3A_98 : i32 to index
      %get3A_102 = tpu.vector_load %arg6[%get3A_100, %get3A_101] {strides = array<i32>} : memref<16x640xf32, #tpu.memory_space<vmem>>, vector<16xf32>,
      %add3A_103 = arith.addf %add3A_96, %get3A_102 : vector<16xf32>
      %mul3A_104 = arith.constant 16 : i32
      %mul3A_105 = arith.muli %scan3A_25, %mul3A_104 : i32
      %get3A_106 = arith.constant 11 : i32
      %get3A_107 = arith.index_cast %get3A_106 : i32 to index
      %get3A_108 = arith.index_cast %mul3A_105 : i32 to index
      %get3A_109 = tpu.vector_load %arg6[%get3A_107, %get3A_108] {strides = array<i32>} : memref<16x640xf32, #tpu.memory_space<vmem>>, vector<16xf32>,
      %add3A_110 = arith.addf %add3A_103, %get3A_109 : vector<16xf32>
      %mul3A_111 = arith.constant 16 : i32
      %mul3A_112 = arith.muli %scan3A_25, %mul3A_111 : i32
      %get3A_113 = arith.constant 12 : i32
      %get3A_114 = arith.index_cast %get3A_113 : i32 to index
      %get3A_115 = arith.index_cast %mul3A_112 : i32 to index
      %get3A_116 = tpu.vector_load %arg6[%get3A_114, %get3A_115] {strides = array<i32>} : memref<16x640xf32, #tpu.memory_space<vmem>>, vector<16xf32>,
      %add3A_117 = arith.addf %add3A_110, %get3A_116 : vector<16xf32>
      %mul3A_118 = arith.constant 16 : i32
      %mul3A_119 = arith.muli %scan3A_25, %mul3A_118 : i32
      %get3A_120 = arith.constant 13 : i32
      %get3A_121 = arith.index_cast %get3A_120 : i32 to index
      %get3A_122 = arith.index_cast %mul3A_119 : i32 to index
      %get3A_123 = tpu.vector_load %arg6[%get3A_121, %get3A_122] {strides = array<i32>} : memref<16x640xf32, #tpu.memory_space<vmem>>, vector<16xf32>,
      %add3A_124 = arith.addf %add3A_117, %get3A_123 : vector<16xf32>
      %mul3A_125 = arith.constant 16 : i32
      %mul3A_126 = arith.muli %scan3A_25, %mul3A_125 : i32
      %get3A_127 = arith.constant 14 : i32
      %get3A_128 = arith.index_cast %get3A_127 : i32 to index
      %get3A_129 = arith.index_cast %mul3A_126 : i32 to index
      %get3A_130 = tpu.vector_load %arg6[%get3A_128, %get3A_129] {strides = array<i32>} : memref<16x640xf32, #tpu.memory_space<vmem>>, vector<16xf32>,
      %add3A_131 = arith.addf %add3A_124, %get3A_130 : vector<16xf32>
      %mul3A_132 = arith.constant 16 : i32
      %mul3A_133 = arith.muli %scan3A_25, %mul3A_132 : i32
      %get3A_134 = arith.constant 15 : i32
      %get3A_135 = arith.index_cast %get3A_134 : i32 to index
      %get3A_136 = arith.index_cast %mul3A_133 : i32 to index
      %get3A_137 = tpu.vector_load %arg6[%get3A_135, %get3A_136] {strides = array<i32>} : memref<16x640xf32, #tpu.memory_space<vmem>>, vector<16xf32>,
      %add3A_138 = arith.addf %add3A_131, %get3A_137 : vector<16xf32>
      %mul3A_139 = arith.constant 16 : i32
      %mul3A_140 = arith.muli %scan3A_25, %mul3A_139 : i32
      %swap3A = arith.index_cast %mul3A_140 : i32 to index
      %swap3A_141 = tpu.vector_load %arg7[%swap3A] {strides = array<i32>} : memref<640xf32, #tpu.memory_space<vmem>>, vector<16xf32>,
      tpu.vector_store %arg7[%swap3A], %add3A_138 {strides = array<i32>} : memref<640xf32, #tpu.memory_space<vmem>>, vector<16xf32>,
    }
    %scan3A_22 = arith.constant 40 : i32
    %mul3A_23 = arith.constant 640 : i32
    %mul3A_24 = arith.muli %arg1, %mul3A_23 : i32
    "tpu.region"() ({
      %run_scoped3A = tpu.sem_alloc : memref<!tpu.dma_semaphore, #tpu.memory_space<semaphore_mem>>
      %dma_start3A = tpu.memref_slice %arg3[%arg0, %mul3A_24] : memref<2x10240xf32, #tpu.memory_space<hbm>> -> memref<1x640xf32, #tpu.memory_space<hbm>>
      %dma_start3A_25 = tpu.memref_squeeze %dma_start3A : memref<1x640xf32, #tpu.memory_space<hbm>> -> memref<640xf32, #tpu.memory_space<hbm>>
      %dma_start3A_26 = tpu.memref_slice %arg3[%arg0, %mul3A_24] : memref<2x10240xf32, #tpu.memory_space<hbm>> -> memref<1x640xf32, #tpu.memory_space<hbm>>
      %dma_start3A_27 = tpu.memref_squeeze %dma_start3A_26 : memref<1x640xf32, #tpu.memory_space<hbm>> -> memref<640xf32, #tpu.memory_space<hbm>>
      tpu.enqueue_dma source(%arg7 : memref<640xf32, #tpu.memory_space<vmem>>) target(%dma_start3A_27 : memref<640xf32, #tpu.memory_space<hbm>>) target_semaphore(%run_scoped3A : memref<!tpu.dma_semaphore, #tpu.memory_space<semaphore_mem>>)
      %dma_wait3A = tpu.memref_slice %arg3[%arg0, %mul3A_24] : memref<2x10240xf32, #tpu.memory_space<hbm>> -> memref<1x640xf32, #tpu.memory_space<hbm>>
      %dma_wait3A_28 = tpu.memref_squeeze %dma_wait3A : memref<1x640xf32, #tpu.memory_space<hbm>> -> memref<640xf32, #tpu.memory_space<hbm>>
      %dma_wait3A_29 = tpu.memref_slice %arg3[%arg0, %mul3A_24] : memref<2x10240xf32, #tpu.memory_space<hbm>> -> memref<1x640xf32, #tpu.memory_space<hbm>>
      %dma_wait3A_30 = tpu.memref_squeeze %dma_wait3A_29 : memref<1x640xf32, #tpu.memory_space<hbm>> -> memref<640xf32, #tpu.memory_space<hbm>>
      tpu.wait_dma2 semaphore(%run_scoped3A : memref<!tpu.dma_semaphore, #tpu.memory_space<semaphore_mem>>) src(%arg7 : memref<640xf32, #tpu.memory_space<vmem>>) dst(%dma_wait3A_30 : memref<640xf32, #tpu.memory_space<hbm>>)
      tpu.yield
    }) : () -> ()
    return
  }
}

#map = affine_map<(d0, d1) -> (0, 0, 0)>
module attributes {stable_mosaic.version = 14 : i64} {
  func.func @_agg_body(%arg0: i32, %arg1: i32, %arg2: memref<2x10240x64xbf16, #tpu.memory_space<hbm>>, %arg3: memref<16x40x512xi32, #tpu.memory_space<hbm>>, %arg4: memref<16x40x512xi32, #tpu.memory_space<hbm>>, %arg5: memref<2x10240x64xbf16, #tpu.memory_space<hbm>>, %arg6: memref<40x512xi32, #tpu.memory_space<vmem>>, %arg7: memref<40x512xi32, #tpu.memory_space<vmem>>, %arg8: memref<2x512x64xbf16, #tpu.memory_space<vmem>>, %arg9: memref<!tpu.dma_semaphore, #tpu.memory_space<semaphore_mem>>, %arg10: memref<10240x64xbf16, #tpu.memory_space<vmem_shared>>, %arg11: memref<10240x64xbf16, #tpu.memory_space<vmem_shared>>) attributes {dimension_semantics = [#tpu.dimension_semantics<core_parallel>, #tpu.dimension_semantics<subcore_parallel>], iteration_bounds = array<i64: 2, 16>, scalar_prefetch = 0 : i64, scratch_operands = 6 : i64, tpu.core_type = #tpu.core_type<sc_vector_subcore>, window_params = [{transform_indices = #map}, {transform_indices = #map}, {transform_indices = #map}, {transform_indices = #map}]} {
    %mul3A = arith.constant 640 : i32
    %mul3A_0 = arith.muli %arg1, %mul3A : i32
    "tpu.region"() ({
      %run_scoped3A_205 = tpu.sem_alloc : memref<!tpu.dma_semaphore, #tpu.memory_space<semaphore_mem>>
      %dma_start3A_206 = arith.constant 0 : i32
      %dma_start3A_207 = arith.constant 0 : i32
      %dma_start3A_208 = tpu.memref_slice %arg3[%arg1, %dma_start3A_206, %dma_start3A_207] : memref<16x40x512xi32, #tpu.memory_space<hbm>> -> memref<1x40x512xi32, #tpu.memory_space<hbm>>
      %dma_start3A_209 = tpu.memref_squeeze %dma_start3A_208 : memref<1x40x512xi32, #tpu.memory_space<hbm>> -> memref<40x512xi32, #tpu.memory_space<hbm>>
      %dma_start3A_210 = arith.constant 0 : i32
      %dma_start3A_211 = arith.constant 0 : i32
      %dma_start3A_212 = tpu.memref_slice %arg3[%arg1, %dma_start3A_210, %dma_start3A_211] : memref<16x40x512xi32, #tpu.memory_space<hbm>> -> memref<1x40x512xi32, #tpu.memory_space<hbm>>
      %dma_start3A_213 = tpu.memref_squeeze %dma_start3A_212 : memref<1x40x512xi32, #tpu.memory_space<hbm>> -> memref<40x512xi32, #tpu.memory_space<hbm>>
      tpu.enqueue_dma source(%dma_start3A_213 : memref<40x512xi32, #tpu.memory_space<hbm>>) target(%arg6 : memref<40x512xi32, #tpu.memory_space<vmem>>) target_semaphore(%run_scoped3A_205 : memref<!tpu.dma_semaphore, #tpu.memory_space<semaphore_mem>>)
      %dma_wait3A_214 = arith.constant 0 : i32
      %dma_wait3A_215 = arith.constant 0 : i32
      %dma_wait3A_216 = tpu.memref_slice %arg3[%arg1, %dma_wait3A_214, %dma_wait3A_215] : memref<16x40x512xi32, #tpu.memory_space<hbm>> -> memref<1x40x512xi32, #tpu.memory_space<hbm>>
      %dma_wait3A_217 = tpu.memref_squeeze %dma_wait3A_216 : memref<1x40x512xi32, #tpu.memory_space<hbm>> -> memref<40x512xi32, #tpu.memory_space<hbm>>
      %dma_wait3A_218 = arith.constant 0 : i32
      %dma_wait3A_219 = arith.constant 0 : i32
      %dma_wait3A_220 = tpu.memref_slice %arg3[%arg1, %dma_wait3A_218, %dma_wait3A_219] : memref<16x40x512xi32, #tpu.memory_space<hbm>> -> memref<1x40x512xi32, #tpu.memory_space<hbm>>
      %dma_wait3A_221 = tpu.memref_squeeze %dma_wait3A_220 : memref<1x40x512xi32, #tpu.memory_space<hbm>> -> memref<40x512xi32, #tpu.memory_space<hbm>>
      tpu.wait_dma2 semaphore(%run_scoped3A_205 : memref<!tpu.dma_semaphore, #tpu.memory_space<semaphore_mem>>) src(%dma_wait3A_221 : memref<40x512xi32, #tpu.memory_space<hbm>>) dst(%arg6 : memref<40x512xi32, #tpu.memory_space<vmem>>)
      tpu.yield
    }) : () -> ()
    "tpu.region"() ({
      %run_scoped3A_205 = tpu.sem_alloc : memref<!tpu.dma_semaphore, #tpu.memory_space<semaphore_mem>>
      %dma_start3A_206 = arith.constant 0 : i32
      %dma_start3A_207 = arith.constant 0 : i32
      %dma_start3A_208 = tpu.memref_slice %arg4[%arg1, %dma_start3A_206, %dma_start3A_207] : memref<16x40x512xi32, #tpu.memory_space<hbm>> -> memref<1x40x512xi32, #tpu.memory_space<hbm>>
      %dma_start3A_209 = tpu.memref_squeeze %dma_start3A_208 : memref<1x40x512xi32, #tpu.memory_space<hbm>> -> memref<40x512xi32, #tpu.memory_space<hbm>>
      %dma_start3A_210 = arith.constant 0 : i32
      %dma_start3A_211 = arith.constant 0 : i32
      %dma_start3A_212 = tpu.memref_slice %arg4[%arg1, %dma_start3A_210, %dma_start3A_211] : memref<16x40x512xi32, #tpu.memory_space<hbm>> -> memref<1x40x512xi32, #tpu.memory_space<hbm>>
      %dma_start3A_213 = tpu.memref_squeeze %dma_start3A_212 : memref<1x40x512xi32, #tpu.memory_space<hbm>> -> memref<40x512xi32, #tpu.memory_space<hbm>>
      tpu.enqueue_dma source(%dma_start3A_213 : memref<40x512xi32, #tpu.memory_space<hbm>>) target(%arg7 : memref<40x512xi32, #tpu.memory_space<vmem>>) target_semaphore(%run_scoped3A_205 : memref<!tpu.dma_semaphore, #tpu.memory_space<semaphore_mem>>)
      %dma_wait3A_214 = arith.constant 0 : i32
      %dma_wait3A_215 = arith.constant 0 : i32
      %dma_wait3A_216 = tpu.memref_slice %arg4[%arg1, %dma_wait3A_214, %dma_wait3A_215] : memref<16x40x512xi32, #tpu.memory_space<hbm>> -> memref<1x40x512xi32, #tpu.memory_space<hbm>>
      %dma_wait3A_217 = tpu.memref_squeeze %dma_wait3A_216 : memref<1x40x512xi32, #tpu.memory_space<hbm>> -> memref<40x512xi32, #tpu.memory_space<hbm>>
      %dma_wait3A_218 = arith.constant 0 : i32
      %dma_wait3A_219 = arith.constant 0 : i32
      %dma_wait3A_220 = tpu.memref_slice %arg4[%arg1, %dma_wait3A_218, %dma_wait3A_219] : memref<16x40x512xi32, #tpu.memory_space<hbm>> -> memref<1x40x512xi32, #tpu.memory_space<hbm>>
      %dma_wait3A_221 = tpu.memref_squeeze %dma_wait3A_220 : memref<1x40x512xi32, #tpu.memory_space<hbm>> -> memref<40x512xi32, #tpu.memory_space<hbm>>
      tpu.wait_dma2 semaphore(%run_scoped3A_205 : memref<!tpu.dma_semaphore, #tpu.memory_space<semaphore_mem>>) src(%dma_wait3A_221 : memref<40x512xi32, #tpu.memory_space<hbm>>) dst(%arg7 : memref<40x512xi32, #tpu.memory_space<vmem>>)
      tpu.yield
    }) : () -> ()
    %add3A = arith.constant 0 : i32
    %add3A_1 = arith.addi %mul3A_0, %add3A : i32
    %dma_start3A = arith.constant 0 : i32
    %dma_start3A_2 = arith.constant 0 : i32
    %dma_start3A_3 = arith.constant 0 : i32
    %dma_start3A_4 = tpu.memref_slice %arg8[%dma_start3A, %dma_start3A_2, %dma_start3A_3] : memref<2x512x64xbf16, #tpu.memory_space<vmem>> -> memref<1x512x64xbf16, #tpu.memory_space<vmem>>
    %dma_start3A_5 = tpu.memref_squeeze %dma_start3A_4 : memref<1x512x64xbf16, #tpu.memory_space<vmem>> -> memref<512x64xbf16, #tpu.memory_space<vmem>>
    %dma_start3A_6 = arith.constant 0 : i32
    %dma_start3A_7 = arith.constant 0 : i32
    %dma_start3A_8 = tpu.memref_slice %arg2[%arg0, %dma_start3A_6, %dma_start3A_7] : memref<2x10240x64xbf16, #tpu.memory_space<hbm>> -> memref<1x10240x64xbf16, #tpu.memory_space<hbm>>
    %dma_start3A_9 = tpu.memref_squeeze %dma_start3A_8 : memref<1x10240x64xbf16, #tpu.memory_space<hbm>> -> memref<10240x64xbf16, #tpu.memory_space<hbm>>
    %dma_start3A_10 = arith.constant 0 : i32
    %dma_start3A_11 = tpu.memref_slice %dma_start3A_9[%add3A_1, %dma_start3A_10] : memref<10240x64xbf16, #tpu.memory_space<hbm>> -> memref<512x64xbf16, #tpu.memory_space<hbm>>
    %dma_start3A_12 = arith.constant 0 : i32
    %dma_start3A_13 = arith.constant 0 : i32
    %dma_start3A_14 = tpu.memref_slice %arg8[%dma_start3A, %dma_start3A_12, %dma_start3A_13] : memref<2x512x64xbf16, #tpu.memory_space<vmem>> -> memref<1x512x64xbf16, #tpu.memory_space<vmem>>
    %dma_start3A_15 = tpu.memref_squeeze %dma_start3A_14 : memref<1x512x64xbf16, #tpu.memory_space<vmem>> -> memref<512x64xbf16, #tpu.memory_space<vmem>>
    %dma_start3A_16 = arith.constant 0 : i32
    %dma_start3A_17 = arith.constant 0 : i32
    %dma_start3A_18 = tpu.memref_slice %arg2[%arg0, %dma_start3A_16, %dma_start3A_17] : memref<2x10240x64xbf16, #tpu.memory_space<hbm>> -> memref<1x10240x64xbf16, #tpu.memory_space<hbm>>
    %dma_start3A_19 = tpu.memref_squeeze %dma_start3A_18 : memref<1x10240x64xbf16, #tpu.memory_space<hbm>> -> memref<10240x64xbf16, #tpu.memory_space<hbm>>
    %dma_start3A_20 = arith.constant 0 : i32
    %dma_start3A_21 = tpu.memref_slice %dma_start3A_19[%add3A_1, %dma_start3A_20] : memref<10240x64xbf16, #tpu.memory_space<hbm>> -> memref<512x64xbf16, #tpu.memory_space<hbm>>
    tpu.enqueue_dma source(%dma_start3A_21 : memref<512x64xbf16, #tpu.memory_space<hbm>>) target(%dma_start3A_15 : memref<512x64xbf16, #tpu.memory_space<vmem>>) target_semaphore(%arg9 : memref<!tpu.dma_semaphore, #tpu.memory_space<semaphore_mem>>)
    %add3A_22 = arith.constant 512 : i32
    %add3A_23 = arith.addi %mul3A_0, %add3A_22 : i32
    %dma_start3A_24 = arith.constant 1 : i32
    %dma_start3A_25 = arith.constant 0 : i32
    %dma_start3A_26 = arith.constant 0 : i32
    %dma_start3A_27 = tpu.memref_slice %arg8[%dma_start3A_24, %dma_start3A_25, %dma_start3A_26] : memref<2x512x64xbf16, #tpu.memory_space<vmem>> -> memref<1x128x64xbf16, #tpu.memory_space<vmem>>
    %dma_start3A_28 = tpu.memref_squeeze %dma_start3A_27 : memref<1x128x64xbf16, #tpu.memory_space<vmem>> -> memref<128x64xbf16, #tpu.memory_space<vmem>>
    %dma_start3A_29 = arith.constant 0 : i32
    %dma_start3A_30 = arith.constant 0 : i32
    %dma_start3A_31 = tpu.memref_slice %arg2[%arg0, %dma_start3A_29, %dma_start3A_30] : memref<2x10240x64xbf16, #tpu.memory_space<hbm>> -> memref<1x10240x64xbf16, #tpu.memory_space<hbm>>
    %dma_start3A_32 = tpu.memref_squeeze %dma_start3A_31 : memref<1x10240x64xbf16, #tpu.memory_space<hbm>> -> memref<10240x64xbf16, #tpu.memory_space<hbm>>
    %dma_start3A_33 = arith.constant 0 : i32
    %dma_start3A_34 = tpu.memref_slice %dma_start3A_32[%add3A_23, %dma_start3A_33] : memref<10240x64xbf16, #tpu.memory_space<hbm>> -> memref<128x64xbf16, #tpu.memory_space<hbm>>
    %dma_start3A_35 = arith.constant 0 : i32
    %dma_start3A_36 = arith.constant 0 : i32
    %dma_start3A_37 = tpu.memref_slice %arg8[%dma_start3A_24, %dma_start3A_35, %dma_start3A_36] : memref<2x512x64xbf16, #tpu.memory_space<vmem>> -> memref<1x128x64xbf16, #tpu.memory_space<vmem>>
    %dma_start3A_38 = tpu.memref_squeeze %dma_start3A_37 : memref<1x128x64xbf16, #tpu.memory_space<vmem>> -> memref<128x64xbf16, #tpu.memory_space<vmem>>
    %dma_start3A_39 = arith.constant 0 : i32
    %dma_start3A_40 = arith.constant 0 : i32
    %dma_start3A_41 = tpu.memref_slice %arg2[%arg0, %dma_start3A_39, %dma_start3A_40] : memref<2x10240x64xbf16, #tpu.memory_space<hbm>> -> memref<1x10240x64xbf16, #tpu.memory_space<hbm>>
    %dma_start3A_42 = tpu.memref_squeeze %dma_start3A_41 : memref<1x10240x64xbf16, #tpu.memory_space<hbm>> -> memref<10240x64xbf16, #tpu.memory_space<hbm>>
    %dma_start3A_43 = arith.constant 0 : i32
    %dma_start3A_44 = tpu.memref_slice %dma_start3A_42[%add3A_23, %dma_start3A_43] : memref<10240x64xbf16, #tpu.memory_space<hbm>> -> memref<128x64xbf16, #tpu.memory_space<hbm>>
    tpu.enqueue_dma source(%dma_start3A_44 : memref<128x64xbf16, #tpu.memory_space<hbm>>) target(%dma_start3A_38 : memref<128x64xbf16, #tpu.memory_space<vmem>>) target_semaphore(%arg9 : memref<!tpu.dma_semaphore, #tpu.memory_space<semaphore_mem>>)
    %add3A_45 = arith.constant 0 : i32
    %add3A_46 = arith.addi %mul3A_0, %add3A_45 : i32
    %dma_wait3A = arith.constant 0 : i32
    %dma_wait3A_47 = arith.constant 0 : i32
    %dma_wait3A_48 = arith.constant 0 : i32
    %dma_wait3A_49 = tpu.memref_slice %arg8[%dma_wait3A, %dma_wait3A_47, %dma_wait3A_48] : memref<2x512x64xbf16, #tpu.memory_space<vmem>> -> memref<1x512x64xbf16, #tpu.memory_space<vmem>>
    %dma_wait3A_50 = tpu.memref_squeeze %dma_wait3A_49 : memref<1x512x64xbf16, #tpu.memory_space<vmem>> -> memref<512x64xbf16, #tpu.memory_space<vmem>>
    %dma_wait3A_51 = arith.constant 0 : i32
    %dma_wait3A_52 = arith.constant 0 : i32
    %dma_wait3A_53 = tpu.memref_slice %arg2[%arg0, %dma_wait3A_51, %dma_wait3A_52] : memref<2x10240x64xbf16, #tpu.memory_space<hbm>> -> memref<1x10240x64xbf16, #tpu.memory_space<hbm>>
    %dma_wait3A_54 = tpu.memref_squeeze %dma_wait3A_53 : memref<1x10240x64xbf16, #tpu.memory_space<hbm>> -> memref<10240x64xbf16, #tpu.memory_space<hbm>>
    %dma_wait3A_55 = arith.constant 0 : i32
    %dma_wait3A_56 = tpu.memref_slice %dma_wait3A_54[%add3A_46, %dma_wait3A_55] : memref<10240x64xbf16, #tpu.memory_space<hbm>> -> memref<512x64xbf16, #tpu.memory_space<hbm>>
    %dma_wait3A_57 = arith.constant 0 : i32
    %dma_wait3A_58 = arith.constant 0 : i32
    %dma_wait3A_59 = tpu.memref_slice %arg8[%dma_wait3A, %dma_wait3A_57, %dma_wait3A_58] : memref<2x512x64xbf16, #tpu.memory_space<vmem>> -> memref<1x512x64xbf16, #tpu.memory_space<vmem>>
    %dma_wait3A_60 = tpu.memref_squeeze %dma_wait3A_59 : memref<1x512x64xbf16, #tpu.memory_space<vmem>> -> memref<512x64xbf16, #tpu.memory_space<vmem>>
    %dma_wait3A_61 = arith.constant 0 : i32
    %dma_wait3A_62 = arith.constant 0 : i32
    %dma_wait3A_63 = tpu.memref_slice %arg2[%arg0, %dma_wait3A_61, %dma_wait3A_62] : memref<2x10240x64xbf16, #tpu.memory_space<hbm>> -> memref<1x10240x64xbf16, #tpu.memory_space<hbm>>
    %dma_wait3A_64 = tpu.memref_squeeze %dma_wait3A_63 : memref<1x10240x64xbf16, #tpu.memory_space<hbm>> -> memref<10240x64xbf16, #tpu.memory_space<hbm>>
    %dma_wait3A_65 = arith.constant 0 : i32
    %dma_wait3A_66 = tpu.memref_slice %dma_wait3A_64[%add3A_46, %dma_wait3A_65] : memref<10240x64xbf16, #tpu.memory_space<hbm>> -> memref<512x64xbf16, #tpu.memory_space<hbm>>
    tpu.wait_dma2 semaphore(%arg9 : memref<!tpu.dma_semaphore, #tpu.memory_space<semaphore_mem>>) src(%dma_wait3A_66 : memref<512x64xbf16, #tpu.memory_space<hbm>>) dst(%dma_wait3A_60 : memref<512x64xbf16, #tpu.memory_space<vmem>>)
    %add3A_67 = arith.constant 0 : i32
    %add3A_68 = arith.addi %mul3A_0, %add3A_67 : i32
    %run_scoped3A = arith.constant 0 : i32
    "tpu.region"() ({
      %run_scoped3A_205 = tpu.sem_alloc : memref<!tpu.dma_semaphore, #tpu.memory_space<semaphore_mem>>
      %dma_start3A_206 = arith.constant 0 : i32
      %dma_start3A_207 = arith.constant 0 : i32
      %dma_start3A_208 = tpu.memref_slice %arg8[%run_scoped3A, %dma_start3A_206, %dma_start3A_207] : memref<2x512x64xbf16, #tpu.memory_space<vmem>> -> memref<1x512x64xbf16, #tpu.memory_space<vmem>>
      %dma_start3A_209 = tpu.memref_squeeze %dma_start3A_208 : memref<1x512x64xbf16, #tpu.memory_space<vmem>> -> memref<512x64xbf16, #tpu.memory_space<vmem>>
      %dma_start3A_210 = arith.constant 0 : i32
      %dma_start3A_211 = tpu.memref_slice %arg10[%add3A_68, %dma_start3A_210] : memref<10240x64xbf16, #tpu.memory_space<vmem_shared>> -> memref<512x64xbf16, #tpu.memory_space<vmem_shared>>
      %dma_start3A_212 = arith.constant 0 : i32
      %dma_start3A_213 = tpu.memref_slice %arg10[%add3A_68, %dma_start3A_212] : memref<10240x64xbf16, #tpu.memory_space<vmem_shared>> -> memref<512x64xbf16, #tpu.memory_space<vmem_shared>>
      %dma_start3A_214 = arith.constant 0 : i32
      %dma_start3A_215 = arith.constant 0 : i32
      %dma_start3A_216 = tpu.memref_slice %arg8[%run_scoped3A, %dma_start3A_214, %dma_start3A_215] : memref<2x512x64xbf16, #tpu.memory_space<vmem>> -> memref<1x512x64xbf16, #tpu.memory_space<vmem>>
      %dma_start3A_217 = tpu.memref_squeeze %dma_start3A_216 : memref<1x512x64xbf16, #tpu.memory_space<vmem>> -> memref<512x64xbf16, #tpu.memory_space<vmem>>
      tpu.enqueue_dma source(%dma_start3A_217 : memref<512x64xbf16, #tpu.memory_space<vmem>>) target(%dma_start3A_213 : memref<512x64xbf16, #tpu.memory_space<vmem_shared>>) target_semaphore(%run_scoped3A_205 : memref<!tpu.dma_semaphore, #tpu.memory_space<semaphore_mem>>)
      %dma_wait3A_218 = arith.constant 0 : i32
      %dma_wait3A_219 = arith.constant 0 : i32
      %dma_wait3A_220 = tpu.memref_slice %arg8[%run_scoped3A, %dma_wait3A_218, %dma_wait3A_219] : memref<2x512x64xbf16, #tpu.memory_space<vmem>> -> memref<1x512x64xbf16, #tpu.memory_space<vmem>>
      %dma_wait3A_221 = tpu.memref_squeeze %dma_wait3A_220 : memref<1x512x64xbf16, #tpu.memory_space<vmem>> -> memref<512x64xbf16, #tpu.memory_space<vmem>>
      %dma_wait3A_222 = arith.constant 0 : i32
      %dma_wait3A_223 = tpu.memref_slice %arg10[%add3A_68, %dma_wait3A_222] : memref<10240x64xbf16, #tpu.memory_space<vmem_shared>> -> memref<512x64xbf16, #tpu.memory_space<vmem_shared>>
      %dma_wait3A_224 = arith.constant 0 : i32
      %dma_wait3A_225 = tpu.memref_slice %arg10[%add3A_68, %dma_wait3A_224] : memref<10240x64xbf16, #tpu.memory_space<vmem_shared>> -> memref<512x64xbf16, #tpu.memory_space<vmem_shared>>
      %dma_wait3A_226 = arith.constant 0 : i32
      %dma_wait3A_227 = arith.constant 0 : i32
      %dma_wait3A_228 = tpu.memref_slice %arg8[%run_scoped3A, %dma_wait3A_226, %dma_wait3A_227] : memref<2x512x64xbf16, #tpu.memory_space<vmem>> -> memref<1x512x64xbf16, #tpu.memory_space<vmem>>
      %dma_wait3A_229 = tpu.memref_squeeze %dma_wait3A_228 : memref<1x512x64xbf16, #tpu.memory_space<vmem>> -> memref<512x64xbf16, #tpu.memory_space<vmem>>
      tpu.wait_dma2 semaphore(%run_scoped3A_205 : memref<!tpu.dma_semaphore, #tpu.memory_space<semaphore_mem>>) src(%dma_wait3A_229 : memref<512x64xbf16, #tpu.memory_space<vmem>>) dst(%dma_wait3A_225 : memref<512x64xbf16, #tpu.memory_space<vmem_shared>>)
      tpu.yield
    }) : () -> ()
    %add3A_69 = arith.constant 0 : i32
    %add3A_70 = arith.addi %mul3A_0, %add3A_69 : i32
    %run_scoped3A_71 = arith.constant 0 : i32
    "tpu.region"() ({
      %run_scoped3A_205 = tpu.sem_alloc : memref<!tpu.dma_semaphore, #tpu.memory_space<semaphore_mem>>
      %dma_start3A_206 = arith.constant 0 : i32
      %dma_start3A_207 = arith.constant 0 : i32
      %dma_start3A_208 = tpu.memref_slice %arg8[%run_scoped3A_71, %dma_start3A_206, %dma_start3A_207] : memref<2x512x64xbf16, #tpu.memory_space<vmem>> -> memref<1x512x64xbf16, #tpu.memory_space<vmem>>
      %dma_start3A_209 = tpu.memref_squeeze %dma_start3A_208 : memref<1x512x64xbf16, #tpu.memory_space<vmem>> -> memref<512x64xbf16, #tpu.memory_space<vmem>>
      %dma_start3A_210 = arith.constant 0 : i32
      %dma_start3A_211 = tpu.memref_slice %arg11[%add3A_70, %dma_start3A_210] : memref<10240x64xbf16, #tpu.memory_space<vmem_shared>> -> memref<512x64xbf16, #tpu.memory_space<vmem_shared>>
      %dma_start3A_212 = arith.constant 0 : i32
      %dma_start3A_213 = tpu.memref_slice %arg11[%add3A_70, %dma_start3A_212] : memref<10240x64xbf16, #tpu.memory_space<vmem_shared>> -> memref<512x64xbf16, #tpu.memory_space<vmem_shared>>
      %dma_start3A_214 = arith.constant 0 : i32
      %dma_start3A_215 = arith.constant 0 : i32
      %dma_start3A_216 = tpu.memref_slice %arg8[%run_scoped3A_71, %dma_start3A_214, %dma_start3A_215] : memref<2x512x64xbf16, #tpu.memory_space<vmem>> -> memref<1x512x64xbf16, #tpu.memory_space<vmem>>
      %dma_start3A_217 = tpu.memref_squeeze %dma_start3A_216 : memref<1x512x64xbf16, #tpu.memory_space<vmem>> -> memref<512x64xbf16, #tpu.memory_space<vmem>>
      tpu.enqueue_dma source(%dma_start3A_217 : memref<512x64xbf16, #tpu.memory_space<vmem>>) target(%dma_start3A_213 : memref<512x64xbf16, #tpu.memory_space<vmem_shared>>) target_semaphore(%run_scoped3A_205 : memref<!tpu.dma_semaphore, #tpu.memory_space<semaphore_mem>>)
      %dma_wait3A_218 = arith.constant 0 : i32
      %dma_wait3A_219 = arith.constant 0 : i32
      %dma_wait3A_220 = tpu.memref_slice %arg8[%run_scoped3A_71, %dma_wait3A_218, %dma_wait3A_219] : memref<2x512x64xbf16, #tpu.memory_space<vmem>> -> memref<1x512x64xbf16, #tpu.memory_space<vmem>>
      %dma_wait3A_221 = tpu.memref_squeeze %dma_wait3A_220 : memref<1x512x64xbf16, #tpu.memory_space<vmem>> -> memref<512x64xbf16, #tpu.memory_space<vmem>>
      %dma_wait3A_222 = arith.constant 0 : i32
      %dma_wait3A_223 = tpu.memref_slice %arg11[%add3A_70, %dma_wait3A_222] : memref<10240x64xbf16, #tpu.memory_space<vmem_shared>> -> memref<512x64xbf16, #tpu.memory_space<vmem_shared>>
      %dma_wait3A_224 = arith.constant 0 : i32
      %dma_wait3A_225 = tpu.memref_slice %arg11[%add3A_70, %dma_wait3A_224] : memref<10240x64xbf16, #tpu.memory_space<vmem_shared>> -> memref<512x64xbf16, #tpu.memory_space<vmem_shared>>
      %dma_wait3A_226 = arith.constant 0 : i32
      %dma_wait3A_227 = arith.constant 0 : i32
      %dma_wait3A_228 = tpu.memref_slice %arg8[%run_scoped3A_71, %dma_wait3A_226, %dma_wait3A_227] : memref<2x512x64xbf16, #tpu.memory_space<vmem>> -> memref<1x512x64xbf16, #tpu.memory_space<vmem>>
      %dma_wait3A_229 = tpu.memref_squeeze %dma_wait3A_228 : memref<1x512x64xbf16, #tpu.memory_space<vmem>> -> memref<512x64xbf16, #tpu.memory_space<vmem>>
      tpu.wait_dma2 semaphore(%run_scoped3A_205 : memref<!tpu.dma_semaphore, #tpu.memory_space<semaphore_mem>>) src(%dma_wait3A_229 : memref<512x64xbf16, #tpu.memory_space<vmem>>) dst(%dma_wait3A_225 : memref<512x64xbf16, #tpu.memory_space<vmem_shared>>)
      tpu.yield
    }) : () -> ()
    %add3A_72 = arith.constant 512 : i32
    %add3A_73 = arith.addi %mul3A_0, %add3A_72 : i32
    %dma_wait3A_74 = arith.constant 1 : i32
    %dma_wait3A_75 = arith.constant 0 : i32
    %dma_wait3A_76 = arith.constant 0 : i32
    %dma_wait3A_77 = tpu.memref_slice %arg8[%dma_wait3A_74, %dma_wait3A_75, %dma_wait3A_76] : memref<2x512x64xbf16, #tpu.memory_space<vmem>> -> memref<1x128x64xbf16, #tpu.memory_space<vmem>>
    %dma_wait3A_78 = tpu.memref_squeeze %dma_wait3A_77 : memref<1x128x64xbf16, #tpu.memory_space<vmem>> -> memref<128x64xbf16, #tpu.memory_space<vmem>>
    %dma_wait3A_79 = arith.constant 0 : i32
    %dma_wait3A_80 = arith.constant 0 : i32
    %dma_wait3A_81 = tpu.memref_slice %arg2[%arg0, %dma_wait3A_79, %dma_wait3A_80] : memref<2x10240x64xbf16, #tpu.memory_space<hbm>> -> memref<1x10240x64xbf16, #tpu.memory_space<hbm>>
    %dma_wait3A_82 = tpu.memref_squeeze %dma_wait3A_81 : memref<1x10240x64xbf16, #tpu.memory_space<hbm>> -> memref<10240x64xbf16, #tpu.memory_space<hbm>>
    %dma_wait3A_83 = arith.constant 0 : i32
    %dma_wait3A_84 = tpu.memref_slice %dma_wait3A_82[%add3A_73, %dma_wait3A_83] : memref<10240x64xbf16, #tpu.memory_space<hbm>> -> memref<128x64xbf16, #tpu.memory_space<hbm>>
    %dma_wait3A_85 = arith.constant 0 : i32
    %dma_wait3A_86 = arith.constant 0 : i32
    %dma_wait3A_87 = tpu.memref_slice %arg8[%dma_wait3A_74, %dma_wait3A_85, %dma_wait3A_86] : memref<2x512x64xbf16, #tpu.memory_space<vmem>> -> memref<1x128x64xbf16, #tpu.memory_space<vmem>>
    %dma_wait3A_88 = tpu.memref_squeeze %dma_wait3A_87 : memref<1x128x64xbf16, #tpu.memory_space<vmem>> -> memref<128x64xbf16, #tpu.memory_space<vmem>>
    %dma_wait3A_89 = arith.constant 0 : i32
    %dma_wait3A_90 = arith.constant 0 : i32
    %dma_wait3A_91 = tpu.memref_slice %arg2[%arg0, %dma_wait3A_89, %dma_wait3A_90] : memref<2x10240x64xbf16, #tpu.memory_space<hbm>> -> memref<1x10240x64xbf16, #tpu.memory_space<hbm>>
    %dma_wait3A_92 = tpu.memref_squeeze %dma_wait3A_91 : memref<1x10240x64xbf16, #tpu.memory_space<hbm>> -> memref<10240x64xbf16, #tpu.memory_space<hbm>>
    %dma_wait3A_93 = arith.constant 0 : i32
    %dma_wait3A_94 = tpu.memref_slice %dma_wait3A_92[%add3A_73, %dma_wait3A_93] : memref<10240x64xbf16, #tpu.memory_space<hbm>> -> memref<128x64xbf16, #tpu.memory_space<hbm>>
    tpu.wait_dma2 semaphore(%arg9 : memref<!tpu.dma_semaphore, #tpu.memory_space<semaphore_mem>>) src(%dma_wait3A_94 : memref<128x64xbf16, #tpu.memory_space<hbm>>) dst(%dma_wait3A_88 : memref<128x64xbf16, #tpu.memory_space<vmem>>)
    %add3A_95 = arith.constant 512 : i32
    %add3A_96 = arith.addi %mul3A_0, %add3A_95 : i32
    %run_scoped3A_97 = arith.constant 1 : i32
    "tpu.region"() ({
      %run_scoped3A_205 = tpu.sem_alloc : memref<!tpu.dma_semaphore, #tpu.memory_space<semaphore_mem>>
      %dma_start3A_206 = arith.constant 0 : i32
      %dma_start3A_207 = arith.constant 0 : i32
      %dma_start3A_208 = tpu.memref_slice %arg8[%run_scoped3A_97, %dma_start3A_206, %dma_start3A_207] : memref<2x512x64xbf16, #tpu.memory_space<vmem>> -> memref<1x128x64xbf16, #tpu.memory_space<vmem>>
      %dma_start3A_209 = tpu.memref_squeeze %dma_start3A_208 : memref<1x128x64xbf16, #tpu.memory_space<vmem>> -> memref<128x64xbf16, #tpu.memory_space<vmem>>
      %dma_start3A_210 = arith.constant 0 : i32
      %dma_start3A_211 = tpu.memref_slice %arg10[%add3A_96, %dma_start3A_210] : memref<10240x64xbf16, #tpu.memory_space<vmem_shared>> -> memref<128x64xbf16, #tpu.memory_space<vmem_shared>>
      %dma_start3A_212 = arith.constant 0 : i32
      %dma_start3A_213 = tpu.memref_slice %arg10[%add3A_96, %dma_start3A_212] : memref<10240x64xbf16, #tpu.memory_space<vmem_shared>> -> memref<128x64xbf16, #tpu.memory_space<vmem_shared>>
      %dma_start3A_214 = arith.constant 0 : i32
      %dma_start3A_215 = arith.constant 0 : i32
      %dma_start3A_216 = tpu.memref_slice %arg8[%run_scoped3A_97, %dma_start3A_214, %dma_start3A_215] : memref<2x512x64xbf16, #tpu.memory_space<vmem>> -> memref<1x128x64xbf16, #tpu.memory_space<vmem>>
      %dma_start3A_217 = tpu.memref_squeeze %dma_start3A_216 : memref<1x128x64xbf16, #tpu.memory_space<vmem>> -> memref<128x64xbf16, #tpu.memory_space<vmem>>
      tpu.enqueue_dma source(%dma_start3A_217 : memref<128x64xbf16, #tpu.memory_space<vmem>>) target(%dma_start3A_213 : memref<128x64xbf16, #tpu.memory_space<vmem_shared>>) target_semaphore(%run_scoped3A_205 : memref<!tpu.dma_semaphore, #tpu.memory_space<semaphore_mem>>)
      %dma_wait3A_218 = arith.constant 0 : i32
      %dma_wait3A_219 = arith.constant 0 : i32
      %dma_wait3A_220 = tpu.memref_slice %arg8[%run_scoped3A_97, %dma_wait3A_218, %dma_wait3A_219] : memref<2x512x64xbf16, #tpu.memory_space<vmem>> -> memref<1x128x64xbf16, #tpu.memory_space<vmem>>
      %dma_wait3A_221 = tpu.memref_squeeze %dma_wait3A_220 : memref<1x128x64xbf16, #tpu.memory_space<vmem>> -> memref<128x64xbf16, #tpu.memory_space<vmem>>
      %dma_wait3A_222 = arith.constant 0 : i32
      %dma_wait3A_223 = tpu.memref_slice %arg10[%add3A_96, %dma_wait3A_222] : memref<10240x64xbf16, #tpu.memory_space<vmem_shared>> -> memref<128x64xbf16, #tpu.memory_space<vmem_shared>>
      %dma_wait3A_224 = arith.constant 0 : i32
      %dma_wait3A_225 = tpu.memref_slice %arg10[%add3A_96, %dma_wait3A_224] : memref<10240x64xbf16, #tpu.memory_space<vmem_shared>> -> memref<128x64xbf16, #tpu.memory_space<vmem_shared>>
      %dma_wait3A_226 = arith.constant 0 : i32
      %dma_wait3A_227 = arith.constant 0 : i32
      %dma_wait3A_228 = tpu.memref_slice %arg8[%run_scoped3A_97, %dma_wait3A_226, %dma_wait3A_227] : memref<2x512x64xbf16, #tpu.memory_space<vmem>> -> memref<1x128x64xbf16, #tpu.memory_space<vmem>>
      %dma_wait3A_229 = tpu.memref_squeeze %dma_wait3A_228 : memref<1x128x64xbf16, #tpu.memory_space<vmem>> -> memref<128x64xbf16, #tpu.memory_space<vmem>>
      tpu.wait_dma2 semaphore(%run_scoped3A_205 : memref<!tpu.dma_semaphore, #tpu.memory_space<semaphore_mem>>) src(%dma_wait3A_229 : memref<128x64xbf16, #tpu.memory_space<vmem>>) dst(%dma_wait3A_225 : memref<128x64xbf16, #tpu.memory_space<vmem_shared>>)
      tpu.yield
    }) : () -> ()
    %add3A_98 = arith.constant 512 : i32
    %add3A_99 = arith.addi %mul3A_0, %add3A_98 : i32
    %run_scoped3A_100 = arith.constant 1 : i32
    "tpu.region"() ({
      %run_scoped3A_205 = tpu.sem_alloc : memref<!tpu.dma_semaphore, #tpu.memory_space<semaphore_mem>>
      %dma_start3A_206 = arith.constant 0 : i32
      %dma_start3A_207 = arith.constant 0 : i32
      %dma_start3A_208 = tpu.memref_slice %arg8[%run_scoped3A_100, %dma_start3A_206, %dma_start3A_207] : memref<2x512x64xbf16, #tpu.memory_space<vmem>> -> memref<1x128x64xbf16, #tpu.memory_space<vmem>>
      %dma_start3A_209 = tpu.memref_squeeze %dma_start3A_208 : memref<1x128x64xbf16, #tpu.memory_space<vmem>> -> memref<128x64xbf16, #tpu.memory_space<vmem>>
      %dma_start3A_210 = arith.constant 0 : i32
      %dma_start3A_211 = tpu.memref_slice %arg11[%add3A_99, %dma_start3A_210] : memref<10240x64xbf16, #tpu.memory_space<vmem_shared>> -> memref<128x64xbf16, #tpu.memory_space<vmem_shared>>
      %dma_start3A_212 = arith.constant 0 : i32
      %dma_start3A_213 = tpu.memref_slice %arg11[%add3A_99, %dma_start3A_212] : memref<10240x64xbf16, #tpu.memory_space<vmem_shared>> -> memref<128x64xbf16, #tpu.memory_space<vmem_shared>>
      %dma_start3A_214 = arith.constant 0 : i32
      %dma_start3A_215 = arith.constant 0 : i32
      %dma_start3A_216 = tpu.memref_slice %arg8[%run_scoped3A_100, %dma_start3A_214, %dma_start3A_215] : memref<2x512x64xbf16, #tpu.memory_space<vmem>> -> memref<1x128x64xbf16, #tpu.memory_space<vmem>>
      %dma_start3A_217 = tpu.memref_squeeze %dma_start3A_216 : memref<1x128x64xbf16, #tpu.memory_space<vmem>> -> memref<128x64xbf16, #tpu.memory_space<vmem>>
      tpu.enqueue_dma source(%dma_start3A_217 : memref<128x64xbf16, #tpu.memory_space<vmem>>) target(%dma_start3A_213 : memref<128x64xbf16, #tpu.memory_space<vmem_shared>>) target_semaphore(%run_scoped3A_205 : memref<!tpu.dma_semaphore, #tpu.memory_space<semaphore_mem>>)
      %dma_wait3A_218 = arith.constant 0 : i32
      %dma_wait3A_219 = arith.constant 0 : i32
      %dma_wait3A_220 = tpu.memref_slice %arg8[%run_scoped3A_100, %dma_wait3A_218, %dma_wait3A_219] : memref<2x512x64xbf16, #tpu.memory_space<vmem>> -> memref<1x128x64xbf16, #tpu.memory_space<vmem>>
      %dma_wait3A_221 = tpu.memref_squeeze %dma_wait3A_220 : memref<1x128x64xbf16, #tpu.memory_space<vmem>> -> memref<128x64xbf16, #tpu.memory_space<vmem>>
      %dma_wait3A_222 = arith.constant 0 : i32
      %dma_wait3A_223 = tpu.memref_slice %arg11[%add3A_99, %dma_wait3A_222] : memref<10240x64xbf16, #tpu.memory_space<vmem_shared>> -> memref<128x64xbf16, #tpu.memory_space<vmem_shared>>
      %dma_wait3A_224 = arith.constant 0 : i32
      %dma_wait3A_225 = tpu.memref_slice %arg11[%add3A_99, %dma_wait3A_224] : memref<10240x64xbf16, #tpu.memory_space<vmem_shared>> -> memref<128x64xbf16, #tpu.memory_space<vmem_shared>>
      %dma_wait3A_226 = arith.constant 0 : i32
      %dma_wait3A_227 = arith.constant 0 : i32
      %dma_wait3A_228 = tpu.memref_slice %arg8[%run_scoped3A_100, %dma_wait3A_226, %dma_wait3A_227] : memref<2x512x64xbf16, #tpu.memory_space<vmem>> -> memref<1x128x64xbf16, #tpu.memory_space<vmem>>
      %dma_wait3A_229 = tpu.memref_squeeze %dma_wait3A_228 : memref<1x128x64xbf16, #tpu.memory_space<vmem>> -> memref<128x64xbf16, #tpu.memory_space<vmem>>
      tpu.wait_dma2 semaphore(%run_scoped3A_205 : memref<!tpu.dma_semaphore, #tpu.memory_space<semaphore_mem>>) src(%dma_wait3A_229 : memref<128x64xbf16, #tpu.memory_space<vmem>>) dst(%dma_wait3A_225 : memref<128x64xbf16, #tpu.memory_space<vmem_shared>>)
      tpu.yield
    }) : () -> ()
    %barrier3A = arith.constant 0 : index
    tpu.barrier barrier_id(%barrier3A)
    %dma_start3A_101 = arith.constant 0 : i32
    %dma_start3A_102 = arith.constant 0 : i32
    %dma_start3A_103 = arith.constant 0 : i32
    %dma_start3A_104 = arith.constant 0 : i32
    %dma_start3A_105 = tpu.memref_slice %arg8[%dma_start3A_102, %dma_start3A_103, %dma_start3A_104] : memref<2x512x64xbf16, #tpu.memory_space<vmem>> -> memref<1x512x64xbf16, #tpu.memory_space<vmem>>
    %dma_start3A_106 = tpu.memref_squeeze %dma_start3A_105 : memref<1x512x64xbf16, #tpu.memory_space<vmem>> -> memref<512x64xbf16, #tpu.memory_space<vmem>>
    %dma_start3A_107 = arith.constant 0 : i32
    %dma_start3A_108 = tpu.memref_slice %arg6[%dma_start3A_101, %dma_start3A_107] : memref<40x512xi32, #tpu.memory_space<vmem>> -> memref<1x512xi32, #tpu.memory_space<vmem>>
    %dma_start3A_109 = tpu.memref_squeeze %dma_start3A_108 : memref<1x512xi32, #tpu.memory_space<vmem>> -> memref<512xi32, #tpu.memory_space<vmem>>
    %dma_start3A_110 = arith.constant 0 : i32
    %dma_start3A_111 = arith.constant 0 : i32
    %dma_start3A_112 = tpu.memref_slice %arg10[%dma_start3A_110, %dma_start3A_111] : memref<10240x64xbf16, #tpu.memory_space<vmem_shared>> -> memref<10240x64xbf16, #tpu.memory_space<vmem_shared>>
    tpu.enqueue_indirect_dma source(%dma_start3A_112 : memref<10240x64xbf16, #tpu.memory_space<vmem_shared>>) target(%dma_start3A_106 : memref<512x64xbf16, #tpu.memory_space<vmem>>) offsets(%dma_start3A_109 : memref<512xi32, #tpu.memory_space<vmem>>) semaphore(%arg9 : memref<!tpu.dma_semaphore, #tpu.memory_space<semaphore_mem>>)
    %dma_start3A_113 = arith.constant 1 : i32
    %dma_start3A_114 = arith.constant 1 : i32
    %dma_start3A_115 = arith.constant 0 : i32
    %dma_start3A_116 = arith.constant 0 : i32
    %dma_start3A_117 = tpu.memref_slice %arg8[%dma_start3A_114, %dma_start3A_115, %dma_start3A_116] : memref<2x512x64xbf16, #tpu.memory_space<vmem>> -> memref<1x512x64xbf16, #tpu.memory_space<vmem>>
    %dma_start3A_118 = tpu.memref_squeeze %dma_start3A_117 : memref<1x512x64xbf16, #tpu.memory_space<vmem>> -> memref<512x64xbf16, #tpu.memory_space<vmem>>
    %dma_start3A_119 = arith.constant 0 : i32
    %dma_start3A_120 = tpu.memref_slice %arg6[%dma_start3A_113, %dma_start3A_119] : memref<40x512xi32, #tpu.memory_space<vmem>> -> memref<1x512xi32, #tpu.memory_space<vmem>>
    %dma_start3A_121 = tpu.memref_squeeze %dma_start3A_120 : memref<1x512xi32, #tpu.memory_space<vmem>> -> memref<512xi32, #tpu.memory_space<vmem>>
    %dma_start3A_122 = arith.constant 0 : i32
    %dma_start3A_123 = arith.constant 0 : i32
    %dma_start3A_124 = tpu.memref_slice %arg10[%dma_start3A_122, %dma_start3A_123] : memref<10240x64xbf16, #tpu.memory_space<vmem_shared>> -> memref<10240x64xbf16, #tpu.memory_space<vmem_shared>>
    tpu.enqueue_indirect_dma source(%dma_start3A_124 : memref<10240x64xbf16, #tpu.memory_space<vmem_shared>>) target(%dma_start3A_118 : memref<512x64xbf16, #tpu.memory_space<vmem>>) offsets(%dma_start3A_121 : memref<512xi32, #tpu.memory_space<vmem>>) semaphore(%arg9 : memref<!tpu.dma_semaphore, #tpu.memory_space<semaphore_mem>>)
    %scan3A = arith.constant 0 : i32
    %scan3A_125 = arith.constant 0 : i32
    %scan3A_126 = arith.constant 20 : i32
    %scan3A_127 = arith.addi %scan3A_125, %scan3A_126 : i32
    %scan3A_128 = arith.constant 1 : i32
    scf.for %scan3A_205 = %scan3A_125 to %scan3A_127 step %scan3A_128  : i32 {
      %mul3A_206 = arith.constant 2 : i32
      %mul3A_207 = arith.muli %mul3A_206, %scan3A_205 : i32
      %add3A_208 = arith.constant 0 : i32
      %add3A_209 = arith.addi %mul3A_207, %add3A_208 : i32
      %dma_wait3A_210 = arith.constant 0 : i32
      %dma_wait3A_211 = arith.constant 0 : i32
      %dma_wait3A_212 = arith.constant 0 : i32
      %dma_wait3A_213 = tpu.memref_slice %arg8[%dma_wait3A_210, %dma_wait3A_211, %dma_wait3A_212] : memref<2x512x64xbf16, #tpu.memory_space<vmem>> -> memref<1x512x64xbf16, #tpu.memory_space<vmem>>
      %dma_wait3A_214 = tpu.memref_squeeze %dma_wait3A_213 : memref<1x512x64xbf16, #tpu.memory_space<vmem>> -> memref<512x64xbf16, #tpu.memory_space<vmem>>
      %dma_wait3A_215 = arith.constant 0 : i32
      %dma_wait3A_216 = tpu.memref_slice %arg6[%add3A_209, %dma_wait3A_215] : memref<40x512xi32, #tpu.memory_space<vmem>> -> memref<1x512xi32, #tpu.memory_space<vmem>>
      %dma_wait3A_217 = tpu.memref_squeeze %dma_wait3A_216 : memref<1x512xi32, #tpu.memory_space<vmem>> -> memref<512xi32, #tpu.memory_space<vmem>>
      %dma_wait3A_218 = arith.constant 0 : i32
      %dma_wait3A_219 = arith.constant 0 : i32
      %dma_wait3A_220 = tpu.memref_slice %arg10[%dma_wait3A_218, %dma_wait3A_219] : memref<10240x64xbf16, #tpu.memory_space<vmem_shared>> -> memref<10240x64xbf16, #tpu.memory_space<vmem_shared>>
      tpu.wait_indirect_dma semaphore(%arg9 : memref<!tpu.dma_semaphore, #tpu.memory_space<semaphore_mem>>) src(%dma_wait3A_220 : memref<10240x64xbf16, #tpu.memory_space<vmem_shared>>) dst(%dma_wait3A_214 : memref<512x64xbf16, #tpu.memory_space<vmem>>)
      %mul3A_221 = arith.constant 1 : i32
      %mul3A_222 = arith.muli %mul3A_221, %add3A_209 : i32
      %add3A_223 = arith.constant 0 : i32
      %add3A_224 = arith.addi %mul3A_222, %add3A_223 : i32
      %run_scoped3A_225 = arith.constant 0 : i32
      "tpu.region"() ({
        %run_scoped3A_253 = tpu.sem_alloc : memref<!tpu.dma_semaphore, #tpu.memory_space<semaphore_mem>>
        %dma_start3A_254 = arith.constant 0 : i32
        %dma_start3A_255 = arith.constant 0 : i32
        %dma_start3A_256 = tpu.memref_slice %arg8[%run_scoped3A_225, %dma_start3A_254, %dma_start3A_255] : memref<2x512x64xbf16, #tpu.memory_space<vmem>> -> memref<1x512x64xbf16, #tpu.memory_space<vmem>>
        %dma_start3A_257 = tpu.memref_squeeze %dma_start3A_256 : memref<1x512x64xbf16, #tpu.memory_space<vmem>> -> memref<512x64xbf16, #tpu.memory_space<vmem>>
        %dma_start3A_258 = arith.constant 0 : i32
        %dma_start3A_259 = tpu.memref_slice %arg7[%add3A_224, %dma_start3A_258] : memref<40x512xi32, #tpu.memory_space<vmem>> -> memref<1x512xi32, #tpu.memory_space<vmem>>
        %dma_start3A_260 = tpu.memref_squeeze %dma_start3A_259 : memref<1x512xi32, #tpu.memory_space<vmem>> -> memref<512xi32, #tpu.memory_space<vmem>>
        %dma_start3A_261 = arith.constant 0 : i32
        %dma_start3A_262 = arith.constant 0 : i32
        %dma_start3A_263 = tpu.memref_slice %arg11[%dma_start3A_261, %dma_start3A_262] : memref<10240x64xbf16, #tpu.memory_space<vmem_shared>> -> memref<10240x64xbf16, #tpu.memory_space<vmem_shared>>
        tpu.enqueue_indirect_dma source(%dma_start3A_257 : memref<512x64xbf16, #tpu.memory_space<vmem>>) target(%dma_start3A_263 : memref<10240x64xbf16, #tpu.memory_space<vmem_shared>>) offsets(%dma_start3A_260 : memref<512xi32, #tpu.memory_space<vmem>>) semaphore(%run_scoped3A_253 : memref<!tpu.dma_semaphore, #tpu.memory_space<semaphore_mem>>) {add = true}
        %dma_wait3A_264 = arith.constant 0 : i32
        %dma_wait3A_265 = arith.constant 0 : i32
        %dma_wait3A_266 = tpu.memref_slice %arg8[%run_scoped3A_225, %dma_wait3A_264, %dma_wait3A_265] : memref<2x512x64xbf16, #tpu.memory_space<vmem>> -> memref<1x512x64xbf16, #tpu.memory_space<vmem>>
        %dma_wait3A_267 = tpu.memref_squeeze %dma_wait3A_266 : memref<1x512x64xbf16, #tpu.memory_space<vmem>> -> memref<512x64xbf16, #tpu.memory_space<vmem>>
        %dma_wait3A_268 = arith.constant 0 : i32
        %dma_wait3A_269 = tpu.memref_slice %arg7[%add3A_224, %dma_wait3A_268] : memref<40x512xi32, #tpu.memory_space<vmem>> -> memref<1x512xi32, #tpu.memory_space<vmem>>
        %dma_wait3A_270 = tpu.memref_squeeze %dma_wait3A_269 : memref<1x512xi32, #tpu.memory_space<vmem>> -> memref<512xi32, #tpu.memory_space<vmem>>
        %dma_wait3A_271 = arith.constant 0 : i32
        %dma_wait3A_272 = arith.constant 0 : i32
        %dma_wait3A_273 = tpu.memref_slice %arg11[%dma_wait3A_271, %dma_wait3A_272] : memref<10240x64xbf16, #tpu.memory_space<vmem_shared>> -> memref<10240x64xbf16, #tpu.memory_space<vmem_shared>>
        tpu.wait_indirect_dma semaphore(%run_scoped3A_253 : memref<!tpu.dma_semaphore, #tpu.memory_space<semaphore_mem>>) src(%dma_wait3A_267 : memref<512x64xbf16, #tpu.memory_space<vmem>>) dst(%dma_wait3A_273 : memref<10240x64xbf16, #tpu.memory_space<vmem_shared>>)
        tpu.yield
      }) : () -> ()
      %lt3A = arith.constant 19 : i32
      %lt3A_226 = arith.cmpi slt, %scan3A_205, %lt3A : i32
      %convert_element_type3A = arith.extui %lt3A_226 : i1 to i32
      %cond3A = arith.constant 0 : i32
      %cond3A_227 = arith.cmpi ne, %convert_element_type3A, %cond3A : i32
      scf.if %cond3A_227 {
        %add3A_253 = arith.constant 2 : i32
        %add3A_254 = arith.addi %add3A_209, %add3A_253 : i32
        %dma_start3A_255 = arith.constant 0 : i32
        %dma_start3A_256 = arith.constant 0 : i32
        %dma_start3A_257 = arith.constant 0 : i32
        %dma_start3A_258 = tpu.memref_slice %arg8[%dma_start3A_255, %dma_start3A_256, %dma_start3A_257] : memref<2x512x64xbf16, #tpu.memory_space<vmem>> -> memref<1x512x64xbf16, #tpu.memory_space<vmem>>
        %dma_start3A_259 = tpu.memref_squeeze %dma_start3A_258 : memref<1x512x64xbf16, #tpu.memory_space<vmem>> -> memref<512x64xbf16, #tpu.memory_space<vmem>>
        %dma_start3A_260 = arith.constant 0 : i32
        %dma_start3A_261 = tpu.memref_slice %arg6[%add3A_254, %dma_start3A_260] : memref<40x512xi32, #tpu.memory_space<vmem>> -> memref<1x512xi32, #tpu.memory_space<vmem>>
        %dma_start3A_262 = tpu.memref_squeeze %dma_start3A_261 : memref<1x512xi32, #tpu.memory_space<vmem>> -> memref<512xi32, #tpu.memory_space<vmem>>
        %dma_start3A_263 = arith.constant 0 : i32
        %dma_start3A_264 = arith.constant 0 : i32
        %dma_start3A_265 = tpu.memref_slice %arg10[%dma_start3A_263, %dma_start3A_264] : memref<10240x64xbf16, #tpu.memory_space<vmem_shared>> -> memref<10240x64xbf16, #tpu.memory_space<vmem_shared>>
        tpu.enqueue_indirect_dma source(%dma_start3A_265 : memref<10240x64xbf16, #tpu.memory_space<vmem_shared>>) target(%dma_start3A_259 : memref<512x64xbf16, #tpu.memory_space<vmem>>) offsets(%dma_start3A_262 : memref<512xi32, #tpu.memory_space<vmem>>) semaphore(%arg9 : memref<!tpu.dma_semaphore, #tpu.memory_space<semaphore_mem>>)
      } else {
      }
      %mul3A_228 = arith.constant 2 : i32
      %mul3A_229 = arith.muli %mul3A_228, %scan3A_205 : i32
      %add3A_230 = arith.constant 1 : i32
      %add3A_231 = arith.addi %mul3A_229, %add3A_230 : i32
      %dma_wait3A_232 = arith.constant 1 : i32
      %dma_wait3A_233 = arith.constant 0 : i32
      %dma_wait3A_234 = arith.constant 0 : i32
      %dma_wait3A_235 = tpu.memref_slice %arg8[%dma_wait3A_232, %dma_wait3A_233, %dma_wait3A_234] : memref<2x512x64xbf16, #tpu.memory_space<vmem>> -> memref<1x512x64xbf16, #tpu.memory_space<vmem>>
      %dma_wait3A_236 = tpu.memref_squeeze %dma_wait3A_235 : memref<1x512x64xbf16, #tpu.memory_space<vmem>> -> memref<512x64xbf16, #tpu.memory_space<vmem>>
      %dma_wait3A_237 = arith.constant 0 : i32
      %dma_wait3A_238 = tpu.memref_slice %arg6[%add3A_231, %dma_wait3A_237] : memref<40x512xi32, #tpu.memory_space<vmem>> -> memref<1x512xi32, #tpu.memory_space<vmem>>
      %dma_wait3A_239 = tpu.memref_squeeze %dma_wait3A_238 : memref<1x512xi32, #tpu.memory_space<vmem>> -> memref<512xi32, #tpu.memory_space<vmem>>
      %dma_wait3A_240 = arith.constant 0 : i32
      %dma_wait3A_241 = arith.constant 0 : i32
      %dma_wait3A_242 = tpu.memref_slice %arg10[%dma_wait3A_240, %dma_wait3A_241] : memref<10240x64xbf16, #tpu.memory_space<vmem_shared>> -> memref<10240x64xbf16, #tpu.memory_space<vmem_shared>>
      tpu.wait_indirect_dma semaphore(%arg9 : memref<!tpu.dma_semaphore, #tpu.memory_space<semaphore_mem>>) src(%dma_wait3A_242 : memref<10240x64xbf16, #tpu.memory_space<vmem_shared>>) dst(%dma_wait3A_236 : memref<512x64xbf16, #tpu.memory_space<vmem>>)
      %mul3A_243 = arith.constant 1 : i32
      %mul3A_244 = arith.muli %mul3A_243, %add3A_231 : i32
      %add3A_245 = arith.constant 0 : i32
      %add3A_246 = arith.addi %mul3A_244, %add3A_245 : i32
      %run_scoped3A_247 = arith.constant 1 : i32
      "tpu.region"() ({
        %run_scoped3A_253 = tpu.sem_alloc : memref<!tpu.dma_semaphore, #tpu.memory_space<semaphore_mem>>
        %dma_start3A_254 = arith.constant 0 : i32
        %dma_start3A_255 = arith.constant 0 : i32
        %dma_start3A_256 = tpu.memref_slice %arg8[%run_scoped3A_247, %dma_start3A_254, %dma_start3A_255] : memref<2x512x64xbf16, #tpu.memory_space<vmem>> -> memref<1x512x64xbf16, #tpu.memory_space<vmem>>
        %dma_start3A_257 = tpu.memref_squeeze %dma_start3A_256 : memref<1x512x64xbf16, #tpu.memory_space<vmem>> -> memref<512x64xbf16, #tpu.memory_space<vmem>>
        %dma_start3A_258 = arith.constant 0 : i32
        %dma_start3A_259 = tpu.memref_slice %arg7[%add3A_246, %dma_start3A_258] : memref<40x512xi32, #tpu.memory_space<vmem>> -> memref<1x512xi32, #tpu.memory_space<vmem>>
        %dma_start3A_260 = tpu.memref_squeeze %dma_start3A_259 : memref<1x512xi32, #tpu.memory_space<vmem>> -> memref<512xi32, #tpu.memory_space<vmem>>
        %dma_start3A_261 = arith.constant 0 : i32
        %dma_start3A_262 = arith.constant 0 : i32
        %dma_start3A_263 = tpu.memref_slice %arg11[%dma_start3A_261, %dma_start3A_262] : memref<10240x64xbf16, #tpu.memory_space<vmem_shared>> -> memref<10240x64xbf16, #tpu.memory_space<vmem_shared>>
        tpu.enqueue_indirect_dma source(%dma_start3A_257 : memref<512x64xbf16, #tpu.memory_space<vmem>>) target(%dma_start3A_263 : memref<10240x64xbf16, #tpu.memory_space<vmem_shared>>) offsets(%dma_start3A_260 : memref<512xi32, #tpu.memory_space<vmem>>) semaphore(%run_scoped3A_253 : memref<!tpu.dma_semaphore, #tpu.memory_space<semaphore_mem>>) {add = true}
        %dma_wait3A_264 = arith.constant 0 : i32
        %dma_wait3A_265 = arith.constant 0 : i32
        %dma_wait3A_266 = tpu.memref_slice %arg8[%run_scoped3A_247, %dma_wait3A_264, %dma_wait3A_265] : memref<2x512x64xbf16, #tpu.memory_space<vmem>> -> memref<1x512x64xbf16, #tpu.memory_space<vmem>>
        %dma_wait3A_267 = tpu.memref_squeeze %dma_wait3A_266 : memref<1x512x64xbf16, #tpu.memory_space<vmem>> -> memref<512x64xbf16, #tpu.memory_space<vmem>>
        %dma_wait3A_268 = arith.constant 0 : i32
        %dma_wait3A_269 = tpu.memref_slice %arg7[%add3A_246, %dma_wait3A_268] : memref<40x512xi32, #tpu.memory_space<vmem>> -> memref<1x512xi32, #tpu.memory_space<vmem>>
        %dma_wait3A_270 = tpu.memref_squeeze %dma_wait3A_269 : memref<1x512xi32, #tpu.memory_space<vmem>> -> memref<512xi32, #tpu.memory_space<vmem>>
        %dma_wait3A_271 = arith.constant 0 : i32
        %dma_wait3A_272 = arith.constant 0 : i32
        %dma_wait3A_273 = tpu.memref_slice %arg11[%dma_wait3A_271, %dma_wait3A_272] : memref<10240x64xbf16, #tpu.memory_space<vmem_shared>> -> memref<10240x64xbf16, #tpu.memory_space<vmem_shared>>
        tpu.wait_indirect_dma semaphore(%run_scoped3A_253 : memref<!tpu.dma_semaphore, #tpu.memory_space<semaphore_mem>>) src(%dma_wait3A_267 : memref<512x64xbf16, #tpu.memory_space<vmem>>) dst(%dma_wait3A_273 : memref<10240x64xbf16, #tpu.memory_space<vmem_shared>>)
        tpu.yield
      }) : () -> ()
      %lt3A_248 = arith.constant 19 : i32
      %lt3A_249 = arith.cmpi slt, %scan3A_205, %lt3A_248 : i32
      %convert_element_type3A_250 = arith.extui %lt3A_249 : i1 to i32
      %cond3A_251 = arith.constant 0 : i32
      %cond3A_252 = arith.cmpi ne, %convert_element_type3A_250, %cond3A_251 : i32
      scf.if %cond3A_252 {
        %add3A_253 = arith.constant 2 : i32
        %add3A_254 = arith.addi %add3A_231, %add3A_253 : i32
        %dma_start3A_255 = arith.constant 1 : i32
        %dma_start3A_256 = arith.constant 0 : i32
        %dma_start3A_257 = arith.constant 0 : i32
        %dma_start3A_258 = tpu.memref_slice %arg8[%dma_start3A_255, %dma_start3A_256, %dma_start3A_257] : memref<2x512x64xbf16, #tpu.memory_space<vmem>> -> memref<1x512x64xbf16, #tpu.memory_space<vmem>>
        %dma_start3A_259 = tpu.memref_squeeze %dma_start3A_258 : memref<1x512x64xbf16, #tpu.memory_space<vmem>> -> memref<512x64xbf16, #tpu.memory_space<vmem>>
        %dma_start3A_260 = arith.constant 0 : i32
        %dma_start3A_261 = tpu.memref_slice %arg6[%add3A_254, %dma_start3A_260] : memref<40x512xi32, #tpu.memory_space<vmem>> -> memref<1x512xi32, #tpu.memory_space<vmem>>
        %dma_start3A_262 = tpu.memref_squeeze %dma_start3A_261 : memref<1x512xi32, #tpu.memory_space<vmem>> -> memref<512xi32, #tpu.memory_space<vmem>>
        %dma_start3A_263 = arith.constant 0 : i32
        %dma_start3A_264 = arith.constant 0 : i32
        %dma_start3A_265 = tpu.memref_slice %arg10[%dma_start3A_263, %dma_start3A_264] : memref<10240x64xbf16, #tpu.memory_space<vmem_shared>> -> memref<10240x64xbf16, #tpu.memory_space<vmem_shared>>
        tpu.enqueue_indirect_dma source(%dma_start3A_265 : memref<10240x64xbf16, #tpu.memory_space<vmem_shared>>) target(%dma_start3A_259 : memref<512x64xbf16, #tpu.memory_space<vmem>>) offsets(%dma_start3A_262 : memref<512xi32, #tpu.memory_space<vmem>>) semaphore(%arg9 : memref<!tpu.dma_semaphore, #tpu.memory_space<semaphore_mem>>)
      } else {
      }
    }
    %scan3A_129 = arith.constant 20 : i32
    %barrier3A_130 = arith.constant 0 : index
    tpu.barrier barrier_id(%barrier3A_130)
    %add3A_131 = arith.constant 0 : i32
    %add3A_132 = arith.addi %mul3A_0, %add3A_131 : i32
    %run_scoped3A_133 = arith.constant 0 : i32
    "tpu.region"() ({
      %run_scoped3A_205 = tpu.sem_alloc : memref<!tpu.dma_semaphore, #tpu.memory_space<semaphore_mem>>
      %dma_start3A_206 = arith.constant 0 : i32
      %dma_start3A_207 = arith.constant 0 : i32
      %dma_start3A_208 = tpu.memref_slice %arg8[%run_scoped3A_133, %dma_start3A_206, %dma_start3A_207] : memref<2x512x64xbf16, #tpu.memory_space<vmem>> -> memref<1x512x64xbf16, #tpu.memory_space<vmem>>
      %dma_start3A_209 = tpu.memref_squeeze %dma_start3A_208 : memref<1x512x64xbf16, #tpu.memory_space<vmem>> -> memref<512x64xbf16, #tpu.memory_space<vmem>>
      %dma_start3A_210 = arith.constant 0 : i32
      %dma_start3A_211 = tpu.memref_slice %arg11[%add3A_132, %dma_start3A_210] : memref<10240x64xbf16, #tpu.memory_space<vmem_shared>> -> memref<512x64xbf16, #tpu.memory_space<vmem_shared>>
      %dma_start3A_212 = arith.constant 0 : i32
      %dma_start3A_213 = arith.constant 0 : i32
      %dma_start3A_214 = tpu.memref_slice %arg8[%run_scoped3A_133, %dma_start3A_212, %dma_start3A_213] : memref<2x512x64xbf16, #tpu.memory_space<vmem>> -> memref<1x512x64xbf16, #tpu.memory_space<vmem>>
      %dma_start3A_215 = tpu.memref_squeeze %dma_start3A_214 : memref<1x512x64xbf16, #tpu.memory_space<vmem>> -> memref<512x64xbf16, #tpu.memory_space<vmem>>
      %dma_start3A_216 = arith.constant 0 : i32
      %dma_start3A_217 = tpu.memref_slice %arg11[%add3A_132, %dma_start3A_216] : memref<10240x64xbf16, #tpu.memory_space<vmem_shared>> -> memref<512x64xbf16, #tpu.memory_space<vmem_shared>>
      tpu.enqueue_dma source(%dma_start3A_217 : memref<512x64xbf16, #tpu.memory_space<vmem_shared>>) target(%dma_start3A_215 : memref<512x64xbf16, #tpu.memory_space<vmem>>) target_semaphore(%run_scoped3A_205 : memref<!tpu.dma_semaphore, #tpu.memory_space<semaphore_mem>>)
      %dma_wait3A_218 = arith.constant 0 : i32
      %dma_wait3A_219 = arith.constant 0 : i32
      %dma_wait3A_220 = tpu.memref_slice %arg8[%run_scoped3A_133, %dma_wait3A_218, %dma_wait3A_219] : memref<2x512x64xbf16, #tpu.memory_space<vmem>> -> memref<1x512x64xbf16, #tpu.memory_space<vmem>>
      %dma_wait3A_221 = tpu.memref_squeeze %dma_wait3A_220 : memref<1x512x64xbf16, #tpu.memory_space<vmem>> -> memref<512x64xbf16, #tpu.memory_space<vmem>>
      %dma_wait3A_222 = arith.constant 0 : i32
      %dma_wait3A_223 = tpu.memref_slice %arg11[%add3A_132, %dma_wait3A_222] : memref<10240x64xbf16, #tpu.memory_space<vmem_shared>> -> memref<512x64xbf16, #tpu.memory_space<vmem_shared>>
      %dma_wait3A_224 = arith.constant 0 : i32
      %dma_wait3A_225 = arith.constant 0 : i32
      %dma_wait3A_226 = tpu.memref_slice %arg8[%run_scoped3A_133, %dma_wait3A_224, %dma_wait3A_225] : memref<2x512x64xbf16, #tpu.memory_space<vmem>> -> memref<1x512x64xbf16, #tpu.memory_space<vmem>>
      %dma_wait3A_227 = tpu.memref_squeeze %dma_wait3A_226 : memref<1x512x64xbf16, #tpu.memory_space<vmem>> -> memref<512x64xbf16, #tpu.memory_space<vmem>>
      %dma_wait3A_228 = arith.constant 0 : i32
      %dma_wait3A_229 = tpu.memref_slice %arg11[%add3A_132, %dma_wait3A_228] : memref<10240x64xbf16, #tpu.memory_space<vmem_shared>> -> memref<512x64xbf16, #tpu.memory_space<vmem_shared>>
      tpu.wait_dma2 semaphore(%run_scoped3A_205 : memref<!tpu.dma_semaphore, #tpu.memory_space<semaphore_mem>>) src(%dma_wait3A_229 : memref<512x64xbf16, #tpu.memory_space<vmem_shared>>) dst(%dma_wait3A_227 : memref<512x64xbf16, #tpu.memory_space<vmem>>)
      tpu.yield
    }) : () -> ()
    %add3A_134 = arith.constant 0 : i32
    %add3A_135 = arith.addi %mul3A_0, %add3A_134 : i32
    %dma_start3A_136 = arith.constant 0 : i32
    %dma_start3A_137 = arith.constant 0 : i32
    %dma_start3A_138 = arith.constant 0 : i32
    %dma_start3A_139 = tpu.memref_slice %arg8[%dma_start3A_136, %dma_start3A_137, %dma_start3A_138] : memref<2x512x64xbf16, #tpu.memory_space<vmem>> -> memref<1x512x64xbf16, #tpu.memory_space<vmem>>
    %dma_start3A_140 = tpu.memref_squeeze %dma_start3A_139 : memref<1x512x64xbf16, #tpu.memory_space<vmem>> -> memref<512x64xbf16, #tpu.memory_space<vmem>>
    %dma_start3A_141 = arith.constant 0 : i32
    %dma_start3A_142 = tpu.memref_slice %arg5[%arg0, %add3A_135, %dma_start3A_141] : memref<2x10240x64xbf16, #tpu.memory_space<hbm>> -> memref<1x512x64xbf16, #tpu.memory_space<hbm>>
    %dma_start3A_143 = tpu.memref_squeeze %dma_start3A_142 : memref<1x512x64xbf16, #tpu.memory_space<hbm>> -> memref<512x64xbf16, #tpu.memory_space<hbm>>
    %dma_start3A_144 = arith.constant 0 : i32
    %dma_start3A_145 = tpu.memref_slice %arg5[%arg0, %add3A_135, %dma_start3A_144] : memref<2x10240x64xbf16, #tpu.memory_space<hbm>> -> memref<1x512x64xbf16, #tpu.memory_space<hbm>>
    %dma_start3A_146 = tpu.memref_squeeze %dma_start3A_145 : memref<1x512x64xbf16, #tpu.memory_space<hbm>> -> memref<512x64xbf16, #tpu.memory_space<hbm>>
    %dma_start3A_147 = arith.constant 0 : i32
    %dma_start3A_148 = arith.constant 0 : i32
    %dma_start3A_149 = tpu.memref_slice %arg8[%dma_start3A_136, %dma_start3A_147, %dma_start3A_148] : memref<2x512x64xbf16, #tpu.memory_space<vmem>> -> memref<1x512x64xbf16, #tpu.memory_space<vmem>>
    %dma_start3A_150 = tpu.memref_squeeze %dma_start3A_149 : memref<1x512x64xbf16, #tpu.memory_space<vmem>> -> memref<512x64xbf16, #tpu.memory_space<vmem>>
    tpu.enqueue_dma source(%dma_start3A_150 : memref<512x64xbf16, #tpu.memory_space<vmem>>) target(%dma_start3A_146 : memref<512x64xbf16, #tpu.memory_space<hbm>>) target_semaphore(%arg9 : memref<!tpu.dma_semaphore, #tpu.memory_space<semaphore_mem>>)
    %add3A_151 = arith.constant 512 : i32
    %add3A_152 = arith.addi %mul3A_0, %add3A_151 : i32
    %run_scoped3A_153 = arith.constant 1 : i32
    "tpu.region"() ({
      %run_scoped3A_205 = tpu.sem_alloc : memref<!tpu.dma_semaphore, #tpu.memory_space<semaphore_mem>>
      %dma_start3A_206 = arith.constant 0 : i32
      %dma_start3A_207 = arith.constant 0 : i32
      %dma_start3A_208 = tpu.memref_slice %arg8[%run_scoped3A_153, %dma_start3A_206, %dma_start3A_207] : memref<2x512x64xbf16, #tpu.memory_space<vmem>> -> memref<1x128x64xbf16, #tpu.memory_space<vmem>>
      %dma_start3A_209 = tpu.memref_squeeze %dma_start3A_208 : memref<1x128x64xbf16, #tpu.memory_space<vmem>> -> memref<128x64xbf16, #tpu.memory_space<vmem>>
      %dma_start3A_210 = arith.constant 0 : i32
      %dma_start3A_211 = tpu.memref_slice %arg11[%add3A_152, %dma_start3A_210] : memref<10240x64xbf16, #tpu.memory_space<vmem_shared>> -> memref<128x64xbf16, #tpu.memory_space<vmem_shared>>
      %dma_start3A_212 = arith.constant 0 : i32
      %dma_start3A_213 = arith.constant 0 : i32
      %dma_start3A_214 = tpu.memref_slice %arg8[%run_scoped3A_153, %dma_start3A_212, %dma_start3A_213] : memref<2x512x64xbf16, #tpu.memory_space<vmem>> -> memref<1x128x64xbf16, #tpu.memory_space<vmem>>
      %dma_start3A_215 = tpu.memref_squeeze %dma_start3A_214 : memref<1x128x64xbf16, #tpu.memory_space<vmem>> -> memref<128x64xbf16, #tpu.memory_space<vmem>>
      %dma_start3A_216 = arith.constant 0 : i32
      %dma_start3A_217 = tpu.memref_slice %arg11[%add3A_152, %dma_start3A_216] : memref<10240x64xbf16, #tpu.memory_space<vmem_shared>> -> memref<128x64xbf16, #tpu.memory_space<vmem_shared>>
      tpu.enqueue_dma source(%dma_start3A_217 : memref<128x64xbf16, #tpu.memory_space<vmem_shared>>) target(%dma_start3A_215 : memref<128x64xbf16, #tpu.memory_space<vmem>>) target_semaphore(%run_scoped3A_205 : memref<!tpu.dma_semaphore, #tpu.memory_space<semaphore_mem>>)
      %dma_wait3A_218 = arith.constant 0 : i32
      %dma_wait3A_219 = arith.constant 0 : i32
      %dma_wait3A_220 = tpu.memref_slice %arg8[%run_scoped3A_153, %dma_wait3A_218, %dma_wait3A_219] : memref<2x512x64xbf16, #tpu.memory_space<vmem>> -> memref<1x128x64xbf16, #tpu.memory_space<vmem>>
      %dma_wait3A_221 = tpu.memref_squeeze %dma_wait3A_220 : memref<1x128x64xbf16, #tpu.memory_space<vmem>> -> memref<128x64xbf16, #tpu.memory_space<vmem>>
      %dma_wait3A_222 = arith.constant 0 : i32
      %dma_wait3A_223 = tpu.memref_slice %arg11[%add3A_152, %dma_wait3A_222] : memref<10240x64xbf16, #tpu.memory_space<vmem_shared>> -> memref<128x64xbf16, #tpu.memory_space<vmem_shared>>
      %dma_wait3A_224 = arith.constant 0 : i32
      %dma_wait3A_225 = arith.constant 0 : i32
      %dma_wait3A_226 = tpu.memref_slice %arg8[%run_scoped3A_153, %dma_wait3A_224, %dma_wait3A_225] : memref<2x512x64xbf16, #tpu.memory_space<vmem>> -> memref<1x128x64xbf16, #tpu.memory_space<vmem>>
      %dma_wait3A_227 = tpu.memref_squeeze %dma_wait3A_226 : memref<1x128x64xbf16, #tpu.memory_space<vmem>> -> memref<128x64xbf16, #tpu.memory_space<vmem>>
      %dma_wait3A_228 = arith.constant 0 : i32
      %dma_wait3A_229 = tpu.memref_slice %arg11[%add3A_152, %dma_wait3A_228] : memref<10240x64xbf16, #tpu.memory_space<vmem_shared>> -> memref<128x64xbf16, #tpu.memory_space<vmem_shared>>
      tpu.wait_dma2 semaphore(%run_scoped3A_205 : memref<!tpu.dma_semaphore, #tpu.memory_space<semaphore_mem>>) src(%dma_wait3A_229 : memref<128x64xbf16, #tpu.memory_space<vmem_shared>>) dst(%dma_wait3A_227 : memref<128x64xbf16, #tpu.memory_space<vmem>>)
      tpu.yield
    }) : () -> ()
    %add3A_154 = arith.constant 512 : i32
    %add3A_155 = arith.addi %mul3A_0, %add3A_154 : i32
    %dma_start3A_156 = arith.constant 1 : i32
    %dma_start3A_157 = arith.constant 0 : i32
    %dma_start3A_158 = arith.constant 0 : i32
    %dma_start3A_159 = tpu.memref_slice %arg8[%dma_start3A_156, %dma_start3A_157, %dma_start3A_158] : memref<2x512x64xbf16, #tpu.memory_space<vmem>> -> memref<1x128x64xbf16, #tpu.memory_space<vmem>>
    %dma_start3A_160 = tpu.memref_squeeze %dma_start3A_159 : memref<1x128x64xbf16, #tpu.memory_space<vmem>> -> memref<128x64xbf16, #tpu.memory_space<vmem>>
    %dma_start3A_161 = arith.constant 0 : i32
    %dma_start3A_162 = tpu.memref_slice %arg5[%arg0, %add3A_155, %dma_start3A_161] : memref<2x10240x64xbf16, #tpu.memory_space<hbm>> -> memref<1x128x64xbf16, #tpu.memory_space<hbm>>
    %dma_start3A_163 = tpu.memref_squeeze %dma_start3A_162 : memref<1x128x64xbf16, #tpu.memory_space<hbm>> -> memref<128x64xbf16, #tpu.memory_space<hbm>>
    %dma_start3A_164 = arith.constant 0 : i32
    %dma_start3A_165 = tpu.memref_slice %arg5[%arg0, %add3A_155, %dma_start3A_164] : memref<2x10240x64xbf16, #tpu.memory_space<hbm>> -> memref<1x128x64xbf16, #tpu.memory_space<hbm>>
    %dma_start3A_166 = tpu.memref_squeeze %dma_start3A_165 : memref<1x128x64xbf16, #tpu.memory_space<hbm>> -> memref<128x64xbf16, #tpu.memory_space<hbm>>
    %dma_start3A_167 = arith.constant 0 : i32
    %dma_start3A_168 = arith.constant 0 : i32
    %dma_start3A_169 = tpu.memref_slice %arg8[%dma_start3A_156, %dma_start3A_167, %dma_start3A_168] : memref<2x512x64xbf16, #tpu.memory_space<vmem>> -> memref<1x128x64xbf16, #tpu.memory_space<vmem>>
    %dma_start3A_170 = tpu.memref_squeeze %dma_start3A_169 : memref<1x128x64xbf16, #tpu.memory_space<vmem>> -> memref<128x64xbf16, #tpu.memory_space<vmem>>
    tpu.enqueue_dma source(%dma_start3A_170 : memref<128x64xbf16, #tpu.memory_space<vmem>>) target(%dma_start3A_166 : memref<128x64xbf16, #tpu.memory_space<hbm>>) target_semaphore(%arg9 : memref<!tpu.dma_semaphore, #tpu.memory_space<semaphore_mem>>)
    %add3A_171 = arith.constant 0 : i32
    %add3A_172 = arith.addi %mul3A_0, %add3A_171 : i32
    %dma_wait3A_173 = arith.constant 0 : i32
    %dma_wait3A_174 = arith.constant 0 : i32
    %dma_wait3A_175 = arith.constant 0 : i32
    %dma_wait3A_176 = tpu.memref_slice %arg8[%dma_wait3A_173, %dma_wait3A_174, %dma_wait3A_175] : memref<2x512x64xbf16, #tpu.memory_space<vmem>> -> memref<1x512x64xbf16, #tpu.memory_space<vmem>>
    %dma_wait3A_177 = tpu.memref_squeeze %dma_wait3A_176 : memref<1x512x64xbf16, #tpu.memory_space<vmem>> -> memref<512x64xbf16, #tpu.memory_space<vmem>>
    %dma_wait3A_178 = arith.constant 0 : i32
    %dma_wait3A_179 = tpu.memref_slice %arg5[%arg0, %add3A_172, %dma_wait3A_178] : memref<2x10240x64xbf16, #tpu.memory_space<hbm>> -> memref<1x512x64xbf16, #tpu.memory_space<hbm>>
    %dma_wait3A_180 = tpu.memref_squeeze %dma_wait3A_179 : memref<1x512x64xbf16, #tpu.memory_space<hbm>> -> memref<512x64xbf16, #tpu.memory_space<hbm>>
    %dma_wait3A_181 = arith.constant 0 : i32
    %dma_wait3A_182 = tpu.memref_slice %arg5[%arg0, %add3A_172, %dma_wait3A_181] : memref<2x10240x64xbf16, #tpu.memory_space<hbm>> -> memref<1x512x64xbf16, #tpu.memory_space<hbm>>
    %dma_wait3A_183 = tpu.memref_squeeze %dma_wait3A_182 : memref<1x512x64xbf16, #tpu.memory_space<hbm>> -> memref<512x64xbf16, #tpu.memory_space<hbm>>
    %dma_wait3A_184 = arith.constant 0 : i32
    %dma_wait3A_185 = arith.constant 0 : i32
    %dma_wait3A_186 = tpu.memref_slice %arg8[%dma_wait3A_173, %dma_wait3A_184, %dma_wait3A_185] : memref<2x512x64xbf16, #tpu.memory_space<vmem>> -> memref<1x512x64xbf16, #tpu.memory_space<vmem>>
    %dma_wait3A_187 = tpu.memref_squeeze %dma_wait3A_186 : memref<1x512x64xbf16, #tpu.memory_space<vmem>> -> memref<512x64xbf16, #tpu.memory_space<vmem>>
    tpu.wait_dma2 semaphore(%arg9 : memref<!tpu.dma_semaphore, #tpu.memory_space<semaphore_mem>>) src(%dma_wait3A_187 : memref<512x64xbf16, #tpu.memory_space<vmem>>) dst(%dma_wait3A_183 : memref<512x64xbf16, #tpu.memory_space<hbm>>)
    %add3A_188 = arith.constant 512 : i32
    %add3A_189 = arith.addi %mul3A_0, %add3A_188 : i32
    %dma_wait3A_190 = arith.constant 1 : i32
    %dma_wait3A_191 = arith.constant 0 : i32
    %dma_wait3A_192 = arith.constant 0 : i32
    %dma_wait3A_193 = tpu.memref_slice %arg8[%dma_wait3A_190, %dma_wait3A_191, %dma_wait3A_192] : memref<2x512x64xbf16, #tpu.memory_space<vmem>> -> memref<1x128x64xbf16, #tpu.memory_space<vmem>>
    %dma_wait3A_194 = tpu.memref_squeeze %dma_wait3A_193 : memref<1x128x64xbf16, #tpu.memory_space<vmem>> -> memref<128x64xbf16, #tpu.memory_space<vmem>>
    %dma_wait3A_195 = arith.constant 0 : i32
    %dma_wait3A_196 = tpu.memref_slice %arg5[%arg0, %add3A_189, %dma_wait3A_195] : memref<2x10240x64xbf16, #tpu.memory_space<hbm>> -> memref<1x128x64xbf16, #tpu.memory_space<hbm>>
    %dma_wait3A_197 = tpu.memref_squeeze %dma_wait3A_196 : memref<1x128x64xbf16, #tpu.memory_space<hbm>> -> memref<128x64xbf16, #tpu.memory_space<hbm>>
    %dma_wait3A_198 = arith.constant 0 : i32
    %dma_wait3A_199 = tpu.memref_slice %arg5[%arg0, %add3A_189, %dma_wait3A_198] : memref<2x10240x64xbf16, #tpu.memory_space<hbm>> -> memref<1x128x64xbf16, #tpu.memory_space<hbm>>
    %dma_wait3A_200 = tpu.memref_squeeze %dma_wait3A_199 : memref<1x128x64xbf16, #tpu.memory_space<hbm>> -> memref<128x64xbf16, #tpu.memory_space<hbm>>
    %dma_wait3A_201 = arith.constant 0 : i32
    %dma_wait3A_202 = arith.constant 0 : i32
    %dma_wait3A_203 = tpu.memref_slice %arg8[%dma_wait3A_190, %dma_wait3A_201, %dma_wait3A_202] : memref<2x512x64xbf16, #tpu.memory_space<vmem>> -> memref<1x128x64xbf16, #tpu.memory_space<vmem>>
    %dma_wait3A_204 = tpu.memref_squeeze %dma_wait3A_203 : memref<1x128x64xbf16, #tpu.memory_space<vmem>> -> memref<128x64xbf16, #tpu.memory_space<vmem>>
    tpu.wait_dma2 semaphore(%arg9 : memref<!tpu.dma_semaphore, #tpu.memory_space<semaphore_mem>>) src(%dma_wait3A_204 : memref<128x64xbf16, #tpu.memory_space<vmem>>) dst(%dma_wait3A_200 : memref<128x64xbf16, #tpu.memory_space<hbm>>)
    return
  }
}

module attributes {stable_mosaic.version = 14 : i64} {
  func.func @_mm1_body(%arg0: i32, %arg1: memref<2x512x1xf32, #tpu.memory_space<vmem>>, %arg2: memref<512x128xf32, #tpu.memory_space<vmem>>, %arg3: memref<128x128xf32, #tpu.memory_space<vmem>>, %arg4: memref<2x512x64xbf16, #tpu.memory_space<vmem>>) attributes {dimension_semantics = [#tpu.dimension_semantics<arbitrary>], iteration_bounds = array<i64: 20>, scalar_prefetch = 0 : i64, scratch_operands = 0 : i64, tpu.core_type = #tpu.core_type<tc>, window_params = [{transform_indices = @transform_0, window_bounds = array<i64: 2, 512, 1>}, {transform_indices = @transform_1, window_bounds = array<i64: 512, 128>}, {pipeline_mode = #tpu.pipeline_mode<synchronous>, transform_indices = @transform_2, window_bounds = array<i64: 128, 128>}, {transform_indices = @transform_3, window_bounds = array<i64: 2, 512, 64>}]} {
    %get3A = arith.constant 0 : index
    %get3A_0 = arith.constant 0 : index
    %get3A_1 = arith.constant 0 : index
    %get3A_2 = vector.load %arg1[%get3A, %get3A_0, %get3A_1] : memref<2x512x1xf32, #tpu.memory_space<vmem>>, vector<1x512x1xf32>
    %get3A_3 = vector.shape_cast %get3A_2 : vector<1x512x1xf32> to vector<512x1xf32>
    %get3A_4 = arith.constant 1 : index
    %get3A_5 = arith.constant 0 : index
    %get3A_6 = arith.constant 0 : index
    %get3A_7 = vector.load %arg1[%get3A_4, %get3A_5, %get3A_6] : memref<2x512x1xf32, #tpu.memory_space<vmem>>, vector<1x512x1xf32>
    %get3A_8 = vector.shape_cast %get3A_7 : vector<1x512x1xf32> to vector<512x1xf32>
    %add3A = arith.addf %get3A_3, %get3A_8 : vector<512x1xf32>
    %add3A_9 = arith.constant 1.000000e+00 : f32
    %add3A_10 = vector.broadcast %add3A_9 : f32 to vector<512x1xf32>
    %add3A_11 = arith.addf %add3A, %add3A_10 : vector<512x1xf32>
    %max3A = arith.constant 9.99999996E-13 : f32
    %max3A_12 = vector.broadcast %max3A : f32 to vector<512x1xf32>
    %max3A_13 = arith.maximumf %add3A_11, %max3A_12 : vector<512x1xf32>
    %rsqrt3A = math.rsqrt %max3A_13 : vector<512x1xf32>
    %get3A_14 = arith.constant 0 : index
    %get3A_15 = arith.constant 0 : index
    %get3A_16 = vector.load %arg2[%get3A_14, %get3A_15] : memref<512x128xf32, #tpu.memory_space<vmem>>, vector<512x128xf32>
    %get3A_17 = arith.constant 0 : index
    %get3A_18 = arith.constant 0 : index
    %get3A_19 = vector.load %arg3[%get3A_17, %get3A_18] : memref<128x128xf32, #tpu.memory_space<vmem>>, vector<128x128xf32>
    %dot_general3A = arith.constant dense<0.000000e+00> : vector<512x128xf32>
    %dot_general3A_20 = tpu.matmul %get3A_16, %get3A_19, %dot_general3A {dimension_numbers = #tpu.dot_dimension_numbers<[1], [0], [0], [1], [0, 0, 1, 1], [], []>, transpose_lhs_hint = false} : vector<512x128xf32>, vector<128x128xf32>, vector<512x128xf32> -> vector<512x128xf32>
    %mul3A = vector.broadcast %rsqrt3A : vector<512x1xf32> to vector<512x128xf32>
    %mul3A_21 = arith.mulf %dot_general3A_20, %mul3A : vector<512x128xf32>
    %convert_element_type3A = arith.truncf %mul3A_21 : vector<512x128xf32> to vector<512x128xbf16>
    %slice3A = vector.extract_strided_slice %convert_element_type3A {offsets = [0, 0], sizes = [512, 64], strides = [1, 1]} : vector<512x128xbf16> to vector<512x64xbf16>
    %swap3A = arith.constant 0 : index
    %swap3A_22 = arith.constant 0 : index
    %swap3A_23 = arith.constant 0 : index
    %swap3A_24 = vector.load %arg4[%swap3A, %swap3A_22, %swap3A_23] : memref<2x512x64xbf16, #tpu.memory_space<vmem>>, vector<1x512x64xbf16>
    %swap3A_25 = vector.shape_cast %swap3A_24 : vector<1x512x64xbf16> to vector<512x64xbf16>
    %swap3A_26 = vector.shape_cast %slice3A : vector<512x64xbf16> to vector<1x512x64xbf16>
    tpu.vector_store %arg4[%swap3A, %swap3A_22, %swap3A_23], %swap3A_26 {strides = array<i32>} : memref<2x512x64xbf16, #tpu.memory_space<vmem>>, vector<1x512x64xbf16>,
    %slice3A_27 = vector.extract_strided_slice %convert_element_type3A {offsets = [0, 64], sizes = [512, 64], strides = [1, 1]} : vector<512x128xbf16> to vector<512x64xbf16>
    %swap3A_28 = arith.constant 1 : index
    %swap3A_29 = arith.constant 0 : index
    %swap3A_30 = arith.constant 0 : index
    %swap3A_31 = vector.load %arg4[%swap3A_28, %swap3A_29, %swap3A_30] : memref<2x512x64xbf16, #tpu.memory_space<vmem>>, vector<1x512x64xbf16>
    %swap3A_32 = vector.shape_cast %swap3A_31 : vector<1x512x64xbf16> to vector<512x64xbf16>
    %swap3A_33 = vector.shape_cast %slice3A_27 : vector<512x64xbf16> to vector<1x512x64xbf16>
    tpu.vector_store %arg4[%swap3A_28, %swap3A_29, %swap3A_30], %swap3A_33 {strides = array<i32>} : memref<2x512x64xbf16, #tpu.memory_space<vmem>>, vector<1x512x64xbf16>,
    return
  }
  func.func @transform_0(%arg0: i32) -> (i32, i32, i32) {
    %c0_i32 = arith.constant 0 : i32
    %c0_i32_0 = arith.constant 0 : i32
    %c0_i32_1 = arith.constant 0 : i32
    return %c0_i32, %arg0, %c0_i32_0 : i32, i32, i32
  }
  func.func @transform_1(%arg0: i32) -> (i32, i32) {
    %c0_i32 = arith.constant 0 : i32
    %c0_i32_0 = arith.constant 0 : i32
    return %arg0, %c0_i32 : i32, i32
  }
  func.func @transform_2(%arg0: i32) -> (i32, i32) {
    %c0_i32 = arith.constant 0 : i32
    %c0_i32_0 = arith.constant 0 : i32
    %c0_i32_1 = arith.constant 0 : i32
    return %c0_i32, %c0_i32_0 : i32, i32
  }
  func.func @transform_3(%arg0: i32) -> (i32, i32, i32) {
    %c0_i32 = arith.constant 0 : i32
    %c0_i32_0 = arith.constant 0 : i32
    %c0_i32_1 = arith.constant 0 : i32
    return %c0_i32, %arg0, %c0_i32_0 : i32, i32, i32
  }
}

module attributes {stable_mosaic.version = 14 : i64} {
  func.func @_mid_body(%arg0: i32, %arg1: memref<2x512x1xf32, #tpu.memory_space<vmem>>, %arg2: memref<2x512x64xbf16, #tpu.memory_space<vmem>>, %arg3: memref<1x128xf32, #tpu.memory_space<vmem>>, %arg4: memref<128x128xf32, #tpu.memory_space<vmem>>, %arg5: memref<2x512x64xbf16, #tpu.memory_space<vmem>>) attributes {dimension_semantics = [#tpu.dimension_semantics<arbitrary>], iteration_bounds = array<i64: 20>, scalar_prefetch = 0 : i64, scratch_operands = 0 : i64, tpu.core_type = #tpu.core_type<tc>, window_params = [{transform_indices = @transform_0, window_bounds = array<i64: 2, 512, 1>}, {transform_indices = @transform_1, window_bounds = array<i64: 2, 512, 64>}, {pipeline_mode = #tpu.pipeline_mode<synchronous>, transform_indices = @transform_2, window_bounds = array<i64: 1, 128>}, {pipeline_mode = #tpu.pipeline_mode<synchronous>, transform_indices = @transform_3, window_bounds = array<i64: 128, 128>}, {transform_indices = @transform_4, window_bounds = array<i64: 2, 512, 64>}]} {
    %get3A = arith.constant 0 : index
    %get3A_0 = arith.constant 0 : index
    %get3A_1 = arith.constant 0 : index
    %get3A_2 = vector.load %arg1[%get3A, %get3A_0, %get3A_1] : memref<2x512x1xf32, #tpu.memory_space<vmem>>, vector<1x512x1xf32>
    %get3A_3 = vector.shape_cast %get3A_2 : vector<1x512x1xf32> to vector<512x1xf32>
    %get3A_4 = arith.constant 1 : index
    %get3A_5 = arith.constant 0 : index
    %get3A_6 = arith.constant 0 : index
    %get3A_7 = vector.load %arg1[%get3A_4, %get3A_5, %get3A_6] : memref<2x512x1xf32, #tpu.memory_space<vmem>>, vector<1x512x1xf32>
    %get3A_8 = vector.shape_cast %get3A_7 : vector<1x512x1xf32> to vector<512x1xf32>
    %add3A = arith.addf %get3A_3, %get3A_8 : vector<512x1xf32>
    %add3A_9 = arith.constant 1.000000e+00 : f32
    %add3A_10 = vector.broadcast %add3A_9 : f32 to vector<512x1xf32>
    %add3A_11 = arith.addf %add3A, %add3A_10 : vector<512x1xf32>
    %max3A = arith.constant 9.99999996E-13 : f32
    %max3A_12 = vector.broadcast %max3A : f32 to vector<512x1xf32>
    %max3A_13 = arith.maximumf %add3A_11, %max3A_12 : vector<512x1xf32>
    %rsqrt3A = math.rsqrt %max3A_13 : vector<512x1xf32>
    %get3A_14 = arith.constant 0 : index
    %get3A_15 = arith.constant 0 : index
    %get3A_16 = arith.constant 0 : index
    %get3A_17 = vector.load %arg2[%get3A_14, %get3A_15, %get3A_16] : memref<2x512x64xbf16, #tpu.memory_space<vmem>>, vector<1x512x64xbf16>
    %get3A_18 = vector.shape_cast %get3A_17 : vector<1x512x64xbf16> to vector<512x64xbf16>
    %get3A_19 = arith.constant 1 : index
    %get3A_20 = arith.constant 0 : index
    %get3A_21 = arith.constant 0 : index
    %get3A_22 = vector.load %arg2[%get3A_19, %get3A_20, %get3A_21] : memref<2x512x64xbf16, #tpu.memory_space<vmem>>, vector<1x512x64xbf16>
    %get3A_23 = vector.shape_cast %get3A_22 : vector<1x512x64xbf16> to vector<512x64xbf16>
    %concatenate3A = tpu.concatenate %get3A_18, %get3A_23 in 1 : vector<512x64xbf16>, vector<512x64xbf16> -> vector<512x128xbf16>
    %convert_element_type3A = arith.extf %concatenate3A : vector<512x128xbf16> to vector<512x128xf32>
    %mul3A = vector.broadcast %rsqrt3A : vector<512x1xf32> to vector<512x128xf32>
    %mul3A_24 = arith.mulf %convert_element_type3A, %mul3A : vector<512x128xf32>
    %get3A_25 = arith.constant 0 : index
    %get3A_26 = arith.constant 0 : index
    %get3A_27 = vector.load %arg3[%get3A_25, %get3A_26] : memref<1x128xf32, #tpu.memory_space<vmem>>, vector<1x128xf32>
    %add3A_28 = vector.broadcast %get3A_27 : vector<1x128xf32> to vector<512x128xf32>
    %add3A_29 = arith.addf %mul3A_24, %add3A_28 : vector<512x128xf32>
    %max3A_30 = arith.constant 0.000000e+00 : f32
    %max3A_31 = vector.broadcast %max3A_30 : f32 to vector<512x128xf32>
    %max3A_32 = arith.maximumf %add3A_29, %max3A_31 : vector<512x128xf32>
    %get3A_33 = arith.constant 0 : index
    %get3A_34 = arith.constant 0 : index
    %get3A_35 = vector.load %arg4[%get3A_33, %get3A_34] : memref<128x128xf32, #tpu.memory_space<vmem>>, vector<128x128xf32>
    %dot_general3A = arith.constant dense<0.000000e+00> : vector<512x128xf32>
    %dot_general3A_36 = tpu.matmul %max3A_32, %get3A_35, %dot_general3A {dimension_numbers = #tpu.dot_dimension_numbers<[1], [0], [0], [1], [0, 0, 1, 1], [], []>, transpose_lhs_hint = false} : vector<512x128xf32>, vector<128x128xf32>, vector<512x128xf32> -> vector<512x128xf32>
    %mul3A_37 = vector.broadcast %rsqrt3A : vector<512x1xf32> to vector<512x128xf32>
    %mul3A_38 = arith.mulf %dot_general3A_36, %mul3A_37 : vector<512x128xf32>
    %convert_element_type3A_39 = arith.truncf %mul3A_38 : vector<512x128xf32> to vector<512x128xbf16>
    %slice3A = vector.extract_strided_slice %convert_element_type3A_39 {offsets = [0, 0], sizes = [512, 64], strides = [1, 1]} : vector<512x128xbf16> to vector<512x64xbf16>
    %swap3A = arith.constant 0 : index
    %swap3A_40 = arith.constant 0 : index
    %swap3A_41 = arith.constant 0 : index
    %swap3A_42 = vector.load %arg5[%swap3A, %swap3A_40, %swap3A_41] : memref<2x512x64xbf16, #tpu.memory_space<vmem>>, vector<1x512x64xbf16>
    %swap3A_43 = vector.shape_cast %swap3A_42 : vector<1x512x64xbf16> to vector<512x64xbf16>
    %swap3A_44 = vector.shape_cast %slice3A : vector<512x64xbf16> to vector<1x512x64xbf16>
    tpu.vector_store %arg5[%swap3A, %swap3A_40, %swap3A_41], %swap3A_44 {strides = array<i32>} : memref<2x512x64xbf16, #tpu.memory_space<vmem>>, vector<1x512x64xbf16>,
    %slice3A_45 = vector.extract_strided_slice %convert_element_type3A_39 {offsets = [0, 64], sizes = [512, 64], strides = [1, 1]} : vector<512x128xbf16> to vector<512x64xbf16>
    %swap3A_46 = arith.constant 1 : index
    %swap3A_47 = arith.constant 0 : index
    %swap3A_48 = arith.constant 0 : index
    %swap3A_49 = vector.load %arg5[%swap3A_46, %swap3A_47, %swap3A_48] : memref<2x512x64xbf16, #tpu.memory_space<vmem>>, vector<1x512x64xbf16>
    %swap3A_50 = vector.shape_cast %swap3A_49 : vector<1x512x64xbf16> to vector<512x64xbf16>
    %swap3A_51 = vector.shape_cast %slice3A_45 : vector<512x64xbf16> to vector<1x512x64xbf16>
    tpu.vector_store %arg5[%swap3A_46, %swap3A_47, %swap3A_48], %swap3A_51 {strides = array<i32>} : memref<2x512x64xbf16, #tpu.memory_space<vmem>>, vector<1x512x64xbf16>,
    return
  }
  func.func @transform_0(%arg0: i32) -> (i32, i32, i32) {
    %c0_i32 = arith.constant 0 : i32
    %c0_i32_0 = arith.constant 0 : i32
    %c0_i32_1 = arith.constant 0 : i32
    return %c0_i32, %arg0, %c0_i32_0 : i32, i32, i32
  }
  func.func @transform_1(%arg0: i32) -> (i32, i32, i32) {
    %c0_i32 = arith.constant 0 : i32
    %c0_i32_0 = arith.constant 0 : i32
    %c0_i32_1 = arith.constant 0 : i32
    return %c0_i32, %arg0, %c0_i32_0 : i32, i32, i32
  }
  func.func @transform_2(%arg0: i32) -> (i32, i32) {
    %c0_i32 = arith.constant 0 : i32
    %c0_i32_0 = arith.constant 0 : i32
    %c0_i32_1 = arith.constant 0 : i32
    return %c0_i32, %c0_i32_0 : i32, i32
  }
  func.func @transform_3(%arg0: i32) -> (i32, i32) {
    %c0_i32 = arith.constant 0 : i32
    %c0_i32_0 = arith.constant 0 : i32
    %c0_i32_1 = arith.constant 0 : i32
    return %c0_i32, %c0_i32_0 : i32, i32
  }
  func.func @transform_4(%arg0: i32) -> (i32, i32, i32) {
    %c0_i32 = arith.constant 0 : i32
    %c0_i32_0 = arith.constant 0 : i32
    %c0_i32_1 = arith.constant 0 : i32
    return %c0_i32, %arg0, %c0_i32_0 : i32, i32, i32
  }
}

module attributes {stable_mosaic.version = 14 : i64} {
  func.func @_fin_body(%arg0: i32, %arg1: memref<2x512x1xf32, #tpu.memory_space<vmem>>, %arg2: memref<2x512x64xbf16, #tpu.memory_space<vmem>>, %arg3: memref<1x128xf32, #tpu.memory_space<vmem>>, %arg4: memref<512x128xf32, #tpu.memory_space<vmem>>) attributes {dimension_semantics = [#tpu.dimension_semantics<arbitrary>], iteration_bounds = array<i64: 20>, scalar_prefetch = 0 : i64, scratch_operands = 0 : i64, tpu.core_type = #tpu.core_type<tc>, window_params = [{transform_indices = @transform_0, window_bounds = array<i64: 2, 512, 1>}, {transform_indices = @transform_1, window_bounds = array<i64: 2, 512, 64>}, {pipeline_mode = #tpu.pipeline_mode<synchronous>, transform_indices = @transform_2, window_bounds = array<i64: 1, 128>}, {transform_indices = @transform_3, window_bounds = array<i64: 512, 128>}]} {
    %get3A = arith.constant 0 : index
    %get3A_0 = arith.constant 0 : index
    %get3A_1 = arith.constant 0 : index
    %get3A_2 = vector.load %arg1[%get3A, %get3A_0, %get3A_1] : memref<2x512x1xf32, #tpu.memory_space<vmem>>, vector<1x512x1xf32>
    %get3A_3 = vector.shape_cast %get3A_2 : vector<1x512x1xf32> to vector<512x1xf32>
    %get3A_4 = arith.constant 1 : index
    %get3A_5 = arith.constant 0 : index
    %get3A_6 = arith.constant 0 : index
    %get3A_7 = vector.load %arg1[%get3A_4, %get3A_5, %get3A_6] : memref<2x512x1xf32, #tpu.memory_space<vmem>>, vector<1x512x1xf32>
    %get3A_8 = vector.shape_cast %get3A_7 : vector<1x512x1xf32> to vector<512x1xf32>
    %add3A = arith.addf %get3A_3, %get3A_8 : vector<512x1xf32>
    %add3A_9 = arith.constant 1.000000e+00 : f32
    %add3A_10 = vector.broadcast %add3A_9 : f32 to vector<512x1xf32>
    %add3A_11 = arith.addf %add3A, %add3A_10 : vector<512x1xf32>
    %max3A = arith.constant 9.99999996E-13 : f32
    %max3A_12 = vector.broadcast %max3A : f32 to vector<512x1xf32>
    %max3A_13 = arith.maximumf %add3A_11, %max3A_12 : vector<512x1xf32>
    %rsqrt3A = math.rsqrt %max3A_13 : vector<512x1xf32>
    %get3A_14 = arith.constant 0 : index
    %get3A_15 = arith.constant 0 : index
    %get3A_16 = arith.constant 0 : index
    %get3A_17 = vector.load %arg2[%get3A_14, %get3A_15, %get3A_16] : memref<2x512x64xbf16, #tpu.memory_space<vmem>>, vector<1x512x64xbf16>
    %get3A_18 = vector.shape_cast %get3A_17 : vector<1x512x64xbf16> to vector<512x64xbf16>
    %get3A_19 = arith.constant 1 : index
    %get3A_20 = arith.constant 0 : index
    %get3A_21 = arith.constant 0 : index
    %get3A_22 = vector.load %arg2[%get3A_19, %get3A_20, %get3A_21] : memref<2x512x64xbf16, #tpu.memory_space<vmem>>, vector<1x512x64xbf16>
    %get3A_23 = vector.shape_cast %get3A_22 : vector<1x512x64xbf16> to vector<512x64xbf16>
    %concatenate3A = tpu.concatenate %get3A_18, %get3A_23 in 1 : vector<512x64xbf16>, vector<512x64xbf16> -> vector<512x128xbf16>
    %convert_element_type3A = arith.extf %concatenate3A : vector<512x128xbf16> to vector<512x128xf32>
    %mul3A = vector.broadcast %rsqrt3A : vector<512x1xf32> to vector<512x128xf32>
    %mul3A_24 = arith.mulf %convert_element_type3A, %mul3A : vector<512x128xf32>
    %get3A_25 = arith.constant 0 : index
    %get3A_26 = arith.constant 0 : index
    %get3A_27 = vector.load %arg3[%get3A_25, %get3A_26] : memref<1x128xf32, #tpu.memory_space<vmem>>, vector<1x128xf32>
    %add3A_28 = vector.broadcast %get3A_27 : vector<1x128xf32> to vector<512x128xf32>
    %add3A_29 = arith.addf %mul3A_24, %add3A_28 : vector<512x128xf32>
    %swap3A = arith.constant 0 : index
    %swap3A_30 = arith.constant 0 : index
    %swap3A_31 = vector.load %arg4[%swap3A, %swap3A_30] : memref<512x128xf32, #tpu.memory_space<vmem>>, vector<512x128xf32>
    tpu.vector_store %arg4[%swap3A, %swap3A_30], %add3A_29 {strides = array<i32>} : memref<512x128xf32, #tpu.memory_space<vmem>>, vector<512x128xf32>,
    return
  }
  func.func @transform_0(%arg0: i32) -> (i32, i32, i32) {
    %c0_i32 = arith.constant 0 : i32
    %c0_i32_0 = arith.constant 0 : i32
    %c0_i32_1 = arith.constant 0 : i32
    return %c0_i32, %arg0, %c0_i32_0 : i32, i32, i32
  }
  func.func @transform_1(%arg0: i32) -> (i32, i32, i32) {
    %c0_i32 = arith.constant 0 : i32
    %c0_i32_0 = arith.constant 0 : i32
    %c0_i32_1 = arith.constant 0 : i32
    return %c0_i32, %arg0, %c0_i32_0 : i32, i32, i32
  }
  func.func @transform_2(%arg0: i32) -> (i32, i32) {
    %c0_i32 = arith.constant 0 : i32
    %c0_i32_0 = arith.constant 0 : i32
    %c0_i32_1 = arith.constant 0 : i32
    return %c0_i32, %c0_i32_0 : i32, i32
  }
  func.func @transform_3(%arg0: i32) -> (i32, i32) {
    %c0_i32 = arith.constant 0 : i32
    %c0_i32_0 = arith.constant 0 : i32
    return %arg0, %c0_i32 : i32, i32
  }
}

</mosaic_0001>

<sc_bundles>
// kernel: kernel.11.cloned.1.call-start
scs
__scs_entry_jumppad:
0x0: {  	(pc) =	sbr.rel $0x88, $3  }
0x1: {  	(tag) =	ssettag $0x0;
	lr =	simm.s32 $0x1  }
0x2: {  	[smem:$0x3F9B] =	sst lr;
	_ =	strace $0xD0000000  }
0x3: {  	_ = 	snop  }
0x4: {  	_ = 	snop  }
0x5: {  	_ = 	snop  }
0x6: {  	_ = 	snop  }
0x7: {  	_ = 	snop  }
__scs_overlays_trampoline_lowered:
0x8: {  	[smem:$0x3FAA] =	sst s0  }
0x9: {  	[smem:$0x3FAB] =	sst s1  }
0xa: {  	[smem:$0x3FAC] =	sst s2  }
0xb: {  	[smem:$0x3FAD] =	sst s3  }
0xc: {  	[smem:$0x3FAE] =	sst s4  }
0xd: {  	[smem:$0x3FAF] =	sst s5  }
0xe: {  	[smem:$0x3FB0] =	sst s6  }
0xf: {  	[smem:$0x3FB1] =	sst s7  }
0x10: {  	[smem:$0x3FB2] =	sst s8  }
0x11: {  	[smem:$0x3FB3] =	sst s9;
	s0 =	simm.s32 @!p0 $0x0  }
0x12: {  	s1 =	sld [smem:$0x3F99];
	s0 =	simm.s32 @p0 $0x1  }
0x13: {  	[smem:$0x3FB4] =	sst s0;
	s0 =	simm.s32 @!p1 $0x0  }
0x14: {  	s2 =	sld [smem:$0x3F98];
	s0 =	simm.s32 @p1 $0x1  }
0x15: {  	[smem:$0x3FB5] =	sst s0;
	s0 =	simm.s32 @!p2 $0x0  }
0x16: {  	s3 =	sld [smem:$0x3FDB];
	s0 =	simm.s32 @p2 $0x1  }
0x17: {  	s4 =	simm.s32 $0x1BF5;
	[smem:$0x3FB7] =	sst s0  }
0x18: {  	s0 =	sld [smem:$0x3F9A];
	_ =	swait.ge [sflag:s4], $0x0  }
0x19: {  	s7 =	sld [smem:$0x3F9B]  }
0x1a: {  	s8 =	sadd.s32 $0xFFFFE003, lr  }
0x1b: {  	s9 =	sadd.s32 $0xFFFFFEF7, lr;
	s5 =	simm.s32 $0xFFFFFFFF;
	p2 =	slt.u32 s8, $0xFFFFF086  }
0x1c: {  	p1 =	slt.u32 s9, $0xF7A;
	s5 =	simm.s32 @!p2 $0x0  }
0x1d: {  	s5 =	simm.s32 @p1 $0x1;
	p0 =	seq.s32 s7, s2  }
0x1e: {  	s7 =	smul.u32 @!p0 $0xF7A, s2;
	p2 =	seq.s32 @!p0 s5, $0x0  }
0x1f: {  	s9 =	smul.u32 $0xF7A, s1;
	s8 =	simm.s32 @!p0 $0x1BF5;
	p2 =	por !p2, p0  }
0x20: {  	[sflag:s8] =	ssyncset.s32 @!p0 $0xFFFFF086;
	s6 =	sadd.s32 @!p0 s3, s7;
	s7 =	simm.s32 @!p0 $0x108  }
0x21: {  	s3 =	sadd.s32 s3, s9;
	s6 =	sadd.s32 @!p0 $0x88, s6;
	s7 =	simm.s32 @p2 $0x1082  }
0x22: {  	[simem:s7], [sflag:s8] =	dma.local @!p0 [hbm:s6], $0xF7A  }
0x23: {  	s9 =	sor.u32 $0xD0000000, s2;
	s6 =	simm.s32 $0x108;
	_ =	swait.ge @!p0 [sflag:s8], $0x0  }
0x24: {  	s3 =	sadd.s32 $0x88, s3;
	s6 =	simm.s32 @!p1 $0x1082;
	[sflag:s4] =	ssyncset.s32 $0xFFFFF086  }
0x25: {  	[simem:s6], [sflag:s4] =	dma.local [hbm:s3], $0xF7A  }
0x26: {  	[smem:$0x3F9B] =	sst s1;
	(tag) =	ssettag s2;
	_ =	strace s9  }
0x27: {  	s1 =	sld [smem:$0x3FAB]  }
0x28: {  	s2 =	sld [smem:$0x3FAC]  }
0x29: {  	s4 =	sld [smem:$0x3FAE]  }
0x2a: {  	p0 =	seq.s32 s5, $0x0;
	s5 =	sld [smem:$0x3FAF]  }
0x2b: {  	s6 =	sld [smem:$0x3FB0]  }
0x2c: {  	s7 =	sld [smem:$0x3FB1]  }
0x2d: {  	s3 =	simm.s32 $0x108;
	s8 =	sld [smem:$0x3FB2]  }
0x2e: {  	s3 =	simm.s32 @!p0 $0x1082;
	s9 =	sld [smem:$0x3FB3]  }
0x2f: {  	lr =	sadd.s32 s0, s3;
	s0 =	sld [smem:$0x3FAA]  }
0x30: {  	s3 =	sld [smem:$0x3FAD]  }
0x31: {  	[smem:$0x3FB6] =	sst s10  }
0x32: {  	s10 =	sld [smem:$0x3FB4];
	_ =	sdelay $0x3  }
0x33: {  	p0 =	seq.s32 s10, $0x1;
	s10 =	sld [smem:$0x3FB6];
	_ =	sdelay $0x3  }
0x34: {  	[smem:$0x3FB6] =	sst s10  }
0x35: {  	s10 =	sld [smem:$0x3FB5];
	_ =	sdelay $0x3  }
0x36: {  	p1 =	seq.s32 s10, $0x1;
	s10 =	sld [smem:$0x3FB6];
	_ =	sdelay $0x3  }
0x37: {  	[smem:$0x3FB6] =	sst s10  }
0x38: {  	s10 =	sld [smem:$0x3FB7]  }
0x39: {  	_ = 	snop;
	(pc) =	sbr.ind lr, $3  }
0x3a: {  	_ = 	snop  }
0x3b: {  	_ = 	snop  }
0x3c: {  	p2 =	seq.s32 s10, $0x1;
	s10 =	sld [smem:$0x3FB6]  }
0x3d: {  	_ =	shalt  }
0x3e: {  	_ =	shalt  }
0x3f: {  	_ =	shalt  }
0x40: {  	_ =	shalt  }
0x41: {  	_ =	shalt  }
0x42: {  	_ =	shalt  }
0x43: {  	_ =	shalt  }
0x44: {  	_ =	shalt  }
0x45: {  	_ =	shalt  }
0x46: {  	_ =	shalt  }
0x47: {  	_ =	shalt  }
0x48: {  	_ =	shalt  }
0x49: {  	_ =	shalt  }
0x4a: {  	_ =	shalt  }
0x4b: {  	_ =	shalt  }
0x4c: {  	_ =	shalt  }
0x4d: {  	_ =	shalt  }
0x4e: {  	_ =	shalt  }
0x4f: {  	_ =	shalt  }
0x50: {  	_ =	shalt  }
0x51: {  	_ =	shalt  }
0x52: {  	_ =	shalt  }
0x53: {  	_ =	shalt  }
0x54: {  	_ =	shalt  }
0x55: {  	_ =	shalt  }
0x56: {  	_ =	shalt  }
0x57: {  	_ =	shalt  }
0x58: {  	_ =	shalt  }
0x59: {  	_ =	shalt  }
0x5a: {  	_ =	shalt  }
0x5b: {  	_ =	shalt  }
0x5c: {  	_ =	shalt  }
0x5d: {  	_ =	shalt  }
0x5e: {  	_ =	shalt  }
0x5f: {  	_ =	shalt  }
0x60: {  	_ =	shalt  }
0x61: {  	_ =	shalt  }
0x62: {  	_ =	shalt  }
0x63: {  	_ =	shalt  }
0x64: {  	_ =	shalt  }
0x65: {  	_ =	shalt  }
0x66: {  	_ =	shalt  }
0x67: {  	_ =	shalt  }
0x68: {  	_ =	shalt  }
0x69: {  	_ =	shalt  }
0x6a: {  	_ =	shalt  }
0x6b: {  	_ =	shalt  }
0x6c: {  	_ =	shalt  }
0x6d: {  	_ =	shalt  }
0x6e: {  	_ =	shalt  }
0x6f: {  	_ =	shalt  }
0x70: {  	_ =	shalt  }
0x71: {  	_ =	shalt  }
0x72: {  	_ =	shalt  }
0x73: {  	_ =	shalt  }
0x74: {  	_ =	shalt  }
0x75: {  	_ =	shalt  }
0x76: {  	_ =	shalt  }
0x77: {  	_ =	shalt  }
0x78: {  	_ =	shalt  }
0x79: {  	_ =	shalt  }
0x7a: {  	_ =	shalt  }
0x7b: {  	_ =	shalt  }
0x7c: {  	_ =	shalt  }
0x7d: {  	_ =	shalt  }
0x7e: {  	_ =	shalt  }
0x7f: {  	_ =	shalt  }
0x80: {  	_ =	shalt  }
0x81: {  	_ =	shalt  }
0x82: {  	_ =	shalt  }
0x83: {  	_ =	shalt  }
0x84: {  	_ =	shalt  }
0x85: {  	_ =	shalt  }
0x86: {  	_ =	shalt  }
0x87: {  	_ =	shalt  }
.Lfunc_end0:
.L_simem_size_0:
called_computation.1_lowered:
.L_overlay_start_0:
0x88: {  	s2 =	sld [smem:$0x3FD9]  }
0x89: {  	s3 =	sld [smem:$0x3FFE];
	_ =	sdelay $0x1  }
0x8a: {  	s1 =	srdreg.scid  }
0x8b: {  	s0 =	sand.u32 $0x1, s1  }
0x8c: {  	s17 =	sshll.u32 s0, $0xA;
	s2 =	sadd.s32 s3, s2  }
0x8d: {  	s2 =	sadd.s32 s2, s17  }
0x8e: {  	[smem:$0x3FC2] =	sst s2  }
0x8f: {  	_ = 	snop  }
0x90: {  	s2 =	sld [smem:$0x3FD0];
	(tm) =	ssettm $0x1  }
0x91: {  	s18 =	sld [smem:$0x3FFB];
	_ =	sdelay $0x3  }
0x92: {  	_ =	strace s18  }
0x93: {  	s3 =	sld [smem:$0x3FFC];
	_ =	sdelay $0x3  }
0x94: {  	_ =	strace s3  }
0x95: {  	s3 =	sld [smem:$0x3FFD];
	_ =	sdelay $0x3  }
0x96: {  	_ =	strace s3  }
0x97: {  	_ =	strace $0x8FFFFFFF  }
0x98: {  	s19 =	sld [smem:$0x3FDB];
	_ =	sdelay $0x1  }
0x99: {  	s4 =	simm.s32 $_scs_section_size  }
0x9a: {  	s5 =	simm.s32 $_size__tile_overlayer_lowered;
	s6 =	simm.s32 $_tile_overlayer_lowered  }
0x9b: {  	s22 =	simm.s32 $0x1BFF;
	s21 =	sshll.u32 s6, $0x1;
	s3 =	sadd.s32 s4, s19  }
0x9c: {  	s7 =	simm.s32 $0x0;
	s20 =	sshll.u32 s5, $0x1;
	s5 =	sadd.s32 s21, s3  }
0x9d: {  	[timem:s7], [sflag:s22] =	dma.local [hbm:s5], s20  }
0x9e: {  	_ =	swait.ge [sflag:s22], s20  }
0x9f: {  	s4 =	ssub.s32 $0x0, s20;
	[sflag:s22] =	ssyncset.done $0x0  }
0xa0: {  	[sflag:s22] =	ssyncadd.s32 s4;
	_ =	sdelay $0x1  }
0xa1: {  	s23 =	simm.s32 $0x1B8B  }
0xa2: {  	_ =	swait.ge [sflag:s23], $0x1  }
0xa3: {  	[sflag:s23] =	ssyncset.done $0x0  }
0xa4: {  	s25 =	simm.s32 $0x1B8E;
	s24 =	sld [smem:$0x3FFE];
	[sflag:s23] =	ssyncadd.s32 $0xFFFFFFFF  }
0xa5: {  	s26 =	simm.s32 $execute0_lowered;
	[smem:$0x3FD2] =	sst s25  }
0xa6: {  	s5 =	sshll.u32 s26, $0x1;
	_ =	strace $0x80000049;
	[dreg:$0x1] =	wrdreg $0xFFFFFFFF  }
0xa7: {  	s28 =	simm.s32 $_size_execute0_lowered;
	s3 =	sadd.s32 s3, s5;
	[dreg:$0x0] =	wrdreg $0x0  }
0xa8: {  	s5 =	sshll.u32 s28, $0x1;
	[dreg:$0x2] =	wrdreg s3  }
0xa9: {  	[dreg:$0x3] =	wrdreg s5  }
0xaa: {  	[dreg:$0x4] =	wrdreg $0xC0  }
0xab: {  	_ =	task [dreg:s7], $0x5FFFF  }
0xac: {  	[dreg:$0x1] =	wrdreg $0xFFFFFFFF  }
0xad: {  	[dreg:$0x0] =	wrdreg $0x60  }
0xae: {  	[dreg:$0x2] =	wrdreg s2  }
0xaf: {  	[dreg:$0x3] =	wrdreg s24  }
0xb0: {  	[dreg:$0x4] =	wrdreg $0x120000  }
0xb1: {  	[dreg:$0x5] =	wrdreg $0x170000  }
0xb2: {  	[dreg:$0x6] =	wrdreg $0x9  }
0xb3: {  	_ =	task.clear_ibuf [dreg:s7], $0x7FFFF;
	_ =	strace $0x90000049  }
0xb4: {  	s29 =	simm.s32 $0x9;
	_ =	strace $0x8000004B  }
0xb5: {  	_ =	swait.ge [sflag:s29], $0x1  }
0xb6: {  	[sflag:s29] =	ssyncadd.s32 $0xFFFFFFFF  }
0xb7: {  	_ =	strace $0x9000004B  }
0xb8: {  	_ =	sfence  }
0xb9: {  	s30 =	sld [smem:$0x0];
	_ =	sdelay $0x2  }
0xba: {  	s31 =	sshll.u32 s1, $0xD;
	s1 =	sshrl.u32 s1, $0x2  }
0xbb: {  	s3 =	sand.u32 $0x4000, s31;
	s1 =	sadd.s32 s1, s30  }
0xbc: {  	s0 =	sor.u32 s3, s0;
	s1 =	sshll.u32 s1, $0x11  }
0xbd: {  	s0 =	sor.u32 s1, s0  }
0xbe: {  	s0 =	sadd.s32 $0x8F2B, s0  }
0xbf: {  	[sflag:s0] =	ssyncadd.remote.s32 $0x1  }
0xc0: {  	_ =	sfence.sel $0xFFFF  }
0xc1: {  	[dreg:$0x0] =	wrdreg $0xFFFFFFFF;
	(pc) =	sbr.abs _section_cstart, $3  }
0xc2: {  	[dreg:$0x1] =	wrdreg $0xFFFFFFFF  }
0xc3: {  	_ =	task.clear_ibuf [dreg:s7], $0x2FFFF;
	_ =	strace $0x9FFFFFFF  }
0xc4: {  	(tm) =	ssettm $0x7FFFFFFF  }
0xc5: {  	_ =	shalt  }
tec
execute0_lowered:
.L_overlay_start_1:
0x0: {  	(tag) =	ssettag $0x1  }
0x1: {  	s7 =	rddreg [dreg:$0x0]  }
0x2: {  	s5 =	rddreg [dreg:$0x1]  }
0x3: {  	s2 =	rddreg [dreg:$0x2]  }
0x4: {  	s3 =	rddreg [dreg:$0x3]  }
0x5: {  	s0 =	rddreg [dreg:$0x4]  }
0x6: {  	s4 =	simm.s32 $0x0;
	s1 =	stileid.u32;
	s6 =	srdreg.scid  }
0x7: {  	s17 =	simm.s32 $0xA000;
	s20 =	simm.s32 $0x1;
	s21 =	simm.s32 $0x200  }
0x8: {  	s22 =	simm.s32 $0x9C00;
	s23 =	simm.s32 $0x9E00;
	[smem:$0x7FF] =	sst s4  }
0x9: {  	s8 =	smul.u32 $0xA00, s1;
	s6 =	sand.u32 $0x1, s6;
	s12 =	sadd.s32 $0x16000, s5  }
0xa: {  	s28 =	smul.u32 $0xA000, s1;
	_ =	strace $0x8000004A;
	s9 =	ssub.s32 $0x2, s6  }
0xb: {  	s10 =	smul.u32 $0xA0000, s6;
	s24 =	sadd.s32 s8, s5;
	s25 =	sshrl.u32 s9, $0x1  }
0xc: {  	s16 =	sshrl.u32 s28, $0x4;
	s11 =	sadd.s32 $0x8000, s28;
	s29 =	sshrl.u32 s28, $0x1  }
0xd: {  	s13 =	ssub.s32 s9, s25;
	s26 =	sshrl.u32 s10, $0x4;
	s5 =	sadd.s32 $0xC000, s24  }
0xe: {  	s6 =	sadd.s32 $0x1600, s24;
	s19 =	sshrl.u32 s11, $0x4;
	s8 =	sadd.s32 s29, s3  }
0xf: {  	s14 =	sshrl.u32 s11, $0x1;
	s15 =	sadd.s32 s28, s10;
	s10 =	sadd.s32 s10, s11  }
0x10: {  	s24 =	simm.s32 $0x0;
	s18 =	sadd.s32 s7, s26;
	s7 =	sadd.s32 s29, s2  }
0x11: {  	s9 =	sadd.s32 s14, s2;
	s30 =	sshrl.u32 s15, $0x4;
	s31 =	sshrl.u32 s10, $0x4  }
0x12: {  	s10 =	sadd.s32 s14, s3;
	s13 =	smax.u32 s13, $0x1;
	s14 =	simm.s32 $0x2  }
0x13: {  	s15 =	simm.s32 $0x5000;
	s11 =	sadd.s32 s12, s30;
	s12 =	sadd.s32 s12, s31  }
0x14: {  	s16 =	sadd.s32 s16, s18;
	s18 =	sadd.s32 s19, s18;
	s19 =	simm.s32 $0xE000  }
.LBB2_1:
0x15: {  	[tilespmem:s4], [sflag:$0x2] =	stream.linear.gather [hbm4b:s5+s4], $0x5000, $0x38;
	[tilespmem:$0x1C000] =	vst v63  }
0x16: {  	_ =	swait.ge [sflag:s14], $0x5000  }
0x17: {  	[sflag:s14] =	ssyncset.done $0x0  }
0x18: {  	[sflag:s14] =	ssyncadd.s32 $0xFFFFB000  }
0x19: {  	[tilespmem:s15], [sflag:$0x2] =	stream.linear.gather [hbm4b:s6+s4], $0x5000, $0x38;
	[tilespmem:$0x1C000] =	vst v63  }
0x1a: {  	_ =	swait.ge [sflag:s14], $0x5000  }
0x1b: {  	[sflag:s14] =	ssyncset.done $0x0  }
0x1c: {  	[sflag:s14] =	ssyncadd.s32 $0xFFFFB000  }
0x1d: {  	[tilespmem:s17], [sflag:$0x1] =	stream.linear.gather [hbm4b:s16+s4], $0x4000, $0x38;
	[tilespmem:$0x1C000] =	vst v63  }
0x1e: {  	_ = 	snop  }
0x1f: {  	[tilespmem:s19], [sflag:$0x1] =	stream.linear.gather [hbm4b:s18+s4], $0x1000, $0x38;
	[tilespmem:$0x1C000] =	vst v63  }
0x20: {  	_ =	swait.ge [sflag:s20], $0x4000  }
0x21: {  	[sflag:s20] =	ssyncset.done $0x0  }
0x22: {  	[sflag:s20] =	ssyncadd.s32 $0xFFFFC000  }
0x23: {  	[spmem:s7] =	stream.linear.scatter [tilespmem:s17], [sflag:$0x2], $0x4000, $0x38;
	[tilespmem:$0x1C000] =	vst v63  }
0x24: {  	_ =	swait.ge [sflag:s14], $0x4000  }
0x25: {  	[sflag:s14] =	ssyncset.done $0x0  }
0x26: {  	[sflag:s14] =	ssyncadd.s32 $0xFFFFC000  }
0x27: {  	[spmem:s8] =	stream.linear.scatter [tilespmem:s17], [sflag:$0x2], $0x4000, $0x38;
	[tilespmem:$0x1C000] =	vst v63  }
0x28: {  	_ =	swait.ge [sflag:s14], $0x4000  }
0x29: {  	[sflag:s14] =	ssyncset.done $0x0  }
0x2a: {  	[sflag:s14] =	ssyncadd.s32 $0xFFFFC000  }
0x2b: {  	_ =	swait.ge [sflag:s20], $0x1000  }
0x2c: {  	[sflag:s20] =	ssyncset.done $0x0  }
0x2d: {  	[sflag:s20] =	ssyncadd.s32 $0xFFFFF000  }
0x2e: {  	[spmem:s9] =	stream.linear.scatter [tilespmem:s19], [sflag:$0x2], $0x1000, $0x38;
	[tilespmem:$0x1C000] =	vst v63  }
0x2f: {  	_ =	swait.ge [sflag:s14], $0x1000  }
0x30: {  	[sflag:s14] =	ssyncset.done $0x0  }
0x31: {  	[sflag:s14] =	ssyncadd.s32 $0xFFFFF000  }
0x32: {  	[spmem:s10] =	stream.linear.scatter [tilespmem:s19], [sflag:$0x2], $0x1000, $0x38;
	[tilespmem:$0x1C000] =	vst v63  }
0x33: {  	_ =	swait.ge [sflag:s14], $0x1000  }
0x34: {  	[sflag:s14] =	ssyncset.done $0x0  }
0x35: {  	[sflag:s14] =	ssyncadd.s32 $0xFFFFF000  }
0x36: {  	[bflag:$0x0] =	sbarrier.arrive $0xFFFF  }
0x37: {  	[tilespmem:s17], [sflag:$0x1] =	stream.indirect.gather [spmem:s2], $0x20, s4, s21, $0xb8;
	[tilespmem:$0x1C000] =	vst v63  }
0x38: {  	_ = 	snop  }
0x39: {  	[tilespmem:s19], [sflag:$0x1] =	stream.indirect.gather [spmem:s2], $0x20, s21, s21, $0xb8;
	[tilespmem:$0x1C000] =	vst v63  }
0x3a: {  	_ =	swait.ge [sflag:s20], $0x4000  }
0x3b: {  	[sflag:s20] =	ssyncset.done $0x0  }
0x3c: {  	s25 =	simm.s32 $0x5000;
	[sflag:s20] =	ssyncadd.s32 $0xFFFFC000  }
0x3d: {  	[spmem:s3] =	stream.indirect.scatter.add.bf16 [tilespmem:s17], [sflag:$0x2], $0x20, s25, s21, $0xb8;
	[tilespmem:$0x1C000] =	vst v63  }
0x3e: {  	_ =	swait.ge [sflag:s14], $0x4000  }
0x3f: {  	[sflag:s14] =	ssyncset.done $0x0  }
0x40: {  	s30 =	simm.s32 $0x400;
	[sflag:s14] =	ssyncadd.s32 $0xFFFFC000  }
0x41: {  	[tilespmem:s17], [sflag:$0x1] =	stream.indirect.gather [spmem:s2], $0x20, s30, s21, $0xb8;
	[tilespmem:$0x1C000] =	vst v63  }
0x42: {  	_ =	swait.ge [sflag:s20], $0x4000  }
0x43: {  	[sflag:s20] =	ssyncset.done $0x0  }
0x44: {  	s31 =	simm.s32 $0x5200;
	[sflag:s20] =	ssyncadd.s32 $0xFFFFC000  }
0x45: {  	[spmem:s3] =	stream.indirect.scatter.add.bf16 [tilespmem:s19], [sflag:$0x2], $0x20, s31, s21, $0xb8;
	[tilespmem:$0x1C000] =	vst v63  }
0x46: {  	_ =	swait.ge [sflag:s14], $0x4000  }
0x47: {  	[sflag:s14] =	ssyncset.done $0x0  }
0x48: {  	s26 =	simm.s32 $0x600;
	s25 =	simm.s32 $0x1000;
	[sflag:s14] =	ssyncadd.s32 $0xFFFFC000  }
.LBB2_2:
0x49: {  	[tilespmem:s19], [sflag:$0x1] =	stream.indirect.gather [spmem:s2], $0x20, s26, s21, $0xb8;
	[tilespmem:$0x1C000] =	vst v63  }
0x4a: {  	s26 =	smov.u32 s25  }
0x4b: {  	p0 =	sne.s32 s25, $0x12000;
	s25 =	sadd.s32 $0x1000, s25;
	_ =	swait.ge [sflag:s20], $0x4000  }
0x4c: {  	s26 =	sshra.s32 s26, $0x2;
	[sflag:s20] =	ssyncset.done $0x0  }
0x4d: {  	s28 =	sadd.s32 $0x5000, s26;
	[sflag:s20] =	ssyncadd.s32 $0xFFFFC000  }
0x4e: {  	[spmem:s3] =	stream.indirect.scatter.add.bf16 [tilespmem:s17], [sflag:$0x2], $0x20, s28, s21, $0xb8;
	[tilespmem:$0x1C000] =	vst v63  }
0x4f: {  	_ =	swait.ge [sflag:s14], $0x4000  }
0x50: {  	[sflag:s14] =	ssyncset.done $0x0  }
0x51: {  	s28 =	sadd.s32 $0x400, s26;
	[sflag:s14] =	ssyncadd.s32 $0xFFFFC000  }
0x52: {  	[tilespmem:s17], [sflag:$0x1] =	stream.indirect.gather [spmem:s2], $0x20, s28, s21, $0xb8;
	[tilespmem:$0x1C000] =	vst v63  }
0x53: {  	_ =	swait.ge [sflag:s20], $0x4000  }
0x54: {  	[sflag:s20] =	ssyncset.done $0x0  }
.Ltmp0:
0x55: {  	s28 =	sadd.s32 $0x5200, s26;
	[sflag:s20] =	ssyncadd.s32 $0xFFFFC000;
	(pc) =	sbr.rel @p0 .LBB2_2-.Ltmp0, $4  }
0x56: {  	[spmem:s3] =	stream.indirect.scatter.add.bf16 [tilespmem:s19], [sflag:$0x2], $0x20, s28, s21, $0xb8;
	[tilespmem:$0x1C000] =	vst v63  }
0x57: {  	_ =	swait.ge [sflag:s14], $0x4000  }
0x58: {  	[sflag:s14] =	ssyncset.done $0x0  }
0x59: {  	s26 =	sadd.s32 $0x600, s26;
	[sflag:s14] =	ssyncadd.s32 $0xFFFFC000  }
0x5a: {  	[tilespmem:s19], [sflag:$0x1] =	stream.indirect.gather [spmem:s2], $0x20, s26, s21, $0xb8;
	[tilespmem:$0x1C000] =	vst v63  }
0x5b: {  	_ =	swait.ge [sflag:s20], $0x4000  }
0x5c: {  	[sflag:s20] =	ssyncset.done $0x0  }
0x5d: {  	[sflag:s20] =	ssyncadd.s32 $0xFFFFC000  }
0x5e: {  	[spmem:s3] =	stream.indirect.scatter.add.bf16 [tilespmem:s17], [sflag:$0x2], $0x20, s22, s21, $0xb8;
	[tilespmem:$0x1C000] =	vst v63  }
0x5f: {  	_ =	swait.ge [sflag:s14], $0x4000  }
0x60: {  	[sflag:s14] =	ssyncset.done $0x0  }
0x61: {  	[sflag:s14] =	ssyncadd.s32 $0xFFFFC000  }
0x62: {  	_ =	swait.ge [sflag:s20], $0x4000  }
0x63: {  	[sflag:s20] =	ssyncset.done $0x0  }
0x64: {  	[sflag:s20] =	ssyncadd.s32 $0xFFFFC000  }
0x65: {  	[spmem:s3] =	stream.indirect.scatter.add.bf16 [tilespmem:s19], [sflag:$0x2], $0x20, s23, s21, $0xb8;
	[tilespmem:$0x1C000] =	vst v63  }
0x66: {  	_ =	swait.ge [sflag:s14], $0x4000  }
0x67: {  	[sflag:s14] =	ssyncset.done $0x0  }
0x68: {  	[sflag:s14] =	ssyncadd.s32 $0xFFFFC000  }
0x69: {  	[bflag:$0x0] =	sbarrier.arrive $0xFFFF  }
0x6a: {  	[tilespmem:s17], [sflag:$0x2] =	stream.linear.gather [spmem:s8], $0x4000, $0x38;
	[tilespmem:$0x1C000] =	vst v63  }
0x6b: {  	_ =	swait.ge [sflag:s14], $0x4000  }
0x6c: {  	[sflag:s14] =	ssyncset.done $0x0  }
0x6d: {  	[sflag:s14] =	ssyncadd.s32 $0xFFFFC000  }
0x6e: {  	[hbm4b:s11+s4] =	stream.linear.scatter [tilespmem:s17], [sflag:$0x1], $0x4000, $0x38;
	[tilespmem:$0x1C000] =	vst v63  }
0x6f: {  	_ = 	snop  }
0x70: {  	[tilespmem:s19], [sflag:$0x2] =	stream.linear.gather [spmem:s10], $0x1000, $0x38;
	[tilespmem:$0x1C000] =	vst v63  }
0x71: {  	_ =	swait.ge [sflag:s14], $0x1000  }
0x72: {  	[sflag:s14] =	ssyncset.done $0x0  }
0x73: {  	s24 =	sadd.s32 $0x1, s24;
	[sflag:s14] =	ssyncadd.s32 $0xFFFFF000  }
0x74: {  	[hbm4b:s12+s4] =	stream.linear.scatter [tilespmem:s19], [sflag:$0x1], $0x1000, $0x38;
	[tilespmem:$0x1C000] =	vst v63  }
0x75: {  	p0 =	sne.s32 s24, s13;
	_ =	swait.ge [sflag:s20], $0x4000  }
.Ltmp1:
0x76: {  	[sflag:s20] =	ssyncset.done $0x0;
	(pc) =	sbr.rel @p0 .LBB2_1-.Ltmp1, $4  }
0x77: {  	[sflag:s20] =	ssyncadd.s32 $0xFFFFC000  }
0x78: {  	_ =	swait.ge [sflag:s20], $0x1000  }
0x79: {  	[sflag:s20] =	ssyncset.done $0x0  }
0x7a: {  	[sflag:s20] =	ssyncadd.s32 $0xFFFFF000  }
0x7b: {  	_ =	sfence.sel $0x180000  }
0x7c: {  	[bflag:$0x0] =	sbarrier.arrive $0xFFFF  }
0x7d: {  	p0 =	sne.s32 s1, $0x0;
	_ =	strace $0x9000004A  }
0x7e: {  	s0 =	sadd.s32 @!p0 $0x100000, s0;
	[bflag:$0x2] =	sbarrier.arrive $0xFFFF  }
0x7f: {  	[sflag:s0] =	ssyncadd.tile.s32 @!p0 $0x1;
	_ =	shalt  }
.Lfunc_end2:
_tile_overlayer_lowered:
.L_overlay_start_2:
0x80: {  	(tag) =	ssettag $0x2  }
0x81: {  	s0 =	rddreg [dreg:$0x0];
	s2 =	stileid.u32  }
0x82: {  	s1 =	rddreg [dreg:$0x1];
	p0 =	sne.s32 s2, $0x0  }
0x83: {  	s3 =	rddreg [dreg:$0x2];
	[bflag:$0x3] =	sbarrier.arrive $0xFFFF;
	s2 =	simm.s32 @!p0 $0x1C02  }
0x84: {  	[timem:s3], [sflag:s2] =	dma.local @!p0 [hbm:s0], s1  }
0x85: {  	s0 =	simm.s32 @!p0 $0x2  }
0x86: {  	_ =	swait.ge @!p0 [sflag:s0], s1  }
0x87: {  	s1 =	ssub.s32 @!p0 $0x0, s1;
	[sflag:s0] =	ssyncset.done @!p0 $0x0  }
0x88: {  	[sflag:s0] =	ssyncadd.s32 @!p0 s1  }
0x89: {  	[bflag:$0x3] =	sbarrier.arrive $0xFFFF  }
0x8a: {  	_ =	shalt  }

// kernel: kernel.14.cloned.1.call-start
scs
__scs_entry_jumppad:
0x0: {  	(pc) =	sbr.rel $0x88, $3  }
0x1: {  	(tag) =	ssettag $0x0;
	lr =	simm.s32 $0x1  }
0x2: {  	[smem:$0x3F9B] =	sst lr;
	_ =	strace $0xD0000000  }
0x3: {  	_ = 	snop  }
0x4: {  	_ = 	snop  }
0x5: {  	_ = 	snop  }
0x6: {  	_ = 	snop  }
0x7: {  	_ = 	snop  }
__scs_overlays_trampoline_lowered:
0x8: {  	[smem:$0x3FAA] =	sst s0  }
0x9: {  	[smem:$0x3FAB] =	sst s1  }
0xa: {  	[smem:$0x3FAC] =	sst s2  }
0xb: {  	[smem:$0x3FAD] =	sst s3  }
0xc: {  	[smem:$0x3FAE] =	sst s4  }
0xd: {  	[smem:$0x3FAF] =	sst s5  }
0xe: {  	[smem:$0x3FB0] =	sst s6  }
0xf: {  	[smem:$0x3FB1] =	sst s7  }
0x10: {  	[smem:$0x3FB2] =	sst s8  }
0x11: {  	[smem:$0x3FB3] =	sst s9;
	s0 =	simm.s32 @!p0 $0x0  }
0x12: {  	s1 =	sld [smem:$0x3F99];
	s0 =	simm.s32 @p0 $0x1  }
0x13: {  	[smem:$0x3FB4] =	sst s0;
	s0 =	simm.s32 @!p1 $0x0  }
0x14: {  	s2 =	sld [smem:$0x3F98];
	s0 =	simm.s32 @p1 $0x1  }
0x15: {  	[smem:$0x3FB5] =	sst s0;
	s0 =	simm.s32 @!p2 $0x0  }
0x16: {  	s3 =	sld [smem:$0x3FDB];
	s0 =	simm.s32 @p2 $0x1  }
0x17: {  	s4 =	simm.s32 $0x1BF5;
	[smem:$0x3FB7] =	sst s0  }
0x18: {  	s0 =	sld [smem:$0x3F9A];
	_ =	swait.ge [sflag:s4], $0x0  }
0x19: {  	s7 =	sld [smem:$0x3F9B]  }
0x1a: {  	s8 =	sadd.s32 $0xFFFFE003, lr  }
0x1b: {  	s9 =	sadd.s32 $0xFFFFFEF7, lr;
	s5 =	simm.s32 $0xFFFFFFFF;
	p2 =	slt.u32 s8, $0xFFFFF086  }
0x1c: {  	p1 =	slt.u32 s9, $0xF7A;
	s5 =	simm.s32 @!p2 $0x0  }
0x1d: {  	s5 =	simm.s32 @p1 $0x1;
	p0 =	seq.s32 s7, s2  }
0x1e: {  	s7 =	smul.u32 @!p0 $0xF7A, s2;
	p2 =	seq.s32 @!p0 s5, $0x0  }
0x1f: {  	s9 =	smul.u32 $0xF7A, s1;
	s8 =	simm.s32 @!p0 $0x1BF5;
	p2 =	por !p2, p0  }
0x20: {  	[sflag:s8] =	ssyncset.s32 @!p0 $0xFFFFF086;
	s6 =	sadd.s32 @!p0 s3, s7;
	s7 =	simm.s32 @!p0 $0x108  }
0x21: {  	s3 =	sadd.s32 s3, s9;
	s6 =	sadd.s32 @!p0 $0x88, s6;
	s7 =	simm.s32 @p2 $0x1082  }
0x22: {  	[simem:s7], [sflag:s8] =	dma.local @!p0 [hbm:s6], $0xF7A  }
0x23: {  	s9 =	sor.u32 $0xD0000000, s2;
	s6 =	simm.s32 $0x108;
	_ =	swait.ge @!p0 [sflag:s8], $0x0  }
0x24: {  	s3 =	sadd.s32 $0x88, s3;
	s6 =	simm.s32 @!p1 $0x1082;
	[sflag:s4] =	ssyncset.s32 $0xFFFFF086  }
0x25: {  	[simem:s6], [sflag:s4] =	dma.local [hbm:s3], $0xF7A  }
0x26: {  	[smem:$0x3F9B] =	sst s1;
	(tag) =	ssettag s2;
	_ =	strace s9  }
0x27: {  	s1 =	sld [smem:$0x3FAB]  }
0x28: {  	s2 =	sld [smem:$0x3FAC]  }
0x29: {  	s4 =	sld [smem:$0x3FAE]  }
0x2a: {  	p0 =	seq.s32 s5, $0x0;
	s5 =	sld [smem:$0x3FAF]  }
0x2b: {  	s6 =	sld [smem:$0x3FB0]  }
0x2c: {  	s7 =	sld [smem:$0x3FB1]  }
0x2d: {  	s3 =	simm.s32 $0x108;
	s8 =	sld [smem:$0x3FB2]  }
0x2e: {  	s3 =	simm.s32 @!p0 $0x1082;
	s9 =	sld [smem:$0x3FB3]  }
0x2f: {  	lr =	sadd.s32 s0, s3;
	s0 =	sld [smem:$0x3FAA]  }
0x30: {  	s3 =	sld [smem:$0x3FAD]  }
0x31: {  	[smem:$0x3FB6] =	sst s10  }
0x32: {  	s10 =	sld [smem:$0x3FB4];
	_ =	sdelay $0x3  }
0x33: {  	p0 =	seq.s32 s10, $0x1;
	s10 =	sld [smem:$0x3FB6];
	_ =	sdelay $0x3  }
0x34: {  	[smem:$0x3FB6] =	sst s10  }
0x35: {  	s10 =	sld [smem:$0x3FB5];
	_ =	sdelay $0x3  }
0x36: {  	p1 =	seq.s32 s10, $0x1;
	s10 =	sld [smem:$0x3FB6];
	_ =	sdelay $0x3  }
0x37: {  	[smem:$0x3FB6] =	sst s10  }
0x38: {  	s10 =	sld [smem:$0x3FB7]  }
0x39: {  	_ = 	snop;
	(pc) =	sbr.ind lr, $3  }
0x3a: {  	_ = 	snop  }
0x3b: {  	_ = 	snop  }
0x3c: {  	p2 =	seq.s32 s10, $0x1;
	s10 =	sld [smem:$0x3FB6]  }
0x3d: {  	_ =	shalt  }
0x3e: {  	_ =	shalt  }
0x3f: {  	_ =	shalt  }
0x40: {  	_ =	shalt  }
0x41: {  	_ =	shalt  }
0x42: {  	_ =	shalt  }
0x43: {  	_ =	shalt  }
0x44: {  	_ =	shalt  }
0x45: {  	_ =	shalt  }
0x46: {  	_ =	shalt  }
0x47: {  	_ =	shalt  }
0x48: {  	_ =	shalt  }
0x49: {  	_ =	shalt  }
0x4a: {  	_ =	shalt  }
0x4b: {  	_ =	shalt  }
0x4c: {  	_ =	shalt  }
0x4d: {  	_ =	shalt  }
0x4e: {  	_ =	shalt  }
0x4f: {  	_ =	shalt  }
0x50: {  	_ =	shalt  }
0x51: {  	_ =	shalt  }
0x52: {  	_ =	shalt  }
0x53: {  	_ =	shalt  }
0x54: {  	_ =	shalt  }
0x55: {  	_ =	shalt  }
0x56: {  	_ =	shalt  }
0x57: {  	_ =	shalt  }
0x58: {  	_ =	shalt  }
0x59: {  	_ =	shalt  }
0x5a: {  	_ =	shalt  }
0x5b: {  	_ =	shalt  }
0x5c: {  	_ =	shalt  }
0x5d: {  	_ =	shalt  }
0x5e: {  	_ =	shalt  }
0x5f: {  	_ =	shalt  }
0x60: {  	_ =	shalt  }
0x61: {  	_ =	shalt  }
0x62: {  	_ =	shalt  }
0x63: {  	_ =	shalt  }
0x64: {  	_ =	shalt  }
0x65: {  	_ =	shalt  }
0x66: {  	_ =	shalt  }
0x67: {  	_ =	shalt  }
0x68: {  	_ =	shalt  }
0x69: {  	_ =	shalt  }
0x6a: {  	_ =	shalt  }
0x6b: {  	_ =	shalt  }
0x6c: {  	_ =	shalt  }
0x6d: {  	_ =	shalt  }
0x6e: {  	_ =	shalt  }
0x6f: {  	_ =	shalt  }
0x70: {  	_ =	shalt  }
0x71: {  	_ =	shalt  }
0x72: {  	_ =	shalt  }
0x73: {  	_ =	shalt  }
0x74: {  	_ =	shalt  }
0x75: {  	_ =	shalt  }
0x76: {  	_ =	shalt  }
0x77: {  	_ =	shalt  }
0x78: {  	_ =	shalt  }
0x79: {  	_ =	shalt  }
0x7a: {  	_ =	shalt  }
0x7b: {  	_ =	shalt  }
0x7c: {  	_ =	shalt  }
0x7d: {  	_ =	shalt  }
0x7e: {  	_ =	shalt  }
0x7f: {  	_ =	shalt  }
0x80: {  	_ =	shalt  }
0x81: {  	_ =	shalt  }
0x82: {  	_ =	shalt  }
0x83: {  	_ =	shalt  }
0x84: {  	_ =	shalt  }
0x85: {  	_ =	shalt  }
0x86: {  	_ =	shalt  }
0x87: {  	_ =	shalt  }
.Lfunc_end0:
.L_simem_size_0:
called_computation.2_lowered:
.L_overlay_start_0:
0x88: {  	s2 =	sld [smem:$0x3FD9]  }
0x89: {  	s3 =	sld [smem:$0x3FFE];
	_ =	sdelay $0x1  }
0x8a: {  	s1 =	srdreg.scid  }
0x8b: {  	s0 =	sand.u32 $0x1, s1  }
0x8c: {  	s17 =	sshll.u32 s0, $0xA;
	s2 =	sadd.s32 s3, s2  }
0x8d: {  	s2 =	sadd.s32 s2, s17  }
0x8e: {  	[smem:$0x3FC2] =	sst s2  }
0x8f: {  	_ = 	snop  }
0x90: {  	s2 =	sld [smem:$0x3FD0];
	(tm) =	ssettm $0x1  }
0x91: {  	s18 =	sld [smem:$0x3FFB];
	_ =	sdelay $0x3  }
0x92: {  	_ =	strace s18  }
0x93: {  	s3 =	sld [smem:$0x3FFC];
	_ =	sdelay $0x3  }
0x94: {  	_ =	strace s3  }
0x95: {  	s3 =	sld [smem:$0x3FFD];
	_ =	sdelay $0x3  }
0x96: {  	_ =	strace s3  }
0x97: {  	_ =	strace $0x8FFFFFFF  }
0x98: {  	s19 =	sld [smem:$0x3FDB];
	_ =	sdelay $0x1  }
0x99: {  	s4 =	simm.s32 $_scs_section_size  }
0x9a: {  	s5 =	simm.s32 $_size__tile_overlayer_lowered;
	s6 =	simm.s32 $_tile_overlayer_lowered  }
0x9b: {  	s22 =	simm.s32 $0x1BFF;
	s21 =	sshll.u32 s6, $0x1;
	s3 =	sadd.s32 s4, s19  }
0x9c: {  	s7 =	simm.s32 $0x0;
	s20 =	sshll.u32 s5, $0x1;
	s5 =	sadd.s32 s21, s3  }
0x9d: {  	[timem:s7], [sflag:s22] =	dma.local [hbm:s5], s20  }
0x9e: {  	_ =	swait.ge [sflag:s22], s20  }
0x9f: {  	s4 =	ssub.s32 $0x0, s20;
	[sflag:s22] =	ssyncset.done $0x0  }
0xa0: {  	[sflag:s22] =	ssyncadd.s32 s4;
	_ =	sdelay $0x1  }
0xa1: {  	s23 =	simm.s32 $0x1B8B  }
0xa2: {  	_ =	swait.ge [sflag:s23], $0x1  }
0xa3: {  	[sflag:s23] =	ssyncset.done $0x0  }
0xa4: {  	s25 =	simm.s32 $0x1B8E;
	s24 =	sld [smem:$0x3FFE];
	[sflag:s23] =	ssyncadd.s32 $0xFFFFFFFF  }
0xa5: {  	s26 =	simm.s32 $execute0_lowered;
	[smem:$0x3FD2] =	sst s25  }
0xa6: {  	s5 =	sshll.u32 s26, $0x1;
	_ =	strace $0x8000004C;
	[dreg:$0x1] =	wrdreg $0xFFFFFFFF  }
0xa7: {  	s28 =	simm.s32 $_size_execute0_lowered;
	s3 =	sadd.s32 s3, s5;
	[dreg:$0x0] =	wrdreg $0x0  }
0xa8: {  	s5 =	sshll.u32 s28, $0x1;
	[dreg:$0x2] =	wrdreg s3  }
0xa9: {  	[dreg:$0x3] =	wrdreg s5  }
0xaa: {  	[dreg:$0x4] =	wrdreg $0xC0  }
0xab: {  	_ =	task [dreg:s7], $0x5FFFF  }
0xac: {  	[dreg:$0x1] =	wrdreg $0xFFFFFFFF  }
0xad: {  	[dreg:$0x0] =	wrdreg $0x60  }
0xae: {  	[dreg:$0x2] =	wrdreg s2  }
0xaf: {  	[dreg:$0x3] =	wrdreg s24  }
0xb0: {  	[dreg:$0x4] =	wrdreg $0x120000  }
0xb1: {  	[dreg:$0x5] =	wrdreg $0x170000  }
0xb2: {  	[dreg:$0x6] =	wrdreg $0x9  }
0xb3: {  	_ =	task.clear_ibuf [dreg:s7], $0x7FFFF;
	_ =	strace $0x9000004C  }
0xb4: {  	s29 =	simm.s32 $0x9;
	_ =	strace $0x8000004E  }
0xb5: {  	_ =	swait.ge [sflag:s29], $0x1  }
0xb6: {  	[sflag:s29] =	ssyncadd.s32 $0xFFFFFFFF  }
0xb7: {  	_ =	strace $0x9000004E  }
0xb8: {  	_ =	sfence  }
0xb9: {  	s30 =	sld [smem:$0x0];
	_ =	sdelay $0x2  }
0xba: {  	s31 =	sshll.u32 s1, $0xD;
	s1 =	sshrl.u32 s1, $0x2  }
0xbb: {  	s3 =	sand.u32 $0x4000, s31;
	s1 =	sadd.s32 s1, s30  }
0xbc: {  	s0 =	sor.u32 s3, s0;
	s1 =	sshll.u32 s1, $0x11  }
0xbd: {  	s0 =	sor.u32 s1, s0  }
0xbe: {  	s0 =	sadd.s32 $0x8F2B, s0  }
0xbf: {  	[sflag:s0] =	ssyncadd.remote.s32 $0x1  }
0xc0: {  	_ =	sfence.sel $0xFFFF  }
0xc1: {  	[dreg:$0x0] =	wrdreg $0xFFFFFFFF;
	(pc) =	sbr.abs _section_cstart, $3  }
0xc2: {  	[dreg:$0x1] =	wrdreg $0xFFFFFFFF  }
0xc3: {  	_ =	task.clear_ibuf [dreg:s7], $0x2FFFF;
	_ =	strace $0x9FFFFFFF  }
0xc4: {  	(tm) =	ssettm $0x7FFFFFFF  }
0xc5: {  	_ =	shalt  }
tec
execute0_lowered:
.L_overlay_start_1:
0x0: {  	(tag) =	ssettag $0x1  }
0x1: {  	s7 =	rddreg [dreg:$0x0]  }
0x2: {  	s5 =	rddreg [dreg:$0x1]  }
0x3: {  	s2 =	rddreg [dreg:$0x2]  }
0x4: {  	s3 =	rddreg [dreg:$0x3]  }
0x5: {  	s0 =	rddreg [dreg:$0x4]  }
0x6: {  	s4 =	simm.s32 $0x0;
	s1 =	stileid.u32;
	s6 =	srdreg.scid  }
0x7: {  	s17 =	simm.s32 $0xA000;
	s20 =	simm.s32 $0x1;
	s21 =	simm.s32 $0x200  }
0x8: {  	s22 =	simm.s32 $0x9C00;
	s23 =	simm.s32 $0x9E00;
	[smem:$0x7FF] =	sst s4  }
0x9: {  	s8 =	smul.u32 $0xA00, s1;
	s6 =	sand.u32 $0x1, s6;
	s12 =	sadd.s32 $0x16000, s5  }
0xa: {  	s28 =	smul.u32 $0xA000, s1;
	_ =	strace $0x8000004D;
	s9 =	ssub.s32 $0x2, s6  }
0xb: {  	s10 =	smul.u32 $0xA0000, s6;
	s24 =	sadd.s32 s8, s5;
	s25 =	sshrl.u32 s9, $0x1  }
0xc: {  	s16 =	sshrl.u32 s28, $0x4;
	s11 =	sadd.s32 $0x8000, s28;
	s29 =	sshrl.u32 s28, $0x1  }
0xd: {  	s13 =	ssub.s32 s9, s25;
	s26 =	sshrl.u32 s10, $0x4;
	s5 =	sadd.s32 $0xC000, s24  }
0xe: {  	s6 =	sadd.s32 $0x1600, s24;
	s19 =	sshrl.u32 s11, $0x4;
	s8 =	sadd.s32 s29, s3  }
0xf: {  	s14 =	sshrl.u32 s11, $0x1;
	s15 =	sadd.s32 s28, s10;
	s10 =	sadd.s32 s10, s11  }
0x10: {  	s24 =	simm.s32 $0x0;
	s18 =	sadd.s32 s7, s26;
	s7 =	sadd.s32 s29, s2  }
0x11: {  	s9 =	sadd.s32 s14, s2;
	s30 =	sshrl.u32 s15, $0x4;
	s31 =	sshrl.u32 s10, $0x4  }
0x12: {  	s10 =	sadd.s32 s14, s3;
	s13 =	smax.u32 s13, $0x1;
	s14 =	simm.s32 $0x2  }
0x13: {  	s15 =	simm.s32 $0x5000;
	s11 =	sadd.s32 s12, s30;
	s12 =	sadd.s32 s12, s31  }
0x14: {  	s16 =	sadd.s32 s16, s18;
	s18 =	sadd.s32 s19, s18;
	s19 =	simm.s32 $0xE000  }
.LBB2_1:
0x15: {  	[tilespmem:s4], [sflag:$0x2] =	stream.linear.gather [hbm4b:s5+s4], $0x5000, $0x38;
	[tilespmem:$0x1C000] =	vst v63  }
0x16: {  	_ =	swait.ge [sflag:s14], $0x5000  }
0x17: {  	[sflag:s14] =	ssyncset.done $0x0  }
0x18: {  	[sflag:s14] =	ssyncadd.s32 $0xFFFFB000  }
0x19: {  	[tilespmem:s15], [sflag:$0x2] =	stream.linear.gather [hbm4b:s6+s4], $0x5000, $0x38;
	[tilespmem:$0x1C000] =	vst v63  }
0x1a: {  	_ =	swait.ge [sflag:s14], $0x5000  }
0x1b: {  	[sflag:s14] =	ssyncset.done $0x0  }
0x1c: {  	[sflag:s14] =	ssyncadd.s32 $0xFFFFB000  }
0x1d: {  	[tilespmem:s17], [sflag:$0x1] =	stream.linear.gather [hbm4b:s16+s4], $0x4000, $0x38;
	[tilespmem:$0x1C000] =	vst v63  }
0x1e: {  	_ = 	snop  }
0x1f: {  	[tilespmem:s19], [sflag:$0x1] =	stream.linear.gather [hbm4b:s18+s4], $0x1000, $0x38;
	[tilespmem:$0x1C000] =	vst v63  }
0x20: {  	_ =	swait.ge [sflag:s20], $0x4000  }
0x21: {  	[sflag:s20] =	ssyncset.done $0x0  }
0x22: {  	[sflag:s20] =	ssyncadd.s32 $0xFFFFC000  }
0x23: {  	[spmem:s7] =	stream.linear.scatter [tilespmem:s17], [sflag:$0x2], $0x4000, $0x38;
	[tilespmem:$0x1C000] =	vst v63  }
0x24: {  	_ =	swait.ge [sflag:s14], $0x4000  }
0x25: {  	[sflag:s14] =	ssyncset.done $0x0  }
0x26: {  	[sflag:s14] =	ssyncadd.s32 $0xFFFFC000  }
0x27: {  	[spmem:s8] =	stream.linear.scatter [tilespmem:s17], [sflag:$0x2], $0x4000, $0x38;
	[tilespmem:$0x1C000] =	vst v63  }
0x28: {  	_ =	swait.ge [sflag:s14], $0x4000  }
0x29: {  	[sflag:s14] =	ssyncset.done $0x0  }
0x2a: {  	[sflag:s14] =	ssyncadd.s32 $0xFFFFC000  }
0x2b: {  	_ =	swait.ge [sflag:s20], $0x1000  }
0x2c: {  	[sflag:s20] =	ssyncset.done $0x0  }
0x2d: {  	[sflag:s20] =	ssyncadd.s32 $0xFFFFF000  }
0x2e: {  	[spmem:s9] =	stream.linear.scatter [tilespmem:s19], [sflag:$0x2], $0x1000, $0x38;
	[tilespmem:$0x1C000] =	vst v63  }
0x2f: {  	_ =	swait.ge [sflag:s14], $0x1000  }
0x30: {  	[sflag:s14] =	ssyncset.done $0x0  }
0x31: {  	[sflag:s14] =	ssyncadd.s32 $0xFFFFF000  }
0x32: {  	[spmem:s10] =	stream.linear.scatter [tilespmem:s19], [sflag:$0x2], $0x1000, $0x38;
	[tilespmem:$0x1C000] =	vst v63  }
0x33: {  	_ =	swait.ge [sflag:s14], $0x1000  }
0x34: {  	[sflag:s14] =	ssyncset.done $0x0  }
0x35: {  	[sflag:s14] =	ssyncadd.s32 $0xFFFFF000  }
0x36: {  	[bflag:$0x0] =	sbarrier.arrive $0xFFFF  }
0x37: {  	[tilespmem:s17], [sflag:$0x1] =	stream.indirect.gather [spmem:s2], $0x20, s4, s21, $0xb8;
	[tilespmem:$0x1C000] =	vst v63  }
0x38: {  	_ = 	snop  }
0x39: {  	[tilespmem:s19], [sflag:$0x1] =	stream.indirect.gather [spmem:s2], $0x20, s21, s21, $0xb8;
	[tilespmem:$0x1C000] =	vst v63  }
0x3a: {  	_ =	swait.ge [sflag:s20], $0x4000  }
0x3b: {  	[sflag:s20] =	ssyncset.done $0x0  }
0x3c: {  	s25 =	simm.s32 $0x5000;
	[sflag:s20] =	ssyncadd.s32 $0xFFFFC000  }
0x3d: {  	[spmem:s3] =	stream.indirect.scatter.add.bf16 [tilespmem:s17], [sflag:$0x2], $0x20, s25, s21, $0xb8;
	[tilespmem:$0x1C000] =	vst v63  }
0x3e: {  	_ =	swait.ge [sflag:s14], $0x4000  }
0x3f: {  	[sflag:s14] =	ssyncset.done $0x0  }
0x40: {  	s30 =	simm.s32 $0x400;
	[sflag:s14] =	ssyncadd.s32 $0xFFFFC000  }
0x41: {  	[tilespmem:s17], [sflag:$0x1] =	stream.indirect.gather [spmem:s2], $0x20, s30, s21, $0xb8;
	[tilespmem:$0x1C000] =	vst v63  }
0x42: {  	_ =	swait.ge [sflag:s20], $0x4000  }
0x43: {  	[sflag:s20] =	ssyncset.done $0x0  }
0x44: {  	s31 =	simm.s32 $0x5200;
	[sflag:s20] =	ssyncadd.s32 $0xFFFFC000  }
0x45: {  	[spmem:s3] =	stream.indirect.scatter.add.bf16 [tilespmem:s19], [sflag:$0x2], $0x20, s31, s21, $0xb8;
	[tilespmem:$0x1C000] =	vst v63  }
0x46: {  	_ =	swait.ge [sflag:s14], $0x4000  }
0x47: {  	[sflag:s14] =	ssyncset.done $0x0  }
0x48: {  	s26 =	simm.s32 $0x600;
	s25 =	simm.s32 $0x1000;
	[sflag:s14] =	ssyncadd.s32 $0xFFFFC000  }
.LBB2_2:
0x49: {  	[tilespmem:s19], [sflag:$0x1] =	stream.indirect.gather [spmem:s2], $0x20, s26, s21, $0xb8;
	[tilespmem:$0x1C000] =	vst v63  }
0x4a: {  	s26 =	smov.u32 s25  }
0x4b: {  	p0 =	sne.s32 s25, $0x12000;
	s25 =	sadd.s32 $0x1000, s25;
	_ =	swait.ge [sflag:s20], $0x4000  }
0x4c: {  	s26 =	sshra.s32 s26, $0x2;
	[sflag:s20] =	ssyncset.done $0x0  }
0x4d: {  	s28 =	sadd.s32 $0x5000, s26;
	[sflag:s20] =	ssyncadd.s32 $0xFFFFC000  }
0x4e: {  	[spmem:s3] =	stream.indirect.scatter.add.bf16 [tilespmem:s17], [sflag:$0x2], $0x20, s28, s21, $0xb8;
	[tilespmem:$0x1C000] =	vst v63  }
0x4f: {  	_ =	swait.ge [sflag:s14], $0x4000  }
0x50: {  	[sflag:s14] =	ssyncset.done $0x0  }
0x51: {  	s28 =	sadd.s32 $0x400, s26;
	[sflag:s14] =	ssyncadd.s32 $0xFFFFC000  }
0x52: {  	[tilespmem:s17], [sflag:$0x1] =	stream.indirect.gather [spmem:s2], $0x20, s28, s21, $0xb8;
	[tilespmem:$0x1C000] =	vst v63  }
0x53: {  	_ =	swait.ge [sflag:s20], $0x4000  }
0x54: {  	[sflag:s20] =	ssyncset.done $0x0  }
.Ltmp0:
0x55: {  	s28 =	sadd.s32 $0x5200, s26;
	[sflag:s20] =	ssyncadd.s32 $0xFFFFC000;
	(pc) =	sbr.rel @p0 .LBB2_2-.Ltmp0, $4  }
0x56: {  	[spmem:s3] =	stream.indirect.scatter.add.bf16 [tilespmem:s19], [sflag:$0x2], $0x20, s28, s21, $0xb8;
	[tilespmem:$0x1C000] =	vst v63  }
0x57: {  	_ =	swait.ge [sflag:s14], $0x4000  }
0x58: {  	[sflag:s14] =	ssyncset.done $0x0  }
0x59: {  	s26 =	sadd.s32 $0x600, s26;
	[sflag:s14] =	ssyncadd.s32 $0xFFFFC000  }
0x5a: {  	[tilespmem:s19], [sflag:$0x1] =	stream.indirect.gather [spmem:s2], $0x20, s26, s21, $0xb8;
	[tilespmem:$0x1C000] =	vst v63  }
0x5b: {  	_ =	swait.ge [sflag:s20], $0x4000  }
0x5c: {  	[sflag:s20] =	ssyncset.done $0x0  }
0x5d: {  	[sflag:s20] =	ssyncadd.s32 $0xFFFFC000  }
0x5e: {  	[spmem:s3] =	stream.indirect.scatter.add.bf16 [tilespmem:s17], [sflag:$0x2], $0x20, s22, s21, $0xb8;
	[tilespmem:$0x1C000] =	vst v63  }
0x5f: {  	_ =	swait.ge [sflag:s14], $0x4000  }
0x60: {  	[sflag:s14] =	ssyncset.done $0x0  }
0x61: {  	[sflag:s14] =	ssyncadd.s32 $0xFFFFC000  }
0x62: {  	_ =	swait.ge [sflag:s20], $0x4000  }
0x63: {  	[sflag:s20] =	ssyncset.done $0x0  }
0x64: {  	[sflag:s20] =	ssyncadd.s32 $0xFFFFC000  }
0x65: {  	[spmem:s3] =	stream.indirect.scatter.add.bf16 [tilespmem:s19], [sflag:$0x2], $0x20, s23, s21, $0xb8;
	[tilespmem:$0x1C000] =	vst v63  }
0x66: {  	_ =	swait.ge [sflag:s14], $0x4000  }
0x67: {  	[sflag:s14] =	ssyncset.done $0x0  }
0x68: {  	[sflag:s14] =	ssyncadd.s32 $0xFFFFC000  }
0x69: {  	[bflag:$0x0] =	sbarrier.arrive $0xFFFF  }
0x6a: {  	[tilespmem:s17], [sflag:$0x2] =	stream.linear.gather [spmem:s8], $0x4000, $0x38;
	[tilespmem:$0x1C000] =	vst v63  }
0x6b: {  	_ =	swait.ge [sflag:s14], $0x4000  }
0x6c: {  	[sflag:s14] =	ssyncset.done $0x0  }
0x6d: {  	[sflag:s14] =	ssyncadd.s32 $0xFFFFC000  }
0x6e: {  	[hbm4b:s11+s4] =	stream.linear.scatter [tilespmem:s17], [sflag:$0x1], $0x4000, $0x38;
	[tilespmem:$0x1C000] =	vst v63  }
0x6f: {  	_ = 	snop  }
0x70: {  	[tilespmem:s19], [sflag:$0x2] =	stream.linear.gather [spmem:s10], $0x1000, $0x38;
	[tilespmem:$0x1C000] =	vst v63  }
0x71: {  	_ =	swait.ge [sflag:s14], $0x1000  }
0x72: {  	[sflag:s14] =	ssyncset.done $0x0  }
0x73: {  	s24 =	sadd.s32 $0x1, s24;
	[sflag:s14] =	ssyncadd.s32 $0xFFFFF000  }
0x74: {  	[hbm4b:s12+s4] =	stream.linear.scatter [tilespmem:s19], [sflag:$0x1], $0x1000, $0x38;
	[tilespmem:$0x1C000] =	vst v63  }
0x75: {  	p0 =	sne.s32 s24, s13;
	_ =	swait.ge [sflag:s20], $0x4000  }
.Ltmp1:
0x76: {  	[sflag:s20] =	ssyncset.done $0x0;
	(pc) =	sbr.rel @p0 .LBB2_1-.Ltmp1, $4  }
0x77: {  	[sflag:s20] =	ssyncadd.s32 $0xFFFFC000  }
0x78: {  	_ =	swait.ge [sflag:s20], $0x1000  }
0x79: {  	[sflag:s20] =	ssyncset.done $0x0  }
0x7a: {  	[sflag:s20] =	ssyncadd.s32 $0xFFFFF000  }
0x7b: {  	_ =	sfence.sel $0x180000  }
0x7c: {  	[bflag:$0x0] =	sbarrier.arrive $0xFFFF  }
0x7d: {  	p0 =	sne.s32 s1, $0x0;
	_ =	strace $0x9000004D  }
0x7e: {  	s0 =	sadd.s32 @!p0 $0x100000, s0;
	[bflag:$0x2] =	sbarrier.arrive $0xFFFF  }
0x7f: {  	[sflag:s0] =	ssyncadd.tile.s32 @!p0 $0x1;
	_ =	shalt  }
.Lfunc_end2:
_tile_overlayer_lowered:
.L_overlay_start_2:
0x80: {  	(tag) =	ssettag $0x2  }
0x81: {  	s0 =	rddreg [dreg:$0x0];
	s2 =	stileid.u32  }
0x82: {  	s1 =	rddreg [dreg:$0x1];
	p0 =	sne.s32 s2, $0x0  }
0x83: {  	s3 =	rddreg [dreg:$0x2];
	[bflag:$0x3] =	sbarrier.arrive $0xFFFF;
	s2 =	simm.s32 @!p0 $0x1C02  }
0x84: {  	[timem:s3], [sflag:s2] =	dma.local @!p0 [hbm:s0], s1  }
0x85: {  	s0 =	simm.s32 @!p0 $0x2  }
0x86: {  	_ =	swait.ge @!p0 [sflag:s0], s1  }
0x87: {  	s1 =	ssub.s32 @!p0 $0x0, s1;
	[sflag:s0] =	ssyncset.done @!p0 $0x0  }
0x88: {  	[sflag:s0] =	ssyncadd.s32 @!p0 s1  }
0x89: {  	[bflag:$0x3] =	sbarrier.arrive $0xFFFF  }
0x8a: {  	_ =	shalt  }

// kernel: kernel.8.cloned.1.call-start
scs
__scs_entry_jumppad:
0x0: {  	(pc) =	sbr.rel $0x88, $3  }
0x1: {  	(tag) =	ssettag $0x0;
	lr =	simm.s32 $0x1  }
0x2: {  	[smem:$0x3F9B] =	sst lr;
	_ =	strace $0xD0000000  }
0x3: {  	_ = 	snop  }
0x4: {  	_ = 	snop  }
0x5: {  	_ = 	snop  }
0x6: {  	_ = 	snop  }
0x7: {  	_ = 	snop  }
__scs_overlays_trampoline_lowered:
0x8: {  	[smem:$0x3FAA] =	sst s0  }
0x9: {  	[smem:$0x3FAB] =	sst s1  }
0xa: {  	[smem:$0x3FAC] =	sst s2  }
0xb: {  	[smem:$0x3FAD] =	sst s3  }
0xc: {  	[smem:$0x3FAE] =	sst s4  }
0xd: {  	[smem:$0x3FAF] =	sst s5  }
0xe: {  	[smem:$0x3FB0] =	sst s6  }
0xf: {  	[smem:$0x3FB1] =	sst s7  }
0x10: {  	[smem:$0x3FB2] =	sst s8  }
0x11: {  	[smem:$0x3FB3] =	sst s9;
	s0 =	simm.s32 @!p0 $0x0  }
0x12: {  	s1 =	sld [smem:$0x3F99];
	s0 =	simm.s32 @p0 $0x1  }
0x13: {  	[smem:$0x3FB4] =	sst s0;
	s0 =	simm.s32 @!p1 $0x0  }
0x14: {  	s2 =	sld [smem:$0x3F98];
	s0 =	simm.s32 @p1 $0x1  }
0x15: {  	[smem:$0x3FB5] =	sst s0;
	s0 =	simm.s32 @!p2 $0x0  }
0x16: {  	s3 =	sld [smem:$0x3FDB];
	s0 =	simm.s32 @p2 $0x1  }
0x17: {  	s4 =	simm.s32 $0x1BF5;
	[smem:$0x3FB7] =	sst s0  }
0x18: {  	s0 =	sld [smem:$0x3F9A];
	_ =	swait.ge [sflag:s4], $0x0  }
0x19: {  	s7 =	sld [smem:$0x3F9B]  }
0x1a: {  	s8 =	sadd.s32 $0xFFFFE003, lr  }
0x1b: {  	s9 =	sadd.s32 $0xFFFFFEF7, lr;
	s5 =	simm.s32 $0xFFFFFFFF;
	p2 =	slt.u32 s8, $0xFFFFF086  }
0x1c: {  	p1 =	slt.u32 s9, $0xF7A;
	s5 =	simm.s32 @!p2 $0x0  }
0x1d: {  	s5 =	simm.s32 @p1 $0x1;
	p0 =	seq.s32 s7, s2  }
0x1e: {  	s7 =	smul.u32 @!p0 $0xF7A, s2;
	p2 =	seq.s32 @!p0 s5, $0x0  }
0x1f: {  	s9 =	smul.u32 $0xF7A, s1;
	s8 =	simm.s32 @!p0 $0x1BF5;
	p2 =	por !p2, p0  }
0x20: {  	[sflag:s8] =	ssyncset.s32 @!p0 $0xFFFFF086;
	s6 =	sadd.s32 @!p0 s3, s7;
	s7 =	simm.s32 @!p0 $0x108  }
0x21: {  	s3 =	sadd.s32 s3, s9;
	s6 =	sadd.s32 @!p0 $0x88, s6;
	s7 =	simm.s32 @p2 $0x1082  }
0x22: {  	[simem:s7], [sflag:s8] =	dma.local @!p0 [hbm:s6], $0xF7A  }
0x23: {  	s9 =	sor.u32 $0xD0000000, s2;
	s6 =	simm.s32 $0x108;
	_ =	swait.ge @!p0 [sflag:s8], $0x0  }
0x24: {  	s3 =	sadd.s32 $0x88, s3;
	s6 =	simm.s32 @!p1 $0x1082;
	[sflag:s4] =	ssyncset.s32 $0xFFFFF086  }
0x25: {  	[simem:s6], [sflag:s4] =	dma.local [hbm:s3], $0xF7A  }
0x26: {  	[smem:$0x3F9B] =	sst s1;
	(tag) =	ssettag s2;
	_ =	strace s9  }
0x27: {  	s1 =	sld [smem:$0x3FAB]  }
0x28: {  	s2 =	sld [smem:$0x3FAC]  }
0x29: {  	s4 =	sld [smem:$0x3FAE]  }
0x2a: {  	p0 =	seq.s32 s5, $0x0;
	s5 =	sld [smem:$0x3FAF]  }
0x2b: {  	s6 =	sld [smem:$0x3FB0]  }
0x2c: {  	s7 =	sld [smem:$0x3FB1]  }
0x2d: {  	s3 =	simm.s32 $0x108;
	s8 =	sld [smem:$0x3FB2]  }
0x2e: {  	s3 =	simm.s32 @!p0 $0x1082;
	s9 =	sld [smem:$0x3FB3]  }
0x2f: {  	lr =	sadd.s32 s0, s3;
	s0 =	sld [smem:$0x3FAA]  }
0x30: {  	s3 =	sld [smem:$0x3FAD]  }
0x31: {  	[smem:$0x3FB6] =	sst s10  }
0x32: {  	s10 =	sld [smem:$0x3FB4];
	_ =	sdelay $0x3  }
0x33: {  	p0 =	seq.s32 s10, $0x1;
	s10 =	sld [smem:$0x3FB6];
	_ =	sdelay $0x3  }
0x34: {  	[smem:$0x3FB6] =	sst s10  }
0x35: {  	s10 =	sld [smem:$0x3FB5];
	_ =	sdelay $0x3  }
0x36: {  	p1 =	seq.s32 s10, $0x1;
	s10 =	sld [smem:$0x3FB6];
	_ =	sdelay $0x3  }
0x37: {  	[smem:$0x3FB6] =	sst s10  }
0x38: {  	s10 =	sld [smem:$0x3FB7]  }
0x39: {  	_ = 	snop;
	(pc) =	sbr.ind lr, $3  }
0x3a: {  	_ = 	snop  }
0x3b: {  	_ = 	snop  }
0x3c: {  	p2 =	seq.s32 s10, $0x1;
	s10 =	sld [smem:$0x3FB6]  }
0x3d: {  	_ =	shalt  }
0x3e: {  	_ =	shalt  }
0x3f: {  	_ =	shalt  }
0x40: {  	_ =	shalt  }
0x41: {  	_ =	shalt  }
0x42: {  	_ =	shalt  }
0x43: {  	_ =	shalt  }
0x44: {  	_ =	shalt  }
0x45: {  	_ =	shalt  }
0x46: {  	_ =	shalt  }
0x47: {  	_ =	shalt  }
0x48: {  	_ =	shalt  }
0x49: {  	_ =	shalt  }
0x4a: {  	_ =	shalt  }
0x4b: {  	_ =	shalt  }
0x4c: {  	_ =	shalt  }
0x4d: {  	_ =	shalt  }
0x4e: {  	_ =	shalt  }
0x4f: {  	_ =	shalt  }
0x50: {  	_ =	shalt  }
0x51: {  	_ =	shalt  }
0x52: {  	_ =	shalt  }
0x53: {  	_ =	shalt  }
0x54: {  	_ =	shalt  }
0x55: {  	_ =	shalt  }
0x56: {  	_ =	shalt  }
0x57: {  	_ =	shalt  }
0x58: {  	_ =	shalt  }
0x59: {  	_ =	shalt  }
0x5a: {  	_ =	shalt  }
0x5b: {  	_ =	shalt  }
0x5c: {  	_ =	shalt  }
0x5d: {  	_ =	shalt  }
0x5e: {  	_ =	shalt  }
0x5f: {  	_ =	shalt  }
0x60: {  	_ =	shalt  }
0x61: {  	_ =	shalt  }
0x62: {  	_ =	shalt  }
0x63: {  	_ =	shalt  }
0x64: {  	_ =	shalt  }
0x65: {  	_ =	shalt  }
0x66: {  	_ =	shalt  }
0x67: {  	_ =	shalt  }
0x68: {  	_ =	shalt  }
0x69: {  	_ =	shalt  }
0x6a: {  	_ =	shalt  }
0x6b: {  	_ =	shalt  }
0x6c: {  	_ =	shalt  }
0x6d: {  	_ =	shalt  }
0x6e: {  	_ =	shalt  }
0x6f: {  	_ =	shalt  }
0x70: {  	_ =	shalt  }
0x71: {  	_ =	shalt  }
0x72: {  	_ =	shalt  }
0x73: {  	_ =	shalt  }
0x74: {  	_ =	shalt  }
0x75: {  	_ =	shalt  }
0x76: {  	_ =	shalt  }
0x77: {  	_ =	shalt  }
0x78: {  	_ =	shalt  }
0x79: {  	_ =	shalt  }
0x7a: {  	_ =	shalt  }
0x7b: {  	_ =	shalt  }
0x7c: {  	_ =	shalt  }
0x7d: {  	_ =	shalt  }
0x7e: {  	_ =	shalt  }
0x7f: {  	_ =	shalt  }
0x80: {  	_ =	shalt  }
0x81: {  	_ =	shalt  }
0x82: {  	_ =	shalt  }
0x83: {  	_ =	shalt  }
0x84: {  	_ =	shalt  }
0x85: {  	_ =	shalt  }
0x86: {  	_ =	shalt  }
0x87: {  	_ =	shalt  }
.Lfunc_end0:
.L_simem_size_0:
called_computation_lowered:
.L_overlay_start_0:
0x88: {  	s2 =	sld [smem:$0x3FD9]  }
0x89: {  	s3 =	sld [smem:$0x3FFE];
	_ =	sdelay $0x1  }
0x8a: {  	s1 =	srdreg.scid  }
0x8b: {  	s0 =	sand.u32 $0x1, s1  }
0x8c: {  	s17 =	sshll.u32 s0, $0xA;
	s2 =	sadd.s32 s3, s2  }
0x8d: {  	s2 =	sadd.s32 s2, s17  }
0x8e: {  	[smem:$0x3FC2] =	sst s2  }
0x8f: {  	_ = 	snop  }
0x90: {  	s2 =	sld [smem:$0x3FD0];
	(tm) =	ssettm $0x1  }
0x91: {  	s18 =	sld [smem:$0x3FFB];
	_ =	sdelay $0x3  }
0x92: {  	_ =	strace s18  }
0x93: {  	s3 =	sld [smem:$0x3FFC];
	_ =	sdelay $0x3  }
0x94: {  	_ =	strace s3  }
0x95: {  	s3 =	sld [smem:$0x3FFD];
	_ =	sdelay $0x3  }
0x96: {  	_ =	strace s3  }
0x97: {  	_ =	strace $0x8FFFFFFF  }
0x98: {  	s19 =	sld [smem:$0x3FDB];
	_ =	sdelay $0x1  }
0x99: {  	s4 =	simm.s32 $_scs_section_size  }
0x9a: {  	s5 =	simm.s32 $_size__tile_overlayer_lowered;
	s6 =	simm.s32 $_tile_overlayer_lowered  }
0x9b: {  	s22 =	simm.s32 $0x1BFF;
	s21 =	sshll.u32 s6, $0x1;
	s3 =	sadd.s32 s4, s19  }
0x9c: {  	s7 =	simm.s32 $0x0;
	s20 =	sshll.u32 s5, $0x1;
	s5 =	sadd.s32 s21, s3  }
0x9d: {  	[timem:s7], [sflag:s22] =	dma.local [hbm:s5], s20  }
0x9e: {  	_ =	swait.ge [sflag:s22], s20  }
0x9f: {  	s4 =	ssub.s32 $0x0, s20;
	[sflag:s22] =	ssyncset.done $0x0  }
0xa0: {  	[sflag:s22] =	ssyncadd.s32 s4;
	_ =	sdelay $0x1  }
0xa1: {  	s23 =	simm.s32 $0x1B8B  }
0xa2: {  	_ =	swait.ge [sflag:s23], $0x1  }
0xa3: {  	[sflag:s23] =	ssyncset.done $0x0  }
0xa4: {  	s25 =	simm.s32 $0x1B8E;
	s24 =	sld [smem:$0x3FFE];
	[sflag:s23] =	ssyncadd.s32 $0xFFFFFFFF  }
0xa5: {  	s26 =	simm.s32 $execute0_lowered;
	[smem:$0x3FD2] =	sst s25  }
0xa6: {  	s5 =	sshll.u32 s26, $0x1;
	_ =	strace $0x80000046;
	[dreg:$0x1] =	wrdreg $0xFFFFFFFF  }
0xa7: {  	s28 =	simm.s32 $_size_execute0_lowered;
	s3 =	sadd.s32 s3, s5;
	[dreg:$0x0] =	wrdreg $0x0  }
0xa8: {  	s5 =	sshll.u32 s28, $0x1;
	[dreg:$0x2] =	wrdreg s3  }
0xa9: {  	[dreg:$0x3] =	wrdreg s5  }
0xaa: {  	[dreg:$0x4] =	wrdreg $0xC0  }
0xab: {  	_ =	task [dreg:s7], $0x5FFFF  }
0xac: {  	[dreg:$0x1] =	wrdreg $0xFFFFFFFF  }
0xad: {  	[dreg:$0x0] =	wrdreg $0x60  }
0xae: {  	[dreg:$0x2] =	wrdreg s2  }
0xaf: {  	[dreg:$0x3] =	wrdreg s24  }
0xb0: {  	[dreg:$0x4] =	wrdreg $0x7A800  }
0xb1: {  	[dreg:$0x5] =	wrdreg $0x9  }
0xb2: {  	_ =	task.clear_ibuf [dreg:s7], $0x6FFFF;
	_ =	strace $0x90000046  }
0xb3: {  	s29 =	simm.s32 $0x9;
	_ =	strace $0x80000048  }
0xb4: {  	_ =	swait.ge [sflag:s29], $0x1  }
0xb5: {  	[sflag:s29] =	ssyncadd.s32 $0xFFFFFFFF  }
0xb6: {  	_ =	strace $0x90000048  }
0xb7: {  	_ =	sfence  }
0xb8: {  	s30 =	sld [smem:$0x0];
	_ =	sdelay $0x2  }
0xb9: {  	s31 =	sshll.u32 s1, $0xD;
	s1 =	sshrl.u32 s1, $0x2  }
0xba: {  	s3 =	sand.u32 $0x4000, s31;
	s1 =	sadd.s32 s1, s30  }
0xbb: {  	s0 =	sor.u32 s3, s0;
	s1 =	sshll.u32 s1, $0x11  }
0xbc: {  	s0 =	sor.u32 s1, s0  }
0xbd: {  	s0 =	sadd.s32 $0x8F2B, s0  }
0xbe: {  	[sflag:s0] =	ssyncadd.remote.s32 $0x1  }
0xbf: {  	_ =	sfence.sel $0xFFFF  }
0xc0: {  	[dreg:$0x0] =	wrdreg $0xFFFFFFFF;
	(pc) =	sbr.abs _section_cstart, $3  }
0xc1: {  	[dreg:$0x1] =	wrdreg $0xFFFFFFFF  }
0xc2: {  	_ =	task.clear_ibuf [dreg:s7], $0x2FFFF;
	_ =	strace $0x9FFFFFFF  }
0xc3: {  	(tm) =	ssettm $0x7FFFFFFF  }
tec
execute0_lowered:
.L_overlay_start_1:
0x0: {  	(tag) =	ssettag $0x1  }
0x1: {  	s3 =	rddreg [dreg:$0x0]  }
0x2: {  	s4 =	rddreg [dreg:$0x1]  }
0x3: {  	s5 =	rddreg [dreg:$0x2]  }
0x4: {  	s0 =	rddreg [dreg:$0x3];
	s6 =	srdreg.scid  }
0x5: {  	s1 =	stileid.u32;
	s2 =	simm.s32 $0x0;
	s13 =	simm.s32 $0x14000  }
0x6: {  	s14 =	simm.s32 $0x5000;
	s15 =	simm.s32 $0x100;
	s16 =	simm.s32 $0x7800  }
0x7: {  	s6 =	sand.u32 $0x1, s6;
	s7 =	smul.u32 $0x500, s1;
	[smem:$0x7FF] =	sst s2  }
0x8: {  	s9 =	sshrl.u32 s1, $0x2;
	s10 =	sshll.u32 s1, $0x8;
	s11 =	sshrl.u32 s1, $0x3  }
0x9: {  	s28 =	sshll.u32 s1, $0x7;
	s30 =	smul.u32 $0x5000, s1;
	s8 =	sshll.u32 s6, $0x7  }
0xa: {  	_ =	strace $0x80000047;
	s9 =	smul.u32 $0x14000, s9;
	s6 =	ssub.s32 $0x2, s6  }
0xb: {  	s10 =	sand.u32 $0x300, s10;
	s24 =	smul.u32 $0x50000, s11;
	s11 =	simm.s32 $0x2800  }
0xc: {  	s7 =	sor.u32 s8, s7;
	s12 =	sshrl.u32 s6, $0x1;
	s31 =	sshrl.u32 s30, $0x2  }
0xd: {  	s7 =	sshrl.u32 s7, $0x3;
	s9 =	sor.u32 s9, s10;
	s25 =	ssub.s32 s6, s12  }
0xe: {  	s29 =	sshrl.u32 s24, $0x2;
	s6 =	sand.u32 $0x380, s28;
	s10 =	simm.s32 $0x1  }
0xf: {  	s12 =	simm.s32 $0x1400;
	s7 =	sadd.s32 s7, s4;
	s26 =	sor.u32 s8, s9  }
0x10: {  	s8 =	sadd.s32 s29, s5;
	s5 =	sadd.s32 s31, s5;
	s4 =	sshrl.u32 s26, $0x3  }
0x11: {  	s9 =	simm.s32 $0x400;
	s3 =	sadd.s32 s3, s4;
	s4 =	sadd.s32 s6, s8  }
0x12: {  	v0 =	vimm.f32 $0.0e+00;
	v1 =	vimm.f32 $1.000000000e+00;
	s6 =	sadd.s32 $0xB600, s7;
	s7 =	smax.u32 s25, $0x1;
	s8 =	simm.s32 $0x80  }
.LBB2_1:
0x13: {  	s17 =	simm.s32 $0x40;
	s18 =	simm.s32 $0x0  }
.LBB2_2:
0x14: {  	p0 =	sne.s32 s17, $0x9FC0;
	[tilespmem:s18+$0x2800] =	vst v0;
	s18 =	smov.u32 s17;
	s17 =	sadd.s32 $0x40, s17  }
.Ltmp0:
0x15: {  	(pc) =	sbr.rel @p0 .LBB2_2-.Ltmp0, $2  }
0x16: {  	_ =	sdelay $0x2  }
0x17: {  	s18 =	sshra.s32 s18, $0x2  }
0x18: {  	[tilespmem:s18+$0x2800] =	vst v0;
	s17 =	simm.s32 $0x0  }
0x19: {  	[tilespmem:s17], [sflag:$0x1] =	stream.strided.gather [hbm4b:s3+s8], $0x2800, s9, s8, $0x38;
	[tilespmem:$0xA280] =	vst v63  }
0x1a: {  	_ =	swait.ge [sflag:s10], $0x2800  }
0x1b: {  	[sflag:s10] =	ssyncset.done $0x0  }
0x1c: {  	s18 =	simm.s32 $0x0;
	s17 =	simm.s32 $0x40;
	[sflag:s10] =	ssyncadd.s32 $0xFFFFD800  }
.LBB2_4:
0x1d: {  	p0 =	sne.s32 s17, $0x9FC0;
	v2 =	vld [tilespmem:s18+$0x0];
	_ =	sdelay $0x3  }
.Ltmp1:
0x1e: {  	(pc) =	sbr.rel @p0 .LBB2_4-.Ltmp1, $2  }
0x1f: {  	_ =	sdelay $0x2  }
0x20: {  	s18 =	sshra.s32 s17, $0x2;
	s17 =	sadd.s32 $0x40, s17;
	[tilespmem:v2+s11+$0x0] =	vst.idx.add.f32.msk $0xffff, v1  }
0x21: {  	v2 =	vld [tilespmem:s18+$0x0];
	_ =	sdelay $0x7  }
0x22: {  	[tilespmem:v2+s11+$0x0] =	vst.idx.add.f32.msk $0xffff, v1  }
0x23: {  	[spmem:s4] =	stream.strided.scatter [tilespmem:s11], [sflag:$0x1], $0x2800, s9, s8, $0x38;
	[tilespmem:$0xA280] =	vst v63  }
0x24: {  	_ =	swait.ge [sflag:s10], $0x2800  }
0x25: {  	[sflag:s10] =	ssyncset.done $0x0  }
0x26: {  	[sflag:s10] =	ssyncadd.s32 $0xFFFFD800  }
0x27: {  	[bflag:$0x0] =	sbarrier.arrive $0xFFFF  }
0x28: {  	[tilespmem:s14], [sflag:$0x1] =	stream.strided.gather [spmem:s5], $0x2800, s13, s12, $0x38;
	[tilespmem:$0xA280] =	vst v63  }
0x29: {  	s17 =	simm.s32 $0x0;
	_ =	swait.ge [sflag:s10], $0x2800  }
0x2a: {  	s31 =	sand.u32 $0x70, s17;
	s17 =	sand.u32 $0x1C00, s17;
	[sflag:s10] =	ssyncset.done $0x0  }
0x2b: {  	s17 =	sor.u32 s31, s17;
	[sflag:s10] =	ssyncadd.s32 $0xFFFFD800  }
0x2c: {  	v2 =	vld [tilespmem:s17+$0x5000];
	_ =	sdelay $0x1  }
0x2d: {  	v3 =	vld [tilespmem:s17+$0x5080];
	_ =	sdelay $0x1  }
0x2e: {  	v4 =	vld [tilespmem:s17+$0x5100]  }
0x2f: {  	v2 =	vadd.f32 $0.0e+00, v2  }
0x30: {  	v5 =	vld [tilespmem:s17+$0x5180]  }
0x31: {  	v2 =	vadd.f32 v3, v2  }
0x32: {  	v3 =	vld [tilespmem:s17+$0x5200]  }
0x33: {  	v2 =	vadd.f32 v4, v2  }
0x34: {  	v56 =	vld [tilespmem:s17+$0x5280]  }
0x35: {  	v2 =	vadd.f32 v5, v2  }
0x36: {  	v57 =	vld [tilespmem:s17+$0x5300]  }
0x37: {  	v2 =	vadd.f32 v3, v2  }
0x38: {  	v3 =	vld [tilespmem:s17+$0x5380]  }
0x39: {  	v2 =	vadd.f32 v56, v2  }
0x3a: {  	v58 =	vld [tilespmem:s17+$0x6400]  }
0x3b: {  	v2 =	vadd.f32 v57, v2  }
0x3c: {  	v59 =	vld [tilespmem:s17+$0x6480]  }
0x3d: {  	v2 =	vadd.f32 v3, v2  }
0x3e: {  	v3 =	vld [tilespmem:s17+$0x6500]  }
0x3f: {  	v2 =	vadd.f32 v58, v2  }
0x40: {  	v60 =	vld [tilespmem:s17+$0x6580]  }
0x41: {  	v2 =	vadd.f32 v59, v2  }
0x42: {  	v61 =	vld [tilespmem:s17+$0x6600]  }
0x43: {  	v2 =	vadd.f32 v3, v2  }
0x44: {  	v3 =	vld [tilespmem:s17+$0x6680]  }
0x45: {  	v2 =	vadd.f32 v60, v2  }
0x46: {  	v62 =	vld [tilespmem:s17+$0x6700]  }
0x47: {  	v2 =	vadd.f32 v61, v2  }
0x48: {  	v63 =	vld [tilespmem:s17+$0x6780]  }
0x49: {  	v2 =	vadd.f32 v3, v2;
	_ =	sdelay $0x1  }
0x4a: {  	v2 =	vadd.f32 v62, v2  }
0x4b: {  	s19 =	simm.s32 $0x10  }
0x4c: {  	s18 =	simm.s32 $0x80;
	s20 =	sand.u32 $0x70, s19;
	v2 =	vadd.f32 v63, v2  }
0x4d: {  	s21 =	sand.u32 $0x1C00, s18;
	s19 =	simm.s32 $0x20;
	s17 =	simm.s32 $0x7800  }
.LBB2_6:
0x4e: {  	p0 =	sne.s32 s19, $0x270;
	s20 =	sor.u32 s20, s21;
	[tilespmem:s17+$0x0] =	vst v2  }
0x4f: {  	v2 =	vld [tilespmem:s20+$0x5000];
	_ =	sdelay $0x1  }
0x50: {  	v3 =	vld [tilespmem:s20+$0x5080];
	_ =	sdelay $0x1  }
0x51: {  	v4 =	vld [tilespmem:s20+$0x5100]  }
0x52: {  	v2 =	vadd.f32 $0.0e+00, v2  }
0x53: {  	v5 =	vld [tilespmem:s20+$0x5180]  }
0x54: {  	v2 =	vadd.f32 v3, v2  }
0x55: {  	v3 =	vld [tilespmem:s20+$0x5200]  }
0x56: {  	v2 =	vadd.f32 v4, v2  }
0x57: {  	v4 =	vld [tilespmem:s20+$0x5280]  }
0x58: {  	v2 =	vadd.f32 v5, v2  }
0x59: {  	v5 =	vld [tilespmem:s20+$0x5300]  }
0x5a: {  	v2 =	vadd.f32 v3, v2  }
0x5b: {  	v3 =	vld [tilespmem:s20+$0x5380]  }
0x5c: {  	v2 =	vadd.f32 v4, v2  }
0x5d: {  	v4 =	vld [tilespmem:s20+$0x6400]  }
0x5e: {  	v2 =	vadd.f32 v5, v2  }
0x5f: {  	v5 =	vld [tilespmem:s20+$0x6480]  }
0x60: {  	v2 =	vadd.f32 v3, v2  }
0x61: {  	v3 =	vld [tilespmem:s20+$0x6500]  }
0x62: {  	v2 =	vadd.f32 v4, v2  }
0x63: {  	v4 =	vld [tilespmem:s20+$0x6580]  }
0x64: {  	v2 =	vadd.f32 v5, v2  }
0x65: {  	v5 =	vld [tilespmem:s20+$0x6600]  }
0x66: {  	v2 =	vadd.f32 v3, v2  }
0x67: {  	v3 =	vld [tilespmem:s20+$0x6680]  }
0x68: {  	v2 =	vadd.f32 v4, v2  }
0x69: {  	v4 =	vld [tilespmem:s20+$0x6700]  }
0x6a: {  	v2 =	vadd.f32 v5, v2  }
0x6b: {  	v5 =	vld [tilespmem:s20+$0x6780]  }
0x6c: {  	v2 =	vadd.f32 v3, v2  }
.Ltmp2:
0x6d: {  	(pc) =	sbr.rel @p0 .LBB2_6-.Ltmp2, $3  }
0x6e: {  	v2 =	vadd.f32 v4, v2;
	_ =	sdelay $0x1  }
0x6f: {  	s18 =	sadd.s32 $0x80, s18;
	s17 =	sadd.s32 $0x10, s17;
	v2 =	vadd.f32 v5, v2  }
0x70: {  	s21 =	sand.u32 $0x1C00, s18;
	s20 =	sand.u32 $0x70, s19;
	s19 =	sadd.s32 $0x10, s19  }
0x71: {  	s18 =	sor.u32 s20, s21;
	[tilespmem:s17+$0x0] =	vst v2  }
0x72: {  	v2 =	vld [tilespmem:s18+$0x5000];
	_ =	sdelay $0x1  }
0x73: {  	v3 =	vld [tilespmem:s18+$0x5080];
	_ =	sdelay $0x1  }
0x74: {  	v4 =	vld [tilespmem:s18+$0x5100]  }
0x75: {  	v2 =	vadd.f32 $0.0e+00, v2  }
0x76: {  	v5 =	vld [tilespmem:s18+$0x5180]  }
0x77: {  	v2 =	vadd.f32 v3, v2  }
0x78: {  	v3 =	vld [tilespmem:s18+$0x5200]  }
0x79: {  	v2 =	vadd.f32 v4, v2  }
0x7a: {  	v56 =	vld [tilespmem:s18+$0x5280]  }
0x7b: {  	v2 =	vadd.f32 v5, v2  }
0x7c: {  	v57 =	vld [tilespmem:s18+$0x5300]  }
0x7d: {  	v2 =	vadd.f32 v3, v2  }
0x7e: {  	v3 =	vld [tilespmem:s18+$0x5380]  }
0x7f: {  	v2 =	vadd.f32 v56, v2  }
0x80: {  	v58 =	vld [tilespmem:s18+$0x6400]  }
0x81: {  	v2 =	vadd.f32 v57, v2  }
0x82: {  	v59 =	vld [tilespmem:s18+$0x6480]  }
0x83: {  	v2 =	vadd.f32 v3, v2  }
0x84: {  	v3 =	vld [tilespmem:s18+$0x6500]  }
0x85: {  	v2 =	vadd.f32 v58, v2  }
0x86: {  	v60 =	vld [tilespmem:s18+$0x6580]  }
0x87: {  	v2 =	vadd.f32 v59, v2  }
0x88: {  	v61 =	vld [tilespmem:s18+$0x6600]  }
0x89: {  	v2 =	vadd.f32 v3, v2  }
0x8a: {  	v3 =	vld [tilespmem:s18+$0x6680]  }
0x8b: {  	v2 =	vadd.f32 v60, v2  }
0x8c: {  	v62 =	vld [tilespmem:s18+$0x6700]  }
0x8d: {  	v2 =	vadd.f32 v61, v2  }
0x8e: {  	v63 =	vld [tilespmem:s18+$0x6780]  }
0x8f: {  	v2 =	vadd.f32 v3, v2;
	_ =	sdelay $0x1  }
0x90: {  	v2 =	vadd.f32 v62, v2;
	_ =	sdelay $0x1  }
0x91: {  	s2 =	sadd.s32 $0x1, s2;
	v2 =	vadd.f32 v63, v2  }
0x92: {  	s31 =	sadd.s32 $0x10, s17;
	p0 =	sne.s32 s2, s7  }
.Ltmp3:
0x93: {  	[tilespmem:s31+$0x0] =	vst v2;
	(pc) =	sbr.rel @p0 .LBB2_1-.Ltmp3, $4  }
0x94: {  	[hbm4b:s6+s8] =	stream.strided.scatter [tilespmem:s16], [sflag:$0x1], $0x280, s15, s8, $0x38;
	[tilespmem:$0xA280] =	vst v63  }
0x95: {  	_ =	swait.ge [sflag:s10], $0x280  }
0x96: {  	[sflag:s10] =	ssyncset.done $0x0  }
0x97: {  	[sflag:s10] =	ssyncadd.s32 $0xFFFFFD80  }
0x98: {  	_ =	sfence.sel $0x180000  }
0x99: {  	[bflag:$0x0] =	sbarrier.arrive $0xFFFF  }
0x9a: {  	p0 =	sne.s32 s1, $0x0;
	_ =	strace $0x90000047  }
0x9b: {  	s0 =	sadd.s32 @!p0 $0x100000, s0;
	[bflag:$0x2] =	sbarrier.arrive $0xFFFF  }
0x9c: {  	[sflag:s0] =	ssyncadd.tile.s32 @!p0 $0x1;
	_ =	shalt  }
.Lfunc_end2:
_tile_overlayer_lowered:
.L_overlay_start_2:
0x9d: {  	(tag) =	ssettag $0x2  }
0x9e: {  	s0 =	rddreg [dreg:$0x0];
	s2 =	stileid.u32  }
0x9f: {  	s1 =	rddreg [dreg:$0x1];
	p0 =	sne.s32 s2, $0x0  }
0xa0: {  	s3 =	rddreg [dreg:$0x2];
	[bflag:$0x3] =	sbarrier.arrive $0xFFFF;
	s2 =	simm.s32 @!p0 $0x1C01  }
0xa1: {  	[timem:s3], [sflag:s2] =	dma.local @!p0 [hbm:s0], s1  }
0xa2: {  	s0 =	simm.s32 @!p0 $0x1  }
0xa3: {  	_ =	swait.ge @!p0 [sflag:s0], s1  }
0xa4: {  	s1 =	ssub.s32 @!p0 $0x0, s1;
	[sflag:s0] =	ssyncset.done @!p0 $0x0  }
0xa5: {  	[sflag:s0] =	ssyncadd.s32 @!p0 s1  }
0xa6: {  	[bflag:$0x3] =	sbarrier.arrive $0xFFFF  }
0xa7: {  	_ =	shalt  }

</sc_bundles>
